<compile_context>
chip_gen: v7x
topology: tpu7x:2x2x1
jax: 0.10.2.dev20260603
libtpu: 0.0.44.dev20260713+nightly
codegen_flags: <defaults>
</compile_context>

<pallas_src>
import jax
import jax.numpy as jnp
from jax import lax
from jax.experimental import pallas as pl
from jax.experimental.pallas import tpu as pltpu
from jax.experimental.pallas import tpu_sc as plsc

BATCH = 16384
EMBED_DIM = 32
NUM_WORKERS = 32
B_PER_W = BATCH // NUM_WORKERS
LANES = 16

PAD_MINOR = 1000064
FLAT = EMBED_DIM * PAD_MINOR
M_PER_W = 244 * 128
TAIL_OFF = NUM_WORKERS * M_PER_W
TAIL = 1000000 - TAIL_OFF


def _detile_body(utab3, itab3, uflat, iflat, buf0, buf1, tbuf, rsem, wsem):
    wid = lax.axis_index("s") * 2 + lax.axis_index("c")
    m0 = wid * M_PER_W
    dummy = utab3.at[0, 0, pl.ds(0, M_PER_W)]

    def c_body(c, carry):
        @pl.when(c >= 1)
        def _():
            pltpu.make_async_copy(dummy, buf0, wsem).wait()
        pltpu.async_copy(utab3.at[0, c, pl.ds(m0, M_PER_W)], buf0, rsem).wait()
        pltpu.async_copy(buf0, uflat.at[pl.ds(c * PAD_MINOR + m0, M_PER_W)],
                         wsem)

        @pl.when(c >= 1)
        def _():
            pltpu.make_async_copy(dummy, buf1, wsem).wait()
        pltpu.async_copy(itab3.at[0, c, pl.ds(m0, M_PER_W)], buf1, rsem).wait()
        pltpu.async_copy(buf1, iflat.at[pl.ds(c * PAD_MINOR + m0, M_PER_W)],
                         wsem)
        return carry

    lax.fori_loop(0, EMBED_DIM, c_body, 0)
    pltpu.make_async_copy(dummy, buf0, wsem).wait()
    pltpu.make_async_copy(dummy, buf1, wsem).wait()

    @pl.when(wid == 0)
    def _():
        def t_body(c, carry):
            pltpu.sync_copy(utab3.at[0, c, pl.ds(TAIL_OFF, TAIL)], tbuf)
            pltpu.sync_copy(tbuf, uflat.at[pl.ds(c * PAD_MINOR + TAIL_OFF, TAIL)])
            pltpu.sync_copy(itab3.at[0, c, pl.ds(TAIL_OFF, TAIL)], tbuf)
            pltpu.sync_copy(tbuf, iflat.at[pl.ds(c * PAD_MINOR + TAIL_OFF, TAIL)])
            return carry
        lax.fori_loop(0, EMBED_DIM, t_body, 0)


def _score_body(uids_hbm, iids_hbm, uflat, iflat, out_hbm,
                uidx_v, iidx_v, u_v, i_v, out_v, sem):
    wid = lax.axis_index("s") * 2 + lax.axis_index("c")
    base = wid * B_PER_W

    pltpu.sync_copy(uids_hbm.at[pl.ds(base, B_PER_W)], uidx_v)
    pltpu.sync_copy(iids_hbm.at[pl.ds(base, B_PER_W)], iidx_v)

    def gather_body(g, carry):
        sl = pl.ds(g * LANES, LANES)
        uvec = uidx_v[sl]
        ivec = iidx_v[sl]
        for c in range(EMBED_DIM):
            off = jnp.int32(c * PAD_MINOR)
            pltpu.async_copy(uflat.at[uvec + off], u_v.at[c, sl], sem)
            pltpu.async_copy(iflat.at[ivec + off], i_v.at[c, sl], sem)
        return carry

    lax.fori_loop(0, B_PER_W // LANES, gather_body, 0)

    def drain_body(c, carry):
        pltpu.make_async_copy(
            uflat.at[pl.ds(0, B_PER_W)], u_v.at[c, :], sem).wait()
        pltpu.make_async_copy(
            iflat.at[pl.ds(0, B_PER_W)], i_v.at[c, :], sem).wait()
        return carry

    lax.fori_loop(0, EMBED_DIM, drain_body, 0)

    iota16 = lax.iota(jnp.int32, LANES)

    def group_body(g, carry):
        sl = pl.ds(g * LANES, LANES)
        acc = jnp.zeros((LANES,), jnp.float32)
        for c in range(EMBED_DIM):
            acc = acc + u_v[c, sl] * i_v[c, sl]
        e = jnp.exp(-jnp.abs(acc))
        num = jnp.where(acc >= 0, jnp.ones_like(acc), e)
        plsc.store_scatter(out_v, [g * LANES + iota16], num / (1.0 + e))
        return carry

    lax.fori_loop(0, B_PER_W // LANES, group_body, 0)

    pltpu.sync_copy(out_v, out_hbm.at[pl.ds(base, B_PER_W)])


@jax.jit
def kernel(user_ids, item_ids, user_table, item_table):
    uids = user_ids.astype(jnp.int32)
    iids = item_ids.astype(jnp.int32)
    utab3 = user_table.T[None]
    itab3 = item_table.T[None]

    mesh = plsc.VectorSubcoreMesh(core_axis_name="c", subcore_axis_name="s")

    detile = pl.kernel(
        _detile_body, mesh=mesh,
        out_type=(jax.ShapeDtypeStruct((FLAT,), jnp.float32),
                  jax.ShapeDtypeStruct((FLAT,), jnp.float32)),
        compiler_params=pltpu.CompilerParams(needs_layout_passes=False),
        scratch_types=[
            pltpu.VMEM((M_PER_W,), jnp.float32),
            pltpu.VMEM((M_PER_W,), jnp.float32),
            pltpu.VMEM((TAIL,), jnp.float32),
            pltpu.SemaphoreType.DMA,
            pltpu.SemaphoreType.DMA,
        ],
    )
    uflat, iflat = detile(utab3, itab3)

    score = pl.kernel(
        _score_body, mesh=mesh,
        out_type=jax.ShapeDtypeStruct((BATCH,), jnp.float32),
        compiler_params=pltpu.CompilerParams(
            use_tc_tiling_on_sc=False, needs_layout_passes=False),
        scratch_types=[
            pltpu.VMEM((B_PER_W,), jnp.int32),
            pltpu.VMEM((B_PER_W,), jnp.int32),
            pltpu.VMEM((EMBED_DIM, B_PER_W), jnp.float32),
            pltpu.VMEM((EMBED_DIM, B_PER_W), jnp.float32),
            pltpu.VMEM((B_PER_W,), jnp.float32),
            pltpu.SemaphoreType.DMA,
        ],
    )
    return score(uids, iids, uflat, iflat)

# --- scband reference (transcript-rebuilt; emitter-appended) ---
"""Pipeline reference for scband-matrix-factorization-34144990003859 (READ-ONLY COPY).

The authoritative reference and input builder live on the scoring server;
editing this copy changes nothing except your own understanding.
"""

import jax, jax.numpy as jnp
import numpy as np

NUM_USERS = 1000000
NUM_ITEMS = 1000000
EMBED_DIM = 32
BATCH = 16384

def setup_inputs(seed: int = 0) -> dict:
    key = jax.random.key(seed)
    k1, k2, k3, k4 = jax.random.split(key, 4)
    user_ids = jax.random.randint(k1, (BATCH,), 0, NUM_USERS, dtype=jnp.int64) if jax.config.jax_enable_x64 else jax.random.randint(k1, (BATCH,), 0, NUM_USERS, dtype=jnp.int32)
    item_ids = jax.random.randint(k2, (BATCH,), 0, NUM_ITEMS, dtype=jnp.int32)
    user_table = jax.random.normal(k3, (NUM_USERS, EMBED_DIM), dtype=jnp.float32)
    item_table = jax.random.normal(k4, (NUM_ITEMS, EMBED_DIM), dtype=jnp.float32)
    return {"user_ids": user_ids, "item_ids": item_ids, "user_table": user_table, "item_table": item_table}

def reference(user_ids, item_ids, user_table, item_table):
    user_vecs = jnp.take(user_table, user_ids, axis=0)
    item_vecs = jnp.take(item_table, item_ids, axis=0)
    scores = jnp.sum(user_vecs * item_vecs, axis=1)
    return jax.nn.sigmoid(scores)

if __name__ == "__main__":
    import jax
    _d = setup_inputs()
    print(jax.jit(kernel)(*tuple(_d.values())))

</pallas_src>

<mosaic_0001>
#map = affine_map<(d0, d1) -> (0, 0, 0)>
#map1 = affine_map<(d0, d1) -> (0)>
module attributes {stable_mosaic.version = 14 : i64} {
  func.func @_detile_body(%arg0: i32, %arg1: i32, %arg2: memref<1x32x1000000xf32, #tpu.memory_space<hbm>>, %arg3: memref<1x32x1000000xf32, #tpu.memory_space<hbm>>, %arg4: memref<32002048xf32, #tpu.memory_space<hbm>>, %arg5: memref<32002048xf32, #tpu.memory_space<hbm>>, %arg6: memref<31232xf32, #tpu.memory_space<vmem>>, %arg7: memref<31232xf32, #tpu.memory_space<vmem>>, %arg8: memref<576xf32, #tpu.memory_space<vmem>>, %arg9: memref<!tpu.dma_semaphore, #tpu.memory_space<semaphore_mem>>, %arg10: memref<!tpu.dma_semaphore, #tpu.memory_space<semaphore_mem>>) attributes {dimension_semantics = [#tpu.dimension_semantics<core_parallel>, #tpu.dimension_semantics<subcore_parallel>], iteration_bounds = array<i64: 2, 16>, scalar_prefetch = 0 : i64, scratch_operands = 5 : i64, tpu.core_type = #tpu.core_type<sc_vector_subcore>, window_params = [{transform_indices = #map}, {transform_indices = #map}, {transform_indices = #map1}, {transform_indices = #map1}]} {
    %mul3A = arith.constant 2 : i32
    %mul3A_0 = arith.muli %arg1, %mul3A : i32
    %add3A = arith.addi %mul3A_0, %arg0 : i32
    %mul3A_1 = arith.constant 31232 : i32
    %mul3A_2 = arith.muli %add3A, %mul3A_1 : i32
    %scan3A = arith.constant 0 : i32
    %scan3A_3 = arith.constant 0 : i32
    %scan3A_4 = arith.constant 0 : i32
    %scan3A_5 = arith.constant 0 : i32
    %scan3A_6 = arith.constant 32 : i32
    %scan3A_7 = arith.addi %scan3A_5, %scan3A_6 : i32
    %scan3A_8 = arith.constant 1 : i32
    scf.for %scan3A_27 = %scan3A_5 to %scan3A_7 step %scan3A_8  : i32 {
      %ge3A = arith.constant 1 : i32
      %ge3A_28 = arith.cmpi sge, %scan3A_27, %ge3A : i32
      %convert_element_type3A_29 = arith.extui %ge3A_28 : i1 to i32
      %cond3A_30 = arith.constant 0 : i32
      %cond3A_31 = arith.cmpi ne, %convert_element_type3A_29, %cond3A_30 : i32
      scf.if %cond3A_31 {
        %dma_wait3A_66 = arith.constant 0 : i32
        %dma_wait3A_67 = tpu.memref_slice %arg2[%scan3A_3, %scan3A_4, %dma_wait3A_66] : memref<1x32x1000000xf32, #tpu.memory_space<hbm>> -> memref<1x1x31232xf32, #tpu.memory_space<hbm>>
        %dma_wait3A_68 = tpu.memref_squeeze %dma_wait3A_67 : memref<1x1x31232xf32, #tpu.memory_space<hbm>> -> memref<31232xf32, #tpu.memory_space<hbm>>
        %dma_wait3A_69 = arith.constant 0 : i32
        %dma_wait3A_70 = tpu.memref_slice %arg2[%scan3A_3, %scan3A_4, %dma_wait3A_69] : memref<1x32x1000000xf32, #tpu.memory_space<hbm>> -> memref<1x1x31232xf32, #tpu.memory_space<hbm>>
        %dma_wait3A_71 = tpu.memref_squeeze %dma_wait3A_70 : memref<1x1x31232xf32, #tpu.memory_space<hbm>> -> memref<31232xf32, #tpu.memory_space<hbm>>
        tpu.wait_dma2 semaphore(%arg10 : memref<!tpu.dma_semaphore, #tpu.memory_space<semaphore_mem>>) src(%dma_wait3A_71 : memref<31232xf32, #tpu.memory_space<hbm>>) dst(%arg6 : memref<31232xf32, #tpu.memory_space<vmem>>)
      } else {
      }
      %dma_start3A = arith.constant 0 : i32
      %dma_start3A_32 = tpu.memref_slice %arg2[%dma_start3A, %scan3A_27, %mul3A_2] : memref<1x32x1000000xf32, #tpu.memory_space<hbm>> -> memref<1x1x31232xf32, #tpu.memory_space<hbm>>
      %dma_start3A_33 = tpu.memref_squeeze %dma_start3A_32 : memref<1x1x31232xf32, #tpu.memory_space<hbm>> -> memref<31232xf32, #tpu.memory_space<hbm>>
      %dma_start3A_34 = tpu.memref_slice %arg2[%dma_start3A, %scan3A_27, %mul3A_2] : memref<1x32x1000000xf32, #tpu.memory_space<hbm>> -> memref<1x1x31232xf32, #tpu.memory_space<hbm>>
      %dma_start3A_35 = tpu.memref_squeeze %dma_start3A_34 : memref<1x1x31232xf32, #tpu.memory_space<hbm>> -> memref<31232xf32, #tpu.memory_space<hbm>>
      tpu.enqueue_dma source(%dma_start3A_35 : memref<31232xf32, #tpu.memory_space<hbm>>) target(%arg6 : memref<31232xf32, #tpu.memory_space<vmem>>) target_semaphore(%arg9 : memref<!tpu.dma_semaphore, #tpu.memory_space<semaphore_mem>>)
      %dma_wait3A_36 = arith.constant 0 : i32
      %dma_wait3A_37 = tpu.memref_slice %arg2[%dma_wait3A_36, %scan3A_27, %mul3A_2] : memref<1x32x1000000xf32, #tpu.memory_space<hbm>> -> memref<1x1x31232xf32, #tpu.memory_space<hbm>>
      %dma_wait3A_38 = tpu.memref_squeeze %dma_wait3A_37 : memref<1x1x31232xf32, #tpu.memory_space<hbm>> -> memref<31232xf32, #tpu.memory_space<hbm>>
      %dma_wait3A_39 = tpu.memref_slice %arg2[%dma_wait3A_36, %scan3A_27, %mul3A_2] : memref<1x32x1000000xf32, #tpu.memory_space<hbm>> -> memref<1x1x31232xf32, #tpu.memory_space<hbm>>
      %dma_wait3A_40 = tpu.memref_squeeze %dma_wait3A_39 : memref<1x1x31232xf32, #tpu.memory_space<hbm>> -> memref<31232xf32, #tpu.memory_space<hbm>>
      tpu.wait_dma2 semaphore(%arg9 : memref<!tpu.dma_semaphore, #tpu.memory_space<semaphore_mem>>) src(%dma_wait3A_40 : memref<31232xf32, #tpu.memory_space<hbm>>) dst(%arg6 : memref<31232xf32, #tpu.memory_space<vmem>>)
      %mul3A_41 = arith.constant 1000064 : i32
      %mul3A_42 = arith.muli %scan3A_27, %mul3A_41 : i32
      %add3A_43 = arith.addi %mul3A_42, %mul3A_2 : i32
      %dma_start3A_44 = tpu.memref_slice %arg4[%add3A_43] : memref<32002048xf32, #tpu.memory_space<hbm>> -> memref<31232xf32, #tpu.memory_space<hbm>>
      %dma_start3A_45 = tpu.memref_slice %arg4[%add3A_43] : memref<32002048xf32, #tpu.memory_space<hbm>> -> memref<31232xf32, #tpu.memory_space<hbm>>
      tpu.enqueue_dma source(%arg6 : memref<31232xf32, #tpu.memory_space<vmem>>) target(%dma_start3A_45 : memref<31232xf32, #tpu.memory_space<hbm>>) target_semaphore(%arg10 : memref<!tpu.dma_semaphore, #tpu.memory_space<semaphore_mem>>)
      %ge3A_46 = arith.constant 1 : i32
      %ge3A_47 = arith.cmpi sge, %scan3A_27, %ge3A_46 : i32
      %convert_element_type3A_48 = arith.extui %ge3A_47 : i1 to i32
      %cond3A_49 = arith.constant 0 : i32
      %cond3A_50 = arith.cmpi ne, %convert_element_type3A_48, %cond3A_49 : i32
      scf.if %cond3A_50 {
        %dma_wait3A_66 = arith.constant 0 : i32
        %dma_wait3A_67 = tpu.memref_slice %arg2[%scan3A_3, %scan3A_4, %dma_wait3A_66] : memref<1x32x1000000xf32, #tpu.memory_space<hbm>> -> memref<1x1x31232xf32, #tpu.memory_space<hbm>>
        %dma_wait3A_68 = tpu.memref_squeeze %dma_wait3A_67 : memref<1x1x31232xf32, #tpu.memory_space<hbm>> -> memref<31232xf32, #tpu.memory_space<hbm>>
        %dma_wait3A_69 = arith.constant 0 : i32
        %dma_wait3A_70 = tpu.memref_slice %arg2[%scan3A_3, %scan3A_4, %dma_wait3A_69] : memref<1x32x1000000xf32, #tpu.memory_space<hbm>> -> memref<1x1x31232xf32, #tpu.memory_space<hbm>>
        %dma_wait3A_71 = tpu.memref_squeeze %dma_wait3A_70 : memref<1x1x31232xf32, #tpu.memory_space<hbm>> -> memref<31232xf32, #tpu.memory_space<hbm>>
        tpu.wait_dma2 semaphore(%arg10 : memref<!tpu.dma_semaphore, #tpu.memory_space<semaphore_mem>>) src(%dma_wait3A_71 : memref<31232xf32, #tpu.memory_space<hbm>>) dst(%arg7 : memref<31232xf32, #tpu.memory_space<vmem>>)
      } else {
      }
      %dma_start3A_51 = arith.constant 0 : i32
      %dma_start3A_52 = tpu.memref_slice %arg3[%dma_start3A_51, %scan3A_27, %mul3A_2] : memref<1x32x1000000xf32, #tpu.memory_space<hbm>> -> memref<1x1x31232xf32, #tpu.memory_space<hbm>>
      %dma_start3A_53 = tpu.memref_squeeze %dma_start3A_52 : memref<1x1x31232xf32, #tpu.memory_space<hbm>> -> memref<31232xf32, #tpu.memory_space<hbm>>
      %dma_start3A_54 = tpu.memref_slice %arg3[%dma_start3A_51, %scan3A_27, %mul3A_2] : memref<1x32x1000000xf32, #tpu.memory_space<hbm>> -> memref<1x1x31232xf32, #tpu.memory_space<hbm>>
      %dma_start3A_55 = tpu.memref_squeeze %dma_start3A_54 : memref<1x1x31232xf32, #tpu.memory_space<hbm>> -> memref<31232xf32, #tpu.memory_space<hbm>>
      tpu.enqueue_dma source(%dma_start3A_55 : memref<31232xf32, #tpu.memory_space<hbm>>) target(%arg7 : memref<31232xf32, #tpu.memory_space<vmem>>) target_semaphore(%arg9 : memref<!tpu.dma_semaphore, #tpu.memory_space<semaphore_mem>>)
      %dma_wait3A_56 = arith.constant 0 : i32
      %dma_wait3A_57 = tpu.memref_slice %arg3[%dma_wait3A_56, %scan3A_27, %mul3A_2] : memref<1x32x1000000xf32, #tpu.memory_space<hbm>> -> memref<1x1x31232xf32, #tpu.memory_space<hbm>>
      %dma_wait3A_58 = tpu.memref_squeeze %dma_wait3A_57 : memref<1x1x31232xf32, #tpu.memory_space<hbm>> -> memref<31232xf32, #tpu.memory_space<hbm>>
      %dma_wait3A_59 = tpu.memref_slice %arg3[%dma_wait3A_56, %scan3A_27, %mul3A_2] : memref<1x32x1000000xf32, #tpu.memory_space<hbm>> -> memref<1x1x31232xf32, #tpu.memory_space<hbm>>
      %dma_wait3A_60 = tpu.memref_squeeze %dma_wait3A_59 : memref<1x1x31232xf32, #tpu.memory_space<hbm>> -> memref<31232xf32, #tpu.memory_space<hbm>>
      tpu.wait_dma2 semaphore(%arg9 : memref<!tpu.dma_semaphore, #tpu.memory_space<semaphore_mem>>) src(%dma_wait3A_60 : memref<31232xf32, #tpu.memory_space<hbm>>) dst(%arg7 : memref<31232xf32, #tpu.memory_space<vmem>>)
      %mul3A_61 = arith.constant 1000064 : i32
      %mul3A_62 = arith.muli %scan3A_27, %mul3A_61 : i32
      %add3A_63 = arith.addi %mul3A_62, %mul3A_2 : i32
      %dma_start3A_64 = tpu.memref_slice %arg5[%add3A_63] : memref<32002048xf32, #tpu.memory_space<hbm>> -> memref<31232xf32, #tpu.memory_space<hbm>>
      %dma_start3A_65 = tpu.memref_slice %arg5[%add3A_63] : memref<32002048xf32, #tpu.memory_space<hbm>> -> memref<31232xf32, #tpu.memory_space<hbm>>
      tpu.enqueue_dma source(%arg7 : memref<31232xf32, #tpu.memory_space<vmem>>) target(%dma_start3A_65 : memref<31232xf32, #tpu.memory_space<hbm>>) target_semaphore(%arg10 : memref<!tpu.dma_semaphore, #tpu.memory_space<semaphore_mem>>)
    }
    %scan3A_9 = arith.constant 32 : i32
    %dma_wait3A = arith.constant 0 : i32
    %dma_wait3A_10 = arith.constant 0 : i32
    %dma_wait3A_11 = arith.constant 0 : i32
    %dma_wait3A_12 = tpu.memref_slice %arg2[%dma_wait3A, %dma_wait3A_10, %dma_wait3A_11] : memref<1x32x1000000xf32, #tpu.memory_space<hbm>> -> memref<1x1x31232xf32, #tpu.memory_space<hbm>>
    %dma_wait3A_13 = tpu.memref_squeeze %dma_wait3A_12 : memref<1x1x31232xf32, #tpu.memory_space<hbm>> -> memref<31232xf32, #tpu.memory_space<hbm>>
    %dma_wait3A_14 = arith.constant 0 : i32
    %dma_wait3A_15 = tpu.memref_slice %arg2[%dma_wait3A, %dma_wait3A_10, %dma_wait3A_14] : memref<1x32x1000000xf32, #tpu.memory_space<hbm>> -> memref<1x1x31232xf32, #tpu.memory_space<hbm>>
    %dma_wait3A_16 = tpu.memref_squeeze %dma_wait3A_15 : memref<1x1x31232xf32, #tpu.memory_space<hbm>> -> memref<31232xf32, #tpu.memory_space<hbm>>
    tpu.wait_dma2 semaphore(%arg10 : memref<!tpu.dma_semaphore, #tpu.memory_space<semaphore_mem>>) src(%dma_wait3A_16 : memref<31232xf32, #tpu.memory_space<hbm>>) dst(%arg6 : memref<31232xf32, #tpu.memory_space<vmem>>)
    %dma_wait3A_17 = arith.constant 0 : i32
    %dma_wait3A_18 = arith.constant 0 : i32
    %dma_wait3A_19 = arith.constant 0 : i32
    %dma_wait3A_20 = tpu.memref_slice %arg2[%dma_wait3A_17, %dma_wait3A_18, %dma_wait3A_19] : memref<1x32x1000000xf32, #tpu.memory_space<hbm>> -> memref<1x1x31232xf32, #tpu.memory_space<hbm>>
    %dma_wait3A_21 = tpu.memref_squeeze %dma_wait3A_20 : memref<1x1x31232xf32, #tpu.memory_space<hbm>> -> memref<31232xf32, #tpu.memory_space<hbm>>
    %dma_wait3A_22 = arith.constant 0 : i32
    %dma_wait3A_23 = tpu.memref_slice %arg2[%dma_wait3A_17, %dma_wait3A_18, %dma_wait3A_22] : memref<1x32x1000000xf32, #tpu.memory_space<hbm>> -> memref<1x1x31232xf32, #tpu.memory_space<hbm>>
    %dma_wait3A_24 = tpu.memref_squeeze %dma_wait3A_23 : memref<1x1x31232xf32, #tpu.memory_space<hbm>> -> memref<31232xf32, #tpu.memory_space<hbm>>
    tpu.wait_dma2 semaphore(%arg10 : memref<!tpu.dma_semaphore, #tpu.memory_space<semaphore_mem>>) src(%dma_wait3A_24 : memref<31232xf32, #tpu.memory_space<hbm>>) dst(%arg7 : memref<31232xf32, #tpu.memory_space<vmem>>)
    %eq3A = arith.constant 0 : i32
    %eq3A_25 = arith.cmpi eq, %add3A, %eq3A : i32
    %convert_element_type3A = arith.extui %eq3A_25 : i1 to i32
    %cond3A = arith.constant 0 : i32
    %cond3A_26 = arith.cmpi ne, %convert_element_type3A, %cond3A : i32
    scf.if %cond3A_26 {
      %scan3A_27 = arith.constant 0 : i32
      %scan3A_28 = arith.constant 0 : i32
      %scan3A_29 = arith.constant 32 : i32
      %scan3A_30 = arith.addi %scan3A_28, %scan3A_29 : i32
      %scan3A_31 = arith.constant 1 : i32
      scf.for %scan3A_33 = %scan3A_28 to %scan3A_30 step %scan3A_31  : i32 {
        %run_scoped3A = arith.constant 0 : i32
        "tpu.region"() ({
          %run_scoped3A_43 = tpu.sem_alloc : memref<!tpu.dma_semaphore, #tpu.memory_space<semaphore_mem>>
          %dma_start3A = arith.constant 999424 : i32
          %dma_start3A_44 = tpu.memref_slice %arg2[%run_scoped3A, %scan3A_33, %dma_start3A] : memref<1x32x1000000xf32, #tpu.memory_space<hbm>> -> memref<1x1x576xf32, #tpu.memory_space<hbm>>
          %dma_start3A_45 = tpu.memref_squeeze %dma_start3A_44 : memref<1x1x576xf32, #tpu.memory_space<hbm>> -> memref<576xf32, #tpu.memory_space<hbm>>
          %dma_start3A_46 = arith.constant 999424 : i32
          %dma_start3A_47 = tpu.memref_slice %arg2[%run_scoped3A, %scan3A_33, %dma_start3A_46] : memref<1x32x1000000xf32, #tpu.memory_space<hbm>> -> memref<1x1x576xf32, #tpu.memory_space<hbm>>
          %dma_start3A_48 = tpu.memref_squeeze %dma_start3A_47 : memref<1x1x576xf32, #tpu.memory_space<hbm>> -> memref<576xf32, #tpu.memory_space<hbm>>
          tpu.enqueue_dma source(%dma_start3A_48 : memref<576xf32, #tpu.memory_space<hbm>>) target(%arg8 : memref<576xf32, #tpu.memory_space<vmem>>) target_semaphore(%run_scoped3A_43 : memref<!tpu.dma_semaphore, #tpu.memory_space<semaphore_mem>>)
          %dma_wait3A_49 = arith.constant 999424 : i32
          %dma_wait3A_50 = tpu.memref_slice %arg2[%run_scoped3A, %scan3A_33, %dma_wait3A_49] : memref<1x32x1000000xf32, #tpu.memory_space<hbm>> -> memref<1x1x576xf32, #tpu.memory_space<hbm>>
          %dma_wait3A_51 = tpu.memref_squeeze %dma_wait3A_50 : memref<1x1x576xf32, #tpu.memory_space<hbm>> -> memref<576xf32, #tpu.memory_space<hbm>>
          %dma_wait3A_52 = arith.constant 999424 : i32
          %dma_wait3A_53 = tpu.memref_slice %arg2[%run_scoped3A, %scan3A_33, %dma_wait3A_52] : memref<1x32x1000000xf32, #tpu.memory_space<hbm>> -> memref<1x1x576xf32, #tpu.memory_space<hbm>>
          %dma_wait3A_54 = tpu.memref_squeeze %dma_wait3A_53 : memref<1x1x576xf32, #tpu.memory_space<hbm>> -> memref<576xf32, #tpu.memory_space<hbm>>
          tpu.wait_dma2 semaphore(%run_scoped3A_43 : memref<!tpu.dma_semaphore, #tpu.memory_space<semaphore_mem>>) src(%dma_wait3A_54 : memref<576xf32, #tpu.memory_space<hbm>>) dst(%arg8 : memref<576xf32, #tpu.memory_space<vmem>>)
          tpu.yield
        }) : () -> ()
        %mul3A_34 = arith.constant 1000064 : i32
        %mul3A_35 = arith.muli %scan3A_33, %mul3A_34 : i32
        %add3A_36 = arith.constant 999424 : i32
        %add3A_37 = arith.addi %mul3A_35, %add3A_36 : i32
        "tpu.region"() ({
          %run_scoped3A_43 = tpu.sem_alloc : memref<!tpu.dma_semaphore, #tpu.memory_space<semaphore_mem>>
          %dma_start3A = tpu.memref_slice %arg4[%add3A_37] : memref<32002048xf32, #tpu.memory_space<hbm>> -> memref<576xf32, #tpu.memory_space<hbm>>
          %dma_start3A_44 = tpu.memref_slice %arg4[%add3A_37] : memref<32002048xf32, #tpu.memory_space<hbm>> -> memref<576xf32, #tpu.memory_space<hbm>>
          tpu.enqueue_dma source(%arg8 : memref<576xf32, #tpu.memory_space<vmem>>) target(%dma_start3A_44 : memref<576xf32, #tpu.memory_space<hbm>>) target_semaphore(%run_scoped3A_43 : memref<!tpu.dma_semaphore, #tpu.memory_space<semaphore_mem>>)
          %dma_wait3A_45 = tpu.memref_slice %arg4[%add3A_37] : memref<32002048xf32, #tpu.memory_space<hbm>> -> memref<576xf32, #tpu.memory_space<hbm>>
          %dma_wait3A_46 = tpu.memref_slice %arg4[%add3A_37] : memref<32002048xf32, #tpu.memory_space<hbm>> -> memref<576xf32, #tpu.memory_space<hbm>>
          tpu.wait_dma2 semaphore(%run_scoped3A_43 : memref<!tpu.dma_semaphore, #tpu.memory_space<semaphore_mem>>) src(%arg8 : memref<576xf32, #tpu.memory_space<vmem>>) dst(%dma_wait3A_46 : memref<576xf32, #tpu.memory_space<hbm>>)
          tpu.yield
        }) : () -> ()
        %run_scoped3A_38 = arith.constant 0 : i32
        "tpu.region"() ({
          %run_scoped3A_43 = tpu.sem_alloc : memref<!tpu.dma_semaphore, #tpu.memory_space<semaphore_mem>>
          %dma_start3A = arith.constant 999424 : i32
          %dma_start3A_44 = tpu.memref_slice %arg3[%run_scoped3A_38, %scan3A_33, %dma_start3A] : memref<1x32x1000000xf32, #tpu.memory_space<hbm>> -> memref<1x1x576xf32, #tpu.memory_space<hbm>>
          %dma_start3A_45 = tpu.memref_squeeze %dma_start3A_44 : memref<1x1x576xf32, #tpu.memory_space<hbm>> -> memref<576xf32, #tpu.memory_space<hbm>>
          %dma_start3A_46 = arith.constant 999424 : i32
          %dma_start3A_47 = tpu.memref_slice %arg3[%run_scoped3A_38, %scan3A_33, %dma_start3A_46] : memref<1x32x1000000xf32, #tpu.memory_space<hbm>> -> memref<1x1x576xf32, #tpu.memory_space<hbm>>
          %dma_start3A_48 = tpu.memref_squeeze %dma_start3A_47 : memref<1x1x576xf32, #tpu.memory_space<hbm>> -> memref<576xf32, #tpu.memory_space<hbm>>
          tpu.enqueue_dma source(%dma_start3A_48 : memref<576xf32, #tpu.memory_space<hbm>>) target(%arg8 : memref<576xf32, #tpu.memory_space<vmem>>) target_semaphore(%run_scoped3A_43 : memref<!tpu.dma_semaphore, #tpu.memory_space<semaphore_mem>>)
          %dma_wait3A_49 = arith.constant 999424 : i32
          %dma_wait3A_50 = tpu.memref_slice %arg3[%run_scoped3A_38, %scan3A_33, %dma_wait3A_49] : memref<1x32x1000000xf32, #tpu.memory_space<hbm>> -> memref<1x1x576xf32, #tpu.memory_space<hbm>>
          %dma_wait3A_51 = tpu.memref_squeeze %dma_wait3A_50 : memref<1x1x576xf32, #tpu.memory_space<hbm>> -> memref<576xf32, #tpu.memory_space<hbm>>
          %dma_wait3A_52 = arith.constant 999424 : i32
          %dma_wait3A_53 = tpu.memref_slice %arg3[%run_scoped3A_38, %scan3A_33, %dma_wait3A_52] : memref<1x32x1000000xf32, #tpu.memory_space<hbm>> -> memref<1x1x576xf32, #tpu.memory_space<hbm>>
          %dma_wait3A_54 = tpu.memref_squeeze %dma_wait3A_53 : memref<1x1x576xf32, #tpu.memory_space<hbm>> -> memref<576xf32, #tpu.memory_space<hbm>>
          tpu.wait_dma2 semaphore(%run_scoped3A_43 : memref<!tpu.dma_semaphore, #tpu.memory_space<semaphore_mem>>) src(%dma_wait3A_54 : memref<576xf32, #tpu.memory_space<hbm>>) dst(%arg8 : memref<576xf32, #tpu.memory_space<vmem>>)
          tpu.yield
        }) : () -> ()
        %mul3A_39 = arith.constant 1000064 : i32
        %mul3A_40 = arith.muli %scan3A_33, %mul3A_39 : i32
        %add3A_41 = arith.constant 999424 : i32
        %add3A_42 = arith.addi %mul3A_40, %add3A_41 : i32
        "tpu.region"() ({
          %run_scoped3A_43 = tpu.sem_alloc : memref<!tpu.dma_semaphore, #tpu.memory_space<semaphore_mem>>
          %dma_start3A = tpu.memref_slice %arg5[%add3A_42] : memref<32002048xf32, #tpu.memory_space<hbm>> -> memref<576xf32, #tpu.memory_space<hbm>>
          %dma_start3A_44 = tpu.memref_slice %arg5[%add3A_42] : memref<32002048xf32, #tpu.memory_space<hbm>> -> memref<576xf32, #tpu.memory_space<hbm>>
          tpu.enqueue_dma source(%arg8 : memref<576xf32, #tpu.memory_space<vmem>>) target(%dma_start3A_44 : memref<576xf32, #tpu.memory_space<hbm>>) target_semaphore(%run_scoped3A_43 : memref<!tpu.dma_semaphore, #tpu.memory_space<semaphore_mem>>)
          %dma_wait3A_45 = tpu.memref_slice %arg5[%add3A_42] : memref<32002048xf32, #tpu.memory_space<hbm>> -> memref<576xf32, #tpu.memory_space<hbm>>
          %dma_wait3A_46 = tpu.memref_slice %arg5[%add3A_42] : memref<32002048xf32, #tpu.memory_space<hbm>> -> memref<576xf32, #tpu.memory_space<hbm>>
          tpu.wait_dma2 semaphore(%run_scoped3A_43 : memref<!tpu.dma_semaphore, #tpu.memory_space<semaphore_mem>>) src(%arg8 : memref<576xf32, #tpu.memory_space<vmem>>) dst(%dma_wait3A_46 : memref<576xf32, #tpu.memory_space<hbm>>)
          tpu.yield
        }) : () -> ()
      }
      %scan3A_32 = arith.constant 32 : i32
    } else {
    }
    return
  }
}

#map = affine_map<(d0, d1) -> (0)>
module attributes {stable_mosaic.version = 14 : i64} {
  func.func @_score_body(%arg0: i32, %arg1: i32, %arg2: memref<16384xi32, #tpu.memory_space<hbm>>, %arg3: memref<16384xi32, #tpu.memory_space<hbm>>, %arg4: memref<32002048xf32, #tpu.memory_space<hbm>>, %arg5: memref<32002048xf32, #tpu.memory_space<hbm>>, %arg6: memref<16384xf32, #tpu.memory_space<hbm>>, %arg7: memref<512xi32, #tpu.memory_space<vmem>>, %arg8: memref<512xi32, #tpu.memory_space<vmem>>, %arg9: memref<32x512xf32, #tpu.memory_space<vmem>>, %arg10: memref<32x512xf32, #tpu.memory_space<vmem>>, %arg11: memref<512xf32, #tpu.memory_space<vmem>>, %arg12: memref<!tpu.dma_semaphore, #tpu.memory_space<semaphore_mem>>) attributes {dimension_semantics = [#tpu.dimension_semantics<core_parallel>, #tpu.dimension_semantics<subcore_parallel>], iteration_bounds = array<i64: 2, 16>, scalar_prefetch = 0 : i64, scratch_operands = 6 : i64, tpu.core_type = #tpu.core_type<sc_vector_subcore>, window_params = [{transform_indices = #map}, {transform_indices = #map}, {transform_indices = #map}, {transform_indices = #map}, {transform_indices = #map}]} {
    %mul3A = arith.constant 2 : i32
    %mul3A_0 = arith.muli %arg1, %mul3A : i32
    %add3A = arith.addi %mul3A_0, %arg0 : i32
    %mul3A_1 = arith.constant 512 : i32
    %mul3A_2 = arith.muli %add3A, %mul3A_1 : i32
    "tpu.region"() ({
      %run_scoped3A = tpu.sem_alloc : memref<!tpu.dma_semaphore, #tpu.memory_space<semaphore_mem>>
      %dma_start3A = tpu.memref_slice %arg2[%mul3A_2] : memref<16384xi32, #tpu.memory_space<hbm>> -> memref<512xi32, #tpu.memory_space<hbm>>
      %dma_start3A_20 = tpu.memref_slice %arg2[%mul3A_2] : memref<16384xi32, #tpu.memory_space<hbm>> -> memref<512xi32, #tpu.memory_space<hbm>>
      tpu.enqueue_dma source(%dma_start3A_20 : memref<512xi32, #tpu.memory_space<hbm>>) target(%arg7 : memref<512xi32, #tpu.memory_space<vmem>>) target_semaphore(%run_scoped3A : memref<!tpu.dma_semaphore, #tpu.memory_space<semaphore_mem>>)
      %dma_wait3A = tpu.memref_slice %arg2[%mul3A_2] : memref<16384xi32, #tpu.memory_space<hbm>> -> memref<512xi32, #tpu.memory_space<hbm>>
      %dma_wait3A_21 = tpu.memref_slice %arg2[%mul3A_2] : memref<16384xi32, #tpu.memory_space<hbm>> -> memref<512xi32, #tpu.memory_space<hbm>>
      tpu.wait_dma2 semaphore(%run_scoped3A : memref<!tpu.dma_semaphore, #tpu.memory_space<semaphore_mem>>) src(%dma_wait3A_21 : memref<512xi32, #tpu.memory_space<hbm>>) dst(%arg7 : memref<512xi32, #tpu.memory_space<vmem>>)
      tpu.yield
    }) : () -> ()
    "tpu.region"() ({
      %run_scoped3A = tpu.sem_alloc : memref<!tpu.dma_semaphore, #tpu.memory_space<semaphore_mem>>
      %dma_start3A = tpu.memref_slice %arg3[%mul3A_2] : memref<16384xi32, #tpu.memory_space<hbm>> -> memref<512xi32, #tpu.memory_space<hbm>>
      %dma_start3A_20 = tpu.memref_slice %arg3[%mul3A_2] : memref<16384xi32, #tpu.memory_space<hbm>> -> memref<512xi32, #tpu.memory_space<hbm>>
      tpu.enqueue_dma source(%dma_start3A_20 : memref<512xi32, #tpu.memory_space<hbm>>) target(%arg8 : memref<512xi32, #tpu.memory_space<vmem>>) target_semaphore(%run_scoped3A : memref<!tpu.dma_semaphore, #tpu.memory_space<semaphore_mem>>)
      %dma_wait3A = tpu.memref_slice %arg3[%mul3A_2] : memref<16384xi32, #tpu.memory_space<hbm>> -> memref<512xi32, #tpu.memory_space<hbm>>
      %dma_wait3A_21 = tpu.memref_slice %arg3[%mul3A_2] : memref<16384xi32, #tpu.memory_space<hbm>> -> memref<512xi32, #tpu.memory_space<hbm>>
      tpu.wait_dma2 semaphore(%run_scoped3A : memref<!tpu.dma_semaphore, #tpu.memory_space<semaphore_mem>>) src(%dma_wait3A_21 : memref<512xi32, #tpu.memory_space<hbm>>) dst(%arg8 : memref<512xi32, #tpu.memory_space<vmem>>)
      tpu.yield
    }) : () -> ()
    %scan3A = arith.constant 0 : i32
    %scan3A_3 = arith.constant 0 : i32
    %scan3A_4 = arith.constant 32 : i32
    %scan3A_5 = arith.addi %scan3A_3, %scan3A_4 : i32
    %scan3A_6 = arith.constant 1 : i32
    scf.for %scan3A_20 = %scan3A_3 to %scan3A_5 step %scan3A_6  : i32 {
      %mul3A_21 = arith.constant 16 : i32
      %mul3A_22 = arith.muli %scan3A_20, %mul3A_21 : i32
      %get3A = arith.index_cast %mul3A_22 : i32 to index
      %get3A_23 = tpu.vector_load %arg7[%get3A] {strides = array<i32>} : memref<512xi32, #tpu.memory_space<vmem>>, vector<16xi32>,
      %get3A_24 = arith.index_cast %mul3A_22 : i32 to index
      %get3A_25 = tpu.vector_load %arg8[%get3A_24] {strides = array<i32>} : memref<512xi32, #tpu.memory_space<vmem>>, vector<16xi32>,
      %add3A_26 = arith.constant 0 : i32
      %add3A_27 = vector.broadcast %add3A_26 : i32 to vector<16xi32>
      %add3A_28 = arith.addi %get3A_23, %add3A_27 : vector<16xi32>
      %dma_start3A = arith.constant 0 : i32
      %dma_start3A_29 = tpu.memref_slice %arg9[%dma_start3A, %mul3A_22] : memref<32x512xf32, #tpu.memory_space<vmem>> -> memref<1x16xf32, #tpu.memory_space<vmem>>
      %dma_start3A_30 = tpu.memref_squeeze %dma_start3A_29 : memref<1x16xf32, #tpu.memory_space<vmem>> -> memref<16xf32, #tpu.memory_space<vmem>>
      %dma_start3A_31 = arith.constant 0 : i32
      %dma_start3A_32 = tpu.memref_slice %arg4[%dma_start3A_31] : memref<32002048xf32, #tpu.memory_space<hbm>> -> memref<32002048xf32, #tpu.memory_space<hbm>>
      tpu.enqueue_indirect_dma source(%dma_start3A_32 : memref<32002048xf32, #tpu.memory_space<hbm>>) target(%dma_start3A_30 : memref<16xf32, #tpu.memory_space<vmem>>) offsets(%add3A_28 : vector<16xi32>) semaphore(%arg12 : memref<!tpu.dma_semaphore, #tpu.memory_space<semaphore_mem>>)
      %add3A_33 = arith.constant 0 : i32
      %add3A_34 = vector.broadcast %add3A_33 : i32 to vector<16xi32>
      %add3A_35 = arith.addi %get3A_25, %add3A_34 : vector<16xi32>
      %dma_start3A_36 = arith.constant 0 : i32
      %dma_start3A_37 = tpu.memref_slice %arg10[%dma_start3A_36, %mul3A_22] : memref<32x512xf32, #tpu.memory_space<vmem>> -> memref<1x16xf32, #tpu.memory_space<vmem>>
      %dma_start3A_38 = tpu.memref_squeeze %dma_start3A_37 : memref<1x16xf32, #tpu.memory_space<vmem>> -> memref<16xf32, #tpu.memory_space<vmem>>
      %dma_start3A_39 = arith.constant 0 : i32
      %dma_start3A_40 = tpu.memref_slice %arg5[%dma_start3A_39] : memref<32002048xf32, #tpu.memory_space<hbm>> -> memref<32002048xf32, #tpu.memory_space<hbm>>
      tpu.enqueue_indirect_dma source(%dma_start3A_40 : memref<32002048xf32, #tpu.memory_space<hbm>>) target(%dma_start3A_38 : memref<16xf32, #tpu.memory_space<vmem>>) offsets(%add3A_35 : vector<16xi32>) semaphore(%arg12 : memref<!tpu.dma_semaphore, #tpu.memory_space<semaphore_mem>>)
      %add3A_41 = arith.constant 1000064 : i32
      %add3A_42 = vector.broadcast %add3A_41 : i32 to vector<16xi32>
      %add3A_43 = arith.addi %get3A_23, %add3A_42 : vector<16xi32>
      %dma_start3A_44 = arith.constant 1 : i32
      %dma_start3A_45 = tpu.memref_slice %arg9[%dma_start3A_44, %mul3A_22] : memref<32x512xf32, #tpu.memory_space<vmem>> -> memref<1x16xf32, #tpu.memory_space<vmem>>
      %dma_start3A_46 = tpu.memref_squeeze %dma_start3A_45 : memref<1x16xf32, #tpu.memory_space<vmem>> -> memref<16xf32, #tpu.memory_space<vmem>>
      %dma_start3A_47 = arith.constant 0 : i32
      %dma_start3A_48 = tpu.memref_slice %arg4[%dma_start3A_47] : memref<32002048xf32, #tpu.memory_space<hbm>> -> memref<32002048xf32, #tpu.memory_space<hbm>>
      tpu.enqueue_indirect_dma source(%dma_start3A_48 : memref<32002048xf32, #tpu.memory_space<hbm>>) target(%dma_start3A_46 : memref<16xf32, #tpu.memory_space<vmem>>) offsets(%add3A_43 : vector<16xi32>) semaphore(%arg12 : memref<!tpu.dma_semaphore, #tpu.memory_space<semaphore_mem>>)
      %add3A_49 = arith.constant 1000064 : i32
      %add3A_50 = vector.broadcast %add3A_49 : i32 to vector<16xi32>
      %add3A_51 = arith.addi %get3A_25, %add3A_50 : vector<16xi32>
      %dma_start3A_52 = arith.constant 1 : i32
      %dma_start3A_53 = tpu.memref_slice %arg10[%dma_start3A_52, %mul3A_22] : memref<32x512xf32, #tpu.memory_space<vmem>> -> memref<1x16xf32, #tpu.memory_space<vmem>>
      %dma_start3A_54 = tpu.memref_squeeze %dma_start3A_53 : memref<1x16xf32, #tpu.memory_space<vmem>> -> memref<16xf32, #tpu.memory_space<vmem>>
      %dma_start3A_55 = arith.constant 0 : i32
      %dma_start3A_56 = tpu.memref_slice %arg5[%dma_start3A_55] : memref<32002048xf32, #tpu.memory_space<hbm>> -> memref<32002048xf32, #tpu.memory_space<hbm>>
      tpu.enqueue_indirect_dma source(%dma_start3A_56 : memref<32002048xf32, #tpu.memory_space<hbm>>) target(%dma_start3A_54 : memref<16xf32, #tpu.memory_space<vmem>>) offsets(%add3A_51 : vector<16xi32>) semaphore(%arg12 : memref<!tpu.dma_semaphore, #tpu.memory_space<semaphore_mem>>)
      %add3A_57 = arith.constant 2000128 : i32
      %add3A_58 = vector.broadcast %add3A_57 : i32 to vector<16xi32>
      %add3A_59 = arith.addi %get3A_23, %add3A_58 : vector<16xi32>
      %dma_start3A_60 = arith.constant 2 : i32
      %dma_start3A_61 = tpu.memref_slice %arg9[%dma_start3A_60, %mul3A_22] : memref<32x512xf32, #tpu.memory_space<vmem>> -> memref<1x16xf32, #tpu.memory_space<vmem>>
      %dma_start3A_62 = tpu.memref_squeeze %dma_start3A_61 : memref<1x16xf32, #tpu.memory_space<vmem>> -> memref<16xf32, #tpu.memory_space<vmem>>
      %dma_start3A_63 = arith.constant 0 : i32
      %dma_start3A_64 = tpu.memref_slice %arg4[%dma_start3A_63] : memref<32002048xf32, #tpu.memory_space<hbm>> -> memref<32002048xf32, #tpu.memory_space<hbm>>
      tpu.enqueue_indirect_dma source(%dma_start3A_64 : memref<32002048xf32, #tpu.memory_space<hbm>>) target(%dma_start3A_62 : memref<16xf32, #tpu.memory_space<vmem>>) offsets(%add3A_59 : vector<16xi32>) semaphore(%arg12 : memref<!tpu.dma_semaphore, #tpu.memory_space<semaphore_mem>>)
      %add3A_65 = arith.constant 2000128 : i32
      %add3A_66 = vector.broadcast %add3A_65 : i32 to vector<16xi32>
      %add3A_67 = arith.addi %get3A_25, %add3A_66 : vector<16xi32>
      %dma_start3A_68 = arith.constant 2 : i32
      %dma_start3A_69 = tpu.memref_slice %arg10[%dma_start3A_68, %mul3A_22] : memref<32x512xf32, #tpu.memory_space<vmem>> -> memref<1x16xf32, #tpu.memory_space<vmem>>
      %dma_start3A_70 = tpu.memref_squeeze %dma_start3A_69 : memref<1x16xf32, #tpu.memory_space<vmem>> -> memref<16xf32, #tpu.memory_space<vmem>>
      %dma_start3A_71 = arith.constant 0 : i32
      %dma_start3A_72 = tpu.memref_slice %arg5[%dma_start3A_71] : memref<32002048xf32, #tpu.memory_space<hbm>> -> memref<32002048xf32, #tpu.memory_space<hbm>>
      tpu.enqueue_indirect_dma source(%dma_start3A_72 : memref<32002048xf32, #tpu.memory_space<hbm>>) target(%dma_start3A_70 : memref<16xf32, #tpu.memory_space<vmem>>) offsets(%add3A_67 : vector<16xi32>) semaphore(%arg12 : memref<!tpu.dma_semaphore, #tpu.memory_space<semaphore_mem>>)
      %add3A_73 = arith.constant 3000192 : i32
      %add3A_74 = vector.broadcast %add3A_73 : i32 to vector<16xi32>
      %add3A_75 = arith.addi %get3A_23, %add3A_74 : vector<16xi32>
      %dma_start3A_76 = arith.constant 3 : i32
      %dma_start3A_77 = tpu.memref_slice %arg9[%dma_start3A_76, %mul3A_22] : memref<32x512xf32, #tpu.memory_space<vmem>> -> memref<1x16xf32, #tpu.memory_space<vmem>>
      %dma_start3A_78 = tpu.memref_squeeze %dma_start3A_77 : memref<1x16xf32, #tpu.memory_space<vmem>> -> memref<16xf32, #tpu.memory_space<vmem>>
      %dma_start3A_79 = arith.constant 0 : i32
      %dma_start3A_80 = tpu.memref_slice %arg4[%dma_start3A_79] : memref<32002048xf32, #tpu.memory_space<hbm>> -> memref<32002048xf32, #tpu.memory_space<hbm>>
      tpu.enqueue_indirect_dma source(%dma_start3A_80 : memref<32002048xf32, #tpu.memory_space<hbm>>) target(%dma_start3A_78 : memref<16xf32, #tpu.memory_space<vmem>>) offsets(%add3A_75 : vector<16xi32>) semaphore(%arg12 : memref<!tpu.dma_semaphore, #tpu.memory_space<semaphore_mem>>)
      %add3A_81 = arith.constant 3000192 : i32
      %add3A_82 = vector.broadcast %add3A_81 : i32 to vector<16xi32>
      %add3A_83 = arith.addi %get3A_25, %add3A_82 : vector<16xi32>
      %dma_start3A_84 = arith.constant 3 : i32
      %dma_start3A_85 = tpu.memref_slice %arg10[%dma_start3A_84, %mul3A_22] : memref<32x512xf32, #tpu.memory_space<vmem>> -> memref<1x16xf32, #tpu.memory_space<vmem>>
      %dma_start3A_86 = tpu.memref_squeeze %dma_start3A_85 : memref<1x16xf32, #tpu.memory_space<vmem>> -> memref<16xf32, #tpu.memory_space<vmem>>
      %dma_start3A_87 = arith.constant 0 : i32
      %dma_start3A_88 = tpu.memref_slice %arg5[%dma_start3A_87] : memref<32002048xf32, #tpu.memory_space<hbm>> -> memref<32002048xf32, #tpu.memory_space<hbm>>
      tpu.enqueue_indirect_dma source(%dma_start3A_88 : memref<32002048xf32, #tpu.memory_space<hbm>>) target(%dma_start3A_86 : memref<16xf32, #tpu.memory_space<vmem>>) offsets(%add3A_83 : vector<16xi32>) semaphore(%arg12 : memref<!tpu.dma_semaphore, #tpu.memory_space<semaphore_mem>>)
      %add3A_89 = arith.constant 4000256 : i32
      %add3A_90 = vector.broadcast %add3A_89 : i32 to vector<16xi32>
      %add3A_91 = arith.addi %get3A_23, %add3A_90 : vector<16xi32>
      %dma_start3A_92 = arith.constant 4 : i32
      %dma_start3A_93 = tpu.memref_slice %arg9[%dma_start3A_92, %mul3A_22] : memref<32x512xf32, #tpu.memory_space<vmem>> -> memref<1x16xf32, #tpu.memory_space<vmem>>
      %dma_start3A_94 = tpu.memref_squeeze %dma_start3A_93 : memref<1x16xf32, #tpu.memory_space<vmem>> -> memref<16xf32, #tpu.memory_space<vmem>>
      %dma_start3A_95 = arith.constant 0 : i32
      %dma_start3A_96 = tpu.memref_slice %arg4[%dma_start3A_95] : memref<32002048xf32, #tpu.memory_space<hbm>> -> memref<32002048xf32, #tpu.memory_space<hbm>>
      tpu.enqueue_indirect_dma source(%dma_start3A_96 : memref<32002048xf32, #tpu.memory_space<hbm>>) target(%dma_start3A_94 : memref<16xf32, #tpu.memory_space<vmem>>) offsets(%add3A_91 : vector<16xi32>) semaphore(%arg12 : memref<!tpu.dma_semaphore, #tpu.memory_space<semaphore_mem>>)
      %add3A_97 = arith.constant 4000256 : i32
      %add3A_98 = vector.broadcast %add3A_97 : i32 to vector<16xi32>
      %add3A_99 = arith.addi %get3A_25, %add3A_98 : vector<16xi32>
      %dma_start3A_100 = arith.constant 4 : i32
      %dma_start3A_101 = tpu.memref_slice %arg10[%dma_start3A_100, %mul3A_22] : memref<32x512xf32, #tpu.memory_space<vmem>> -> memref<1x16xf32, #tpu.memory_space<vmem>>
      %dma_start3A_102 = tpu.memref_squeeze %dma_start3A_101 : memref<1x16xf32, #tpu.memory_space<vmem>> -> memref<16xf32, #tpu.memory_space<vmem>>
      %dma_start3A_103 = arith.constant 0 : i32
      %dma_start3A_104 = tpu.memref_slice %arg5[%dma_start3A_103] : memref<32002048xf32, #tpu.memory_space<hbm>> -> memref<32002048xf32, #tpu.memory_space<hbm>>
      tpu.enqueue_indirect_dma source(%dma_start3A_104 : memref<32002048xf32, #tpu.memory_space<hbm>>) target(%dma_start3A_102 : memref<16xf32, #tpu.memory_space<vmem>>) offsets(%add3A_99 : vector<16xi32>) semaphore(%arg12 : memref<!tpu.dma_semaphore, #tpu.memory_space<semaphore_mem>>)
      %add3A_105 = arith.constant 5000320 : i32
      %add3A_106 = vector.broadcast %add3A_105 : i32 to vector<16xi32>
      %add3A_107 = arith.addi %get3A_23, %add3A_106 : vector<16xi32>
      %dma_start3A_108 = arith.constant 5 : i32
      %dma_start3A_109 = tpu.memref_slice %arg9[%dma_start3A_108, %mul3A_22] : memref<32x512xf32, #tpu.memory_space<vmem>> -> memref<1x16xf32, #tpu.memory_space<vmem>>
      %dma_start3A_110 = tpu.memref_squeeze %dma_start3A_109 : memref<1x16xf32, #tpu.memory_space<vmem>> -> memref<16xf32, #tpu.memory_space<vmem>>
      %dma_start3A_111 = arith.constant 0 : i32
      %dma_start3A_112 = tpu.memref_slice %arg4[%dma_start3A_111] : memref<32002048xf32, #tpu.memory_space<hbm>> -> memref<32002048xf32, #tpu.memory_space<hbm>>
      tpu.enqueue_indirect_dma source(%dma_start3A_112 : memref<32002048xf32, #tpu.memory_space<hbm>>) target(%dma_start3A_110 : memref<16xf32, #tpu.memory_space<vmem>>) offsets(%add3A_107 : vector<16xi32>) semaphore(%arg12 : memref<!tpu.dma_semaphore, #tpu.memory_space<semaphore_mem>>)
      %add3A_113 = arith.constant 5000320 : i32
      %add3A_114 = vector.broadcast %add3A_113 : i32 to vector<16xi32>
      %add3A_115 = arith.addi %get3A_25, %add3A_114 : vector<16xi32>
      %dma_start3A_116 = arith.constant 5 : i32
      %dma_start3A_117 = tpu.memref_slice %arg10[%dma_start3A_116, %mul3A_22] : memref<32x512xf32, #tpu.memory_space<vmem>> -> memref<1x16xf32, #tpu.memory_space<vmem>>
      %dma_start3A_118 = tpu.memref_squeeze %dma_start3A_117 : memref<1x16xf32, #tpu.memory_space<vmem>> -> memref<16xf32, #tpu.memory_space<vmem>>
      %dma_start3A_119 = arith.constant 0 : i32
      %dma_start3A_120 = tpu.memref_slice %arg5[%dma_start3A_119] : memref<32002048xf32, #tpu.memory_space<hbm>> -> memref<32002048xf32, #tpu.memory_space<hbm>>
      tpu.enqueue_indirect_dma source(%dma_start3A_120 : memref<32002048xf32, #tpu.memory_space<hbm>>) target(%dma_start3A_118 : memref<16xf32, #tpu.memory_space<vmem>>) offsets(%add3A_115 : vector<16xi32>) semaphore(%arg12 : memref<!tpu.dma_semaphore, #tpu.memory_space<semaphore_mem>>)
      %add3A_121 = arith.constant 6000384 : i32
      %add3A_122 = vector.broadcast %add3A_121 : i32 to vector<16xi32>
      %add3A_123 = arith.addi %get3A_23, %add3A_122 : vector<16xi32>
      %dma_start3A_124 = arith.constant 6 : i32
      %dma_start3A_125 = tpu.memref_slice %arg9[%dma_start3A_124, %mul3A_22] : memref<32x512xf32, #tpu.memory_space<vmem>> -> memref<1x16xf32, #tpu.memory_space<vmem>>
      %dma_start3A_126 = tpu.memref_squeeze %dma_start3A_125 : memref<1x16xf32, #tpu.memory_space<vmem>> -> memref<16xf32, #tpu.memory_space<vmem>>
      %dma_start3A_127 = arith.constant 0 : i32
      %dma_start3A_128 = tpu.memref_slice %arg4[%dma_start3A_127] : memref<32002048xf32, #tpu.memory_space<hbm>> -> memref<32002048xf32, #tpu.memory_space<hbm>>
      tpu.enqueue_indirect_dma source(%dma_start3A_128 : memref<32002048xf32, #tpu.memory_space<hbm>>) target(%dma_start3A_126 : memref<16xf32, #tpu.memory_space<vmem>>) offsets(%add3A_123 : vector<16xi32>) semaphore(%arg12 : memref<!tpu.dma_semaphore, #tpu.memory_space<semaphore_mem>>)
      %add3A_129 = arith.constant 6000384 : i32
      %add3A_130 = vector.broadcast %add3A_129 : i32 to vector<16xi32>
      %add3A_131 = arith.addi %get3A_25, %add3A_130 : vector<16xi32>
      %dma_start3A_132 = arith.constant 6 : i32
      %dma_start3A_133 = tpu.memref_slice %arg10[%dma_start3A_132, %mul3A_22] : memref<32x512xf32, #tpu.memory_space<vmem>> -> memref<1x16xf32, #tpu.memory_space<vmem>>
      %dma_start3A_134 = tpu.memref_squeeze %dma_start3A_133 : memref<1x16xf32, #tpu.memory_space<vmem>> -> memref<16xf32, #tpu.memory_space<vmem>>
      %dma_start3A_135 = arith.constant 0 : i32
      %dma_start3A_136 = tpu.memref_slice %arg5[%dma_start3A_135] : memref<32002048xf32, #tpu.memory_space<hbm>> -> memref<32002048xf32, #tpu.memory_space<hbm>>
      tpu.enqueue_indirect_dma source(%dma_start3A_136 : memref<32002048xf32, #tpu.memory_space<hbm>>) target(%dma_start3A_134 : memref<16xf32, #tpu.memory_space<vmem>>) offsets(%add3A_131 : vector<16xi32>) semaphore(%arg12 : memref<!tpu.dma_semaphore, #tpu.memory_space<semaphore_mem>>)
      %add3A_137 = arith.constant 7000448 : i32
      %add3A_138 = vector.broadcast %add3A_137 : i32 to vector<16xi32>
      %add3A_139 = arith.addi %get3A_23, %add3A_138 : vector<16xi32>
      %dma_start3A_140 = arith.constant 7 : i32
      %dma_start3A_141 = tpu.memref_slice %arg9[%dma_start3A_140, %mul3A_22] : memref<32x512xf32, #tpu.memory_space<vmem>> -> memref<1x16xf32, #tpu.memory_space<vmem>>
      %dma_start3A_142 = tpu.memref_squeeze %dma_start3A_141 : memref<1x16xf32, #tpu.memory_space<vmem>> -> memref<16xf32, #tpu.memory_space<vmem>>
      %dma_start3A_143 = arith.constant 0 : i32
      %dma_start3A_144 = tpu.memref_slice %arg4[%dma_start3A_143] : memref<32002048xf32, #tpu.memory_space<hbm>> -> memref<32002048xf32, #tpu.memory_space<hbm>>
      tpu.enqueue_indirect_dma source(%dma_start3A_144 : memref<32002048xf32, #tpu.memory_space<hbm>>) target(%dma_start3A_142 : memref<16xf32, #tpu.memory_space<vmem>>) offsets(%add3A_139 : vector<16xi32>) semaphore(%arg12 : memref<!tpu.dma_semaphore, #tpu.memory_space<semaphore_mem>>)
      %add3A_145 = arith.constant 7000448 : i32
      %add3A_146 = vector.broadcast %add3A_145 : i32 to vector<16xi32>
      %add3A_147 = arith.addi %get3A_25, %add3A_146 : vector<16xi32>
      %dma_start3A_148 = arith.constant 7 : i32
      %dma_start3A_149 = tpu.memref_slice %arg10[%dma_start3A_148, %mul3A_22] : memref<32x512xf32, #tpu.memory_space<vmem>> -> memref<1x16xf32, #tpu.memory_space<vmem>>
      %dma_start3A_150 = tpu.memref_squeeze %dma_start3A_149 : memref<1x16xf32, #tpu.memory_space<vmem>> -> memref<16xf32, #tpu.memory_space<vmem>>
      %dma_start3A_151 = arith.constant 0 : i32
      %dma_start3A_152 = tpu.memref_slice %arg5[%dma_start3A_151] : memref<32002048xf32, #tpu.memory_space<hbm>> -> memref<32002048xf32, #tpu.memory_space<hbm>>
      tpu.enqueue_indirect_dma source(%dma_start3A_152 : memref<32002048xf32, #tpu.memory_space<hbm>>) target(%dma_start3A_150 : memref<16xf32, #tpu.memory_space<vmem>>) offsets(%add3A_147 : vector<16xi32>) semaphore(%arg12 : memref<!tpu.dma_semaphore, #tpu.memory_space<semaphore_mem>>)
      %add3A_153 = arith.constant 8000512 : i32
      %add3A_154 = vector.broadcast %add3A_153 : i32 to vector<16xi32>
      %add3A_155 = arith.addi %get3A_23, %add3A_154 : vector<16xi32>
      %dma_start3A_156 = arith.constant 8 : i32
      %dma_start3A_157 = tpu.memref_slice %arg9[%dma_start3A_156, %mul3A_22] : memref<32x512xf32, #tpu.memory_space<vmem>> -> memref<1x16xf32, #tpu.memory_space<vmem>>
      %dma_start3A_158 = tpu.memref_squeeze %dma_start3A_157 : memref<1x16xf32, #tpu.memory_space<vmem>> -> memref<16xf32, #tpu.memory_space<vmem>>
      %dma_start3A_159 = arith.constant 0 : i32
      %dma_start3A_160 = tpu.memref_slice %arg4[%dma_start3A_159] : memref<32002048xf32, #tpu.memory_space<hbm>> -> memref<32002048xf32, #tpu.memory_space<hbm>>
      tpu.enqueue_indirect_dma source(%dma_start3A_160 : memref<32002048xf32, #tpu.memory_space<hbm>>) target(%dma_start3A_158 : memref<16xf32, #tpu.memory_space<vmem>>) offsets(%add3A_155 : vector<16xi32>) semaphore(%arg12 : memref<!tpu.dma_semaphore, #tpu.memory_space<semaphore_mem>>)
      %add3A_161 = arith.constant 8000512 : i32
      %add3A_162 = vector.broadcast %add3A_161 : i32 to vector<16xi32>
      %add3A_163 = arith.addi %get3A_25, %add3A_162 : vector<16xi32>
      %dma_start3A_164 = arith.constant 8 : i32
      %dma_start3A_165 = tpu.memref_slice %arg10[%dma_start3A_164, %mul3A_22] : memref<32x512xf32, #tpu.memory_space<vmem>> -> memref<1x16xf32, #tpu.memory_space<vmem>>
      %dma_start3A_166 = tpu.memref_squeeze %dma_start3A_165 : memref<1x16xf32, #tpu.memory_space<vmem>> -> memref<16xf32, #tpu.memory_space<vmem>>
      %dma_start3A_167 = arith.constant 0 : i32
      %dma_start3A_168 = tpu.memref_slice %arg5[%dma_start3A_167] : memref<32002048xf32, #tpu.memory_space<hbm>> -> memref<32002048xf32, #tpu.memory_space<hbm>>
      tpu.enqueue_indirect_dma source(%dma_start3A_168 : memref<32002048xf32, #tpu.memory_space<hbm>>) target(%dma_start3A_166 : memref<16xf32, #tpu.memory_space<vmem>>) offsets(%add3A_163 : vector<16xi32>) semaphore(%arg12 : memref<!tpu.dma_semaphore, #tpu.memory_space<semaphore_mem>>)
      %add3A_169 = arith.constant 9000576 : i32
      %add3A_170 = vector.broadcast %add3A_169 : i32 to vector<16xi32>
      %add3A_171 = arith.addi %get3A_23, %add3A_170 : vector<16xi32>
      %dma_start3A_172 = arith.constant 9 : i32
      %dma_start3A_173 = tpu.memref_slice %arg9[%dma_start3A_172, %mul3A_22] : memref<32x512xf32, #tpu.memory_space<vmem>> -> memref<1x16xf32, #tpu.memory_space<vmem>>
      %dma_start3A_174 = tpu.memref_squeeze %dma_start3A_173 : memref<1x16xf32, #tpu.memory_space<vmem>> -> memref<16xf32, #tpu.memory_space<vmem>>
      %dma_start3A_175 = arith.constant 0 : i32
      %dma_start3A_176 = tpu.memref_slice %arg4[%dma_start3A_175] : memref<32002048xf32, #tpu.memory_space<hbm>> -> memref<32002048xf32, #tpu.memory_space<hbm>>
      tpu.enqueue_indirect_dma source(%dma_start3A_176 : memref<32002048xf32, #tpu.memory_space<hbm>>) target(%dma_start3A_174 : memref<16xf32, #tpu.memory_space<vmem>>) offsets(%add3A_171 : vector<16xi32>) semaphore(%arg12 : memref<!tpu.dma_semaphore, #tpu.memory_space<semaphore_mem>>)
      %add3A_177 = arith.constant 9000576 : i32
      %add3A_178 = vector.broadcast %add3A_177 : i32 to vector<16xi32>
      %add3A_179 = arith.addi %get3A_25, %add3A_178 : vector<16xi32>
      %dma_start3A_180 = arith.constant 9 : i32
      %dma_start3A_181 = tpu.memref_slice %arg10[%dma_start3A_180, %mul3A_22] : memref<32x512xf32, #tpu.memory_space<vmem>> -> memref<1x16xf32, #tpu.memory_space<vmem>>
      %dma_start3A_182 = tpu.memref_squeeze %dma_start3A_181 : memref<1x16xf32, #tpu.memory_space<vmem>> -> memref<16xf32, #tpu.memory_space<vmem>>
      %dma_start3A_183 = arith.constant 0 : i32
      %dma_start3A_184 = tpu.memref_slice %arg5[%dma_start3A_183] : memref<32002048xf32, #tpu.memory_space<hbm>> -> memref<32002048xf32, #tpu.memory_space<hbm>>
      tpu.enqueue_indirect_dma source(%dma_start3A_184 : memref<32002048xf32, #tpu.memory_space<hbm>>) target(%dma_start3A_182 : memref<16xf32, #tpu.memory_space<vmem>>) offsets(%add3A_179 : vector<16xi32>) semaphore(%arg12 : memref<!tpu.dma_semaphore, #tpu.memory_space<semaphore_mem>>)
      %add3A_185 = arith.constant 10000640 : i32
      %add3A_186 = vector.broadcast %add3A_185 : i32 to vector<16xi32>
      %add3A_187 = arith.addi %get3A_23, %add3A_186 : vector<16xi32>
      %dma_start3A_188 = arith.constant 10 : i32
      %dma_start3A_189 = tpu.memref_slice %arg9[%dma_start3A_188, %mul3A_22] : memref<32x512xf32, #tpu.memory_space<vmem>> -> memref<1x16xf32, #tpu.memory_space<vmem>>
      %dma_start3A_190 = tpu.memref_squeeze %dma_start3A_189 : memref<1x16xf32, #tpu.memory_space<vmem>> -> memref<16xf32, #tpu.memory_space<vmem>>
      %dma_start3A_191 = arith.constant 0 : i32
      %dma_start3A_192 = tpu.memref_slice %arg4[%dma_start3A_191] : memref<32002048xf32, #tpu.memory_space<hbm>> -> memref<32002048xf32, #tpu.memory_space<hbm>>
      tpu.enqueue_indirect_dma source(%dma_start3A_192 : memref<32002048xf32, #tpu.memory_space<hbm>>) target(%dma_start3A_190 : memref<16xf32, #tpu.memory_space<vmem>>) offsets(%add3A_187 : vector<16xi32>) semaphore(%arg12 : memref<!tpu.dma_semaphore, #tpu.memory_space<semaphore_mem>>)
      %add3A_193 = arith.constant 10000640 : i32
      %add3A_194 = vector.broadcast %add3A_193 : i32 to vector<16xi32>
      %add3A_195 = arith.addi %get3A_25, %add3A_194 : vector<16xi32>
      %dma_start3A_196 = arith.constant 10 : i32
      %dma_start3A_197 = tpu.memref_slice %arg10[%dma_start3A_196, %mul3A_22] : memref<32x512xf32, #tpu.memory_space<vmem>> -> memref<1x16xf32, #tpu.memory_space<vmem>>
      %dma_start3A_198 = tpu.memref_squeeze %dma_start3A_197 : memref<1x16xf32, #tpu.memory_space<vmem>> -> memref<16xf32, #tpu.memory_space<vmem>>
      %dma_start3A_199 = arith.constant 0 : i32
      %dma_start3A_200 = tpu.memref_slice %arg5[%dma_start3A_199] : memref<32002048xf32, #tpu.memory_space<hbm>> -> memref<32002048xf32, #tpu.memory_space<hbm>>
      tpu.enqueue_indirect_dma source(%dma_start3A_200 : memref<32002048xf32, #tpu.memory_space<hbm>>) target(%dma_start3A_198 : memref<16xf32, #tpu.memory_space<vmem>>) offsets(%add3A_195 : vector<16xi32>) semaphore(%arg12 : memref<!tpu.dma_semaphore, #tpu.memory_space<semaphore_mem>>)
      %add3A_201 = arith.constant 11000704 : i32
      %add3A_202 = vector.broadcast %add3A_201 : i32 to vector<16xi32>
      %add3A_203 = arith.addi %get3A_23, %add3A_202 : vector<16xi32>
      %dma_start3A_204 = arith.constant 11 : i32
      %dma_start3A_205 = tpu.memref_slice %arg9[%dma_start3A_204, %mul3A_22] : memref<32x512xf32, #tpu.memory_space<vmem>> -> memref<1x16xf32, #tpu.memory_space<vmem>>
      %dma_start3A_206 = tpu.memref_squeeze %dma_start3A_205 : memref<1x16xf32, #tpu.memory_space<vmem>> -> memref<16xf32, #tpu.memory_space<vmem>>
      %dma_start3A_207 = arith.constant 0 : i32
      %dma_start3A_208 = tpu.memref_slice %arg4[%dma_start3A_207] : memref<32002048xf32, #tpu.memory_space<hbm>> -> memref<32002048xf32, #tpu.memory_space<hbm>>
      tpu.enqueue_indirect_dma source(%dma_start3A_208 : memref<32002048xf32, #tpu.memory_space<hbm>>) target(%dma_start3A_206 : memref<16xf32, #tpu.memory_space<vmem>>) offsets(%add3A_203 : vector<16xi32>) semaphore(%arg12 : memref<!tpu.dma_semaphore, #tpu.memory_space<semaphore_mem>>)
      %add3A_209 = arith.constant 11000704 : i32
      %add3A_210 = vector.broadcast %add3A_209 : i32 to vector<16xi32>
      %add3A_211 = arith.addi %get3A_25, %add3A_210 : vector<16xi32>
      %dma_start3A_212 = arith.constant 11 : i32
      %dma_start3A_213 = tpu.memref_slice %arg10[%dma_start3A_212, %mul3A_22] : memref<32x512xf32, #tpu.memory_space<vmem>> -> memref<1x16xf32, #tpu.memory_space<vmem>>
      %dma_start3A_214 = tpu.memref_squeeze %dma_start3A_213 : memref<1x16xf32, #tpu.memory_space<vmem>> -> memref<16xf32, #tpu.memory_space<vmem>>
      %dma_start3A_215 = arith.constant 0 : i32
      %dma_start3A_216 = tpu.memref_slice %arg5[%dma_start3A_215] : memref<32002048xf32, #tpu.memory_space<hbm>> -> memref<32002048xf32, #tpu.memory_space<hbm>>
      tpu.enqueue_indirect_dma source(%dma_start3A_216 : memref<32002048xf32, #tpu.memory_space<hbm>>) target(%dma_start3A_214 : memref<16xf32, #tpu.memory_space<vmem>>) offsets(%add3A_211 : vector<16xi32>) semaphore(%arg12 : memref<!tpu.dma_semaphore, #tpu.memory_space<semaphore_mem>>)
      %add3A_217 = arith.constant 12000768 : i32
      %add3A_218 = vector.broadcast %add3A_217 : i32 to vector<16xi32>
      %add3A_219 = arith.addi %get3A_23, %add3A_218 : vector<16xi32>
      %dma_start3A_220 = arith.constant 12 : i32
      %dma_start3A_221 = tpu.memref_slice %arg9[%dma_start3A_220, %mul3A_22] : memref<32x512xf32, #tpu.memory_space<vmem>> -> memref<1x16xf32, #tpu.memory_space<vmem>>
      %dma_start3A_222 = tpu.memref_squeeze %dma_start3A_221 : memref<1x16xf32, #tpu.memory_space<vmem>> -> memref<16xf32, #tpu.memory_space<vmem>>
      %dma_start3A_223 = arith.constant 0 : i32
      %dma_start3A_224 = tpu.memref_slice %arg4[%dma_start3A_223] : memref<32002048xf32, #tpu.memory_space<hbm>> -> memref<32002048xf32, #tpu.memory_space<hbm>>
      tpu.enqueue_indirect_dma source(%dma_start3A_224 : memref<32002048xf32, #tpu.memory_space<hbm>>) target(%dma_start3A_222 : memref<16xf32, #tpu.memory_space<vmem>>) offsets(%add3A_219 : vector<16xi32>) semaphore(%arg12 : memref<!tpu.dma_semaphore, #tpu.memory_space<semaphore_mem>>)
      %add3A_225 = arith.constant 12000768 : i32
      %add3A_226 = vector.broadcast %add3A_225 : i32 to vector<16xi32>
      %add3A_227 = arith.addi %get3A_25, %add3A_226 : vector<16xi32>
      %dma_start3A_228 = arith.constant 12 : i32
      %dma_start3A_229 = tpu.memref_slice %arg10[%dma_start3A_228, %mul3A_22] : memref<32x512xf32, #tpu.memory_space<vmem>> -> memref<1x16xf32, #tpu.memory_space<vmem>>
      %dma_start3A_230 = tpu.memref_squeeze %dma_start3A_229 : memref<1x16xf32, #tpu.memory_space<vmem>> -> memref<16xf32, #tpu.memory_space<vmem>>
      %dma_start3A_231 = arith.constant 0 : i32
      %dma_start3A_232 = tpu.memref_slice %arg5[%dma_start3A_231] : memref<32002048xf32, #tpu.memory_space<hbm>> -> memref<32002048xf32, #tpu.memory_space<hbm>>
      tpu.enqueue_indirect_dma source(%dma_start3A_232 : memref<32002048xf32, #tpu.memory_space<hbm>>) target(%dma_start3A_230 : memref<16xf32, #tpu.memory_space<vmem>>) offsets(%add3A_227 : vector<16xi32>) semaphore(%arg12 : memref<!tpu.dma_semaphore, #tpu.memory_space<semaphore_mem>>)
      %add3A_233 = arith.constant 13000832 : i32
      %add3A_234 = vector.broadcast %add3A_233 : i32 to vector<16xi32>
      %add3A_235 = arith.addi %get3A_23, %add3A_234 : vector<16xi32>
      %dma_start3A_236 = arith.constant 13 : i32
      %dma_start3A_237 = tpu.memref_slice %arg9[%dma_start3A_236, %mul3A_22] : memref<32x512xf32, #tpu.memory_space<vmem>> -> memref<1x16xf32, #tpu.memory_space<vmem>>
      %dma_start3A_238 = tpu.memref_squeeze %dma_start3A_237 : memref<1x16xf32, #tpu.memory_space<vmem>> -> memref<16xf32, #tpu.memory_space<vmem>>
      %dma_start3A_239 = arith.constant 0 : i32
      %dma_start3A_240 = tpu.memref_slice %arg4[%dma_start3A_239] : memref<32002048xf32, #tpu.memory_space<hbm>> -> memref<32002048xf32, #tpu.memory_space<hbm>>
      tpu.enqueue_indirect_dma source(%dma_start3A_240 : memref<32002048xf32, #tpu.memory_space<hbm>>) target(%dma_start3A_238 : memref<16xf32, #tpu.memory_space<vmem>>) offsets(%add3A_235 : vector<16xi32>) semaphore(%arg12 : memref<!tpu.dma_semaphore, #tpu.memory_space<semaphore_mem>>)
      %add3A_241 = arith.constant 13000832 : i32
      %add3A_242 = vector.broadcast %add3A_241 : i32 to vector<16xi32>
      %add3A_243 = arith.addi %get3A_25, %add3A_242 : vector<16xi32>
      %dma_start3A_244 = arith.constant 13 : i32
      %dma_start3A_245 = tpu.memref_slice %arg10[%dma_start3A_244, %mul3A_22] : memref<32x512xf32, #tpu.memory_space<vmem>> -> memref<1x16xf32, #tpu.memory_space<vmem>>
      %dma_start3A_246 = tpu.memref_squeeze %dma_start3A_245 : memref<1x16xf32, #tpu.memory_space<vmem>> -> memref<16xf32, #tpu.memory_space<vmem>>
      %dma_start3A_247 = arith.constant 0 : i32
      %dma_start3A_248 = tpu.memref_slice %arg5[%dma_start3A_247] : memref<32002048xf32, #tpu.memory_space<hbm>> -> memref<32002048xf32, #tpu.memory_space<hbm>>
      tpu.enqueue_indirect_dma source(%dma_start3A_248 : memref<32002048xf32, #tpu.memory_space<hbm>>) target(%dma_start3A_246 : memref<16xf32, #tpu.memory_space<vmem>>) offsets(%add3A_243 : vector<16xi32>) semaphore(%arg12 : memref<!tpu.dma_semaphore, #tpu.memory_space<semaphore_mem>>)
      %add3A_249 = arith.constant 14000896 : i32
      %add3A_250 = vector.broadcast %add3A_249 : i32 to vector<16xi32>
      %add3A_251 = arith.addi %get3A_23, %add3A_250 : vector<16xi32>
      %dma_start3A_252 = arith.constant 14 : i32
      %dma_start3A_253 = tpu.memref_slice %arg9[%dma_start3A_252, %mul3A_22] : memref<32x512xf32, #tpu.memory_space<vmem>> -> memref<1x16xf32, #tpu.memory_space<vmem>>
      %dma_start3A_254 = tpu.memref_squeeze %dma_start3A_253 : memref<1x16xf32, #tpu.memory_space<vmem>> -> memref<16xf32, #tpu.memory_space<vmem>>
      %dma_start3A_255 = arith.constant 0 : i32
      %dma_start3A_256 = tpu.memref_slice %arg4[%dma_start3A_255] : memref<32002048xf32, #tpu.memory_space<hbm>> -> memref<32002048xf32, #tpu.memory_space<hbm>>
      tpu.enqueue_indirect_dma source(%dma_start3A_256 : memref<32002048xf32, #tpu.memory_space<hbm>>) target(%dma_start3A_254 : memref<16xf32, #tpu.memory_space<vmem>>) offsets(%add3A_251 : vector<16xi32>) semaphore(%arg12 : memref<!tpu.dma_semaphore, #tpu.memory_space<semaphore_mem>>)
      %add3A_257 = arith.constant 14000896 : i32
      %add3A_258 = vector.broadcast %add3A_257 : i32 to vector<16xi32>
      %add3A_259 = arith.addi %get3A_25, %add3A_258 : vector<16xi32>
      %dma_start3A_260 = arith.constant 14 : i32
      %dma_start3A_261 = tpu.memref_slice %arg10[%dma_start3A_260, %mul3A_22] : memref<32x512xf32, #tpu.memory_space<vmem>> -> memref<1x16xf32, #tpu.memory_space<vmem>>
      %dma_start3A_262 = tpu.memref_squeeze %dma_start3A_261 : memref<1x16xf32, #tpu.memory_space<vmem>> -> memref<16xf32, #tpu.memory_space<vmem>>
      %dma_start3A_263 = arith.constant 0 : i32
      %dma_start3A_264 = tpu.memref_slice %arg5[%dma_start3A_263] : memref<32002048xf32, #tpu.memory_space<hbm>> -> memref<32002048xf32, #tpu.memory_space<hbm>>
      tpu.enqueue_indirect_dma source(%dma_start3A_264 : memref<32002048xf32, #tpu.memory_space<hbm>>) target(%dma_start3A_262 : memref<16xf32, #tpu.memory_space<vmem>>) offsets(%add3A_259 : vector<16xi32>) semaphore(%arg12 : memref<!tpu.dma_semaphore, #tpu.memory_space<semaphore_mem>>)
      %add3A_265 = arith.constant 15000960 : i32
      %add3A_266 = vector.broadcast %add3A_265 : i32 to vector<16xi32>
      %add3A_267 = arith.addi %get3A_23, %add3A_266 : vector<16xi32>
      %dma_start3A_268 = arith.constant 15 : i32
      %dma_start3A_269 = tpu.memref_slice %arg9[%dma_start3A_268, %mul3A_22] : memref<32x512xf32, #tpu.memory_space<vmem>> -> memref<1x16xf32, #tpu.memory_space<vmem>>
      %dma_start3A_270 = tpu.memref_squeeze %dma_start3A_269 : memref<1x16xf32, #tpu.memory_space<vmem>> -> memref<16xf32, #tpu.memory_space<vmem>>
      %dma_start3A_271 = arith.constant 0 : i32
      %dma_start3A_272 = tpu.memref_slice %arg4[%dma_start3A_271] : memref<32002048xf32, #tpu.memory_space<hbm>> -> memref<32002048xf32, #tpu.memory_space<hbm>>
      tpu.enqueue_indirect_dma source(%dma_start3A_272 : memref<32002048xf32, #tpu.memory_space<hbm>>) target(%dma_start3A_270 : memref<16xf32, #tpu.memory_space<vmem>>) offsets(%add3A_267 : vector<16xi32>) semaphore(%arg12 : memref<!tpu.dma_semaphore, #tpu.memory_space<semaphore_mem>>)
      %add3A_273 = arith.constant 15000960 : i32
      %add3A_274 = vector.broadcast %add3A_273 : i32 to vector<16xi32>
      %add3A_275 = arith.addi %get3A_25, %add3A_274 : vector<16xi32>
      %dma_start3A_276 = arith.constant 15 : i32
      %dma_start3A_277 = tpu.memref_slice %arg10[%dma_start3A_276, %mul3A_22] : memref<32x512xf32, #tpu.memory_space<vmem>> -> memref<1x16xf32, #tpu.memory_space<vmem>>
      %dma_start3A_278 = tpu.memref_squeeze %dma_start3A_277 : memref<1x16xf32, #tpu.memory_space<vmem>> -> memref<16xf32, #tpu.memory_space<vmem>>
      %dma_start3A_279 = arith.constant 0 : i32
      %dma_start3A_280 = tpu.memref_slice %arg5[%dma_start3A_279] : memref<32002048xf32, #tpu.memory_space<hbm>> -> memref<32002048xf32, #tpu.memory_space<hbm>>
      tpu.enqueue_indirect_dma source(%dma_start3A_280 : memref<32002048xf32, #tpu.memory_space<hbm>>) target(%dma_start3A_278 : memref<16xf32, #tpu.memory_space<vmem>>) offsets(%add3A_275 : vector<16xi32>) semaphore(%arg12 : memref<!tpu.dma_semaphore, #tpu.memory_space<semaphore_mem>>)
      %add3A_281 = arith.constant 16001024 : i32
      %add3A_282 = vector.broadcast %add3A_281 : i32 to vector<16xi32>
      %add3A_283 = arith.addi %get3A_23, %add3A_282 : vector<16xi32>
      %dma_start3A_284 = arith.constant 16 : i32
      %dma_start3A_285 = tpu.memref_slice %arg9[%dma_start3A_284, %mul3A_22] : memref<32x512xf32, #tpu.memory_space<vmem>> -> memref<1x16xf32, #tpu.memory_space<vmem>>
      %dma_start3A_286 = tpu.memref_squeeze %dma_start3A_285 : memref<1x16xf32, #tpu.memory_space<vmem>> -> memref<16xf32, #tpu.memory_space<vmem>>
      %dma_start3A_287 = arith.constant 0 : i32
      %dma_start3A_288 = tpu.memref_slice %arg4[%dma_start3A_287] : memref<32002048xf32, #tpu.memory_space<hbm>> -> memref<32002048xf32, #tpu.memory_space<hbm>>
      tpu.enqueue_indirect_dma source(%dma_start3A_288 : memref<32002048xf32, #tpu.memory_space<hbm>>) target(%dma_start3A_286 : memref<16xf32, #tpu.memory_space<vmem>>) offsets(%add3A_283 : vector<16xi32>) semaphore(%arg12 : memref<!tpu.dma_semaphore, #tpu.memory_space<semaphore_mem>>)
      %add3A_289 = arith.constant 16001024 : i32
      %add3A_290 = vector.broadcast %add3A_289 : i32 to vector<16xi32>
      %add3A_291 = arith.addi %get3A_25, %add3A_290 : vector<16xi32>
      %dma_start3A_292 = arith.constant 16 : i32
      %dma_start3A_293 = tpu.memref_slice %arg10[%dma_start3A_292, %mul3A_22] : memref<32x512xf32, #tpu.memory_space<vmem>> -> memref<1x16xf32, #tpu.memory_space<vmem>>
      %dma_start3A_294 = tpu.memref_squeeze %dma_start3A_293 : memref<1x16xf32, #tpu.memory_space<vmem>> -> memref<16xf32, #tpu.memory_space<vmem>>
      %dma_start3A_295 = arith.constant 0 : i32
      %dma_start3A_296 = tpu.memref_slice %arg5[%dma_start3A_295] : memref<32002048xf32, #tpu.memory_space<hbm>> -> memref<32002048xf32, #tpu.memory_space<hbm>>
      tpu.enqueue_indirect_dma source(%dma_start3A_296 : memref<32002048xf32, #tpu.memory_space<hbm>>) target(%dma_start3A_294 : memref<16xf32, #tpu.memory_space<vmem>>) offsets(%add3A_291 : vector<16xi32>) semaphore(%arg12 : memref<!tpu.dma_semaphore, #tpu.memory_space<semaphore_mem>>)
      %add3A_297 = arith.constant 17001088 : i32
      %add3A_298 = vector.broadcast %add3A_297 : i32 to vector<16xi32>
      %add3A_299 = arith.addi %get3A_23, %add3A_298 : vector<16xi32>
      %dma_start3A_300 = arith.constant 17 : i32
      %dma_start3A_301 = tpu.memref_slice %arg9[%dma_start3A_300, %mul3A_22] : memref<32x512xf32, #tpu.memory_space<vmem>> -> memref<1x16xf32, #tpu.memory_space<vmem>>
      %dma_start3A_302 = tpu.memref_squeeze %dma_start3A_301 : memref<1x16xf32, #tpu.memory_space<vmem>> -> memref<16xf32, #tpu.memory_space<vmem>>
      %dma_start3A_303 = arith.constant 0 : i32
      %dma_start3A_304 = tpu.memref_slice %arg4[%dma_start3A_303] : memref<32002048xf32, #tpu.memory_space<hbm>> -> memref<32002048xf32, #tpu.memory_space<hbm>>
      tpu.enqueue_indirect_dma source(%dma_start3A_304 : memref<32002048xf32, #tpu.memory_space<hbm>>) target(%dma_start3A_302 : memref<16xf32, #tpu.memory_space<vmem>>) offsets(%add3A_299 : vector<16xi32>) semaphore(%arg12 : memref<!tpu.dma_semaphore, #tpu.memory_space<semaphore_mem>>)
      %add3A_305 = arith.constant 17001088 : i32
      %add3A_306 = vector.broadcast %add3A_305 : i32 to vector<16xi32>
      %add3A_307 = arith.addi %get3A_25, %add3A_306 : vector<16xi32>
      %dma_start3A_308 = arith.constant 17 : i32
      %dma_start3A_309 = tpu.memref_slice %arg10[%dma_start3A_308, %mul3A_22] : memref<32x512xf32, #tpu.memory_space<vmem>> -> memref<1x16xf32, #tpu.memory_space<vmem>>
      %dma_start3A_310 = tpu.memref_squeeze %dma_start3A_309 : memref<1x16xf32, #tpu.memory_space<vmem>> -> memref<16xf32, #tpu.memory_space<vmem>>
      %dma_start3A_311 = arith.constant 0 : i32
      %dma_start3A_312 = tpu.memref_slice %arg5[%dma_start3A_311] : memref<32002048xf32, #tpu.memory_space<hbm>> -> memref<32002048xf32, #tpu.memory_space<hbm>>
      tpu.enqueue_indirect_dma source(%dma_start3A_312 : memref<32002048xf32, #tpu.memory_space<hbm>>) target(%dma_start3A_310 : memref<16xf32, #tpu.memory_space<vmem>>) offsets(%add3A_307 : vector<16xi32>) semaphore(%arg12 : memref<!tpu.dma_semaphore, #tpu.memory_space<semaphore_mem>>)
      %add3A_313 = arith.constant 18001152 : i32
      %add3A_314 = vector.broadcast %add3A_313 : i32 to vector<16xi32>
      %add3A_315 = arith.addi %get3A_23, %add3A_314 : vector<16xi32>
      %dma_start3A_316 = arith.constant 18 : i32
      %dma_start3A_317 = tpu.memref_slice %arg9[%dma_start3A_316, %mul3A_22] : memref<32x512xf32, #tpu.memory_space<vmem>> -> memref<1x16xf32, #tpu.memory_space<vmem>>
      %dma_start3A_318 = tpu.memref_squeeze %dma_start3A_317 : memref<1x16xf32, #tpu.memory_space<vmem>> -> memref<16xf32, #tpu.memory_space<vmem>>
      %dma_start3A_319 = arith.constant 0 : i32
      %dma_start3A_320 = tpu.memref_slice %arg4[%dma_start3A_319] : memref<32002048xf32, #tpu.memory_space<hbm>> -> memref<32002048xf32, #tpu.memory_space<hbm>>
      tpu.enqueue_indirect_dma source(%dma_start3A_320 : memref<32002048xf32, #tpu.memory_space<hbm>>) target(%dma_start3A_318 : memref<16xf32, #tpu.memory_space<vmem>>) offsets(%add3A_315 : vector<16xi32>) semaphore(%arg12 : memref<!tpu.dma_semaphore, #tpu.memory_space<semaphore_mem>>)
      %add3A_321 = arith.constant 18001152 : i32
      %add3A_322 = vector.broadcast %add3A_321 : i32 to vector<16xi32>
      %add3A_323 = arith.addi %get3A_25, %add3A_322 : vector<16xi32>
      %dma_start3A_324 = arith.constant 18 : i32
      %dma_start3A_325 = tpu.memref_slice %arg10[%dma_start3A_324, %mul3A_22] : memref<32x512xf32, #tpu.memory_space<vmem>> -> memref<1x16xf32, #tpu.memory_space<vmem>>
      %dma_start3A_326 = tpu.memref_squeeze %dma_start3A_325 : memref<1x16xf32, #tpu.memory_space<vmem>> -> memref<16xf32, #tpu.memory_space<vmem>>
      %dma_start3A_327 = arith.constant 0 : i32
      %dma_start3A_328 = tpu.memref_slice %arg5[%dma_start3A_327] : memref<32002048xf32, #tpu.memory_space<hbm>> -> memref<32002048xf32, #tpu.memory_space<hbm>>
      tpu.enqueue_indirect_dma source(%dma_start3A_328 : memref<32002048xf32, #tpu.memory_space<hbm>>) target(%dma_start3A_326 : memref<16xf32, #tpu.memory_space<vmem>>) offsets(%add3A_323 : vector<16xi32>) semaphore(%arg12 : memref<!tpu.dma_semaphore, #tpu.memory_space<semaphore_mem>>)
      %add3A_329 = arith.constant 19001216 : i32
      %add3A_330 = vector.broadcast %add3A_329 : i32 to vector<16xi32>
      %add3A_331 = arith.addi %get3A_23, %add3A_330 : vector<16xi32>
      %dma_start3A_332 = arith.constant 19 : i32
      %dma_start3A_333 = tpu.memref_slice %arg9[%dma_start3A_332, %mul3A_22] : memref<32x512xf32, #tpu.memory_space<vmem>> -> memref<1x16xf32, #tpu.memory_space<vmem>>
      %dma_start3A_334 = tpu.memref_squeeze %dma_start3A_333 : memref<1x16xf32, #tpu.memory_space<vmem>> -> memref<16xf32, #tpu.memory_space<vmem>>
      %dma_start3A_335 = arith.constant 0 : i32
      %dma_start3A_336 = tpu.memref_slice %arg4[%dma_start3A_335] : memref<32002048xf32, #tpu.memory_space<hbm>> -> memref<32002048xf32, #tpu.memory_space<hbm>>
      tpu.enqueue_indirect_dma source(%dma_start3A_336 : memref<32002048xf32, #tpu.memory_space<hbm>>) target(%dma_start3A_334 : memref<16xf32, #tpu.memory_space<vmem>>) offsets(%add3A_331 : vector<16xi32>) semaphore(%arg12 : memref<!tpu.dma_semaphore, #tpu.memory_space<semaphore_mem>>)
      %add3A_337 = arith.constant 19001216 : i32
      %add3A_338 = vector.broadcast %add3A_337 : i32 to vector<16xi32>
      %add3A_339 = arith.addi %get3A_25, %add3A_338 : vector<16xi32>
      %dma_start3A_340 = arith.constant 19 : i32
      %dma_start3A_341 = tpu.memref_slice %arg10[%dma_start3A_340, %mul3A_22] : memref<32x512xf32, #tpu.memory_space<vmem>> -> memref<1x16xf32, #tpu.memory_space<vmem>>
      %dma_start3A_342 = tpu.memref_squeeze %dma_start3A_341 : memref<1x16xf32, #tpu.memory_space<vmem>> -> memref<16xf32, #tpu.memory_space<vmem>>
      %dma_start3A_343 = arith.constant 0 : i32
      %dma_start3A_344 = tpu.memref_slice %arg5[%dma_start3A_343] : memref<32002048xf32, #tpu.memory_space<hbm>> -> memref<32002048xf32, #tpu.memory_space<hbm>>
      tpu.enqueue_indirect_dma source(%dma_start3A_344 : memref<32002048xf32, #tpu.memory_space<hbm>>) target(%dma_start3A_342 : memref<16xf32, #tpu.memory_space<vmem>>) offsets(%add3A_339 : vector<16xi32>) semaphore(%arg12 : memref<!tpu.dma_semaphore, #tpu.memory_space<semaphore_mem>>)
      %add3A_345 = arith.constant 20001280 : i32
      %add3A_346 = vector.broadcast %add3A_345 : i32 to vector<16xi32>
      %add3A_347 = arith.addi %get3A_23, %add3A_346 : vector<16xi32>
      %dma_start3A_348 = arith.constant 20 : i32
      %dma_start3A_349 = tpu.memref_slice %arg9[%dma_start3A_348, %mul3A_22] : memref<32x512xf32, #tpu.memory_space<vmem>> -> memref<1x16xf32, #tpu.memory_space<vmem>>
      %dma_start3A_350 = tpu.memref_squeeze %dma_start3A_349 : memref<1x16xf32, #tpu.memory_space<vmem>> -> memref<16xf32, #tpu.memory_space<vmem>>
      %dma_start3A_351 = arith.constant 0 : i32
      %dma_start3A_352 = tpu.memref_slice %arg4[%dma_start3A_351] : memref<32002048xf32, #tpu.memory_space<hbm>> -> memref<32002048xf32, #tpu.memory_space<hbm>>
      tpu.enqueue_indirect_dma source(%dma_start3A_352 : memref<32002048xf32, #tpu.memory_space<hbm>>) target(%dma_start3A_350 : memref<16xf32, #tpu.memory_space<vmem>>) offsets(%add3A_347 : vector<16xi32>) semaphore(%arg12 : memref<!tpu.dma_semaphore, #tpu.memory_space<semaphore_mem>>)
      %add3A_353 = arith.constant 20001280 : i32
      %add3A_354 = vector.broadcast %add3A_353 : i32 to vector<16xi32>
      %add3A_355 = arith.addi %get3A_25, %add3A_354 : vector<16xi32>
      %dma_start3A_356 = arith.constant 20 : i32
      %dma_start3A_357 = tpu.memref_slice %arg10[%dma_start3A_356, %mul3A_22] : memref<32x512xf32, #tpu.memory_space<vmem>> -> memref<1x16xf32, #tpu.memory_space<vmem>>
      %dma_start3A_358 = tpu.memref_squeeze %dma_start3A_357 : memref<1x16xf32, #tpu.memory_space<vmem>> -> memref<16xf32, #tpu.memory_space<vmem>>
      %dma_start3A_359 = arith.constant 0 : i32
      %dma_start3A_360 = tpu.memref_slice %arg5[%dma_start3A_359] : memref<32002048xf32, #tpu.memory_space<hbm>> -> memref<32002048xf32, #tpu.memory_space<hbm>>
      tpu.enqueue_indirect_dma source(%dma_start3A_360 : memref<32002048xf32, #tpu.memory_space<hbm>>) target(%dma_start3A_358 : memref<16xf32, #tpu.memory_space<vmem>>) offsets(%add3A_355 : vector<16xi32>) semaphore(%arg12 : memref<!tpu.dma_semaphore, #tpu.memory_space<semaphore_mem>>)
      %add3A_361 = arith.constant 21001344 : i32
      %add3A_362 = vector.broadcast %add3A_361 : i32 to vector<16xi32>
      %add3A_363 = arith.addi %get3A_23, %add3A_362 : vector<16xi32>
      %dma_start3A_364 = arith.constant 21 : i32
      %dma_start3A_365 = tpu.memref_slice %arg9[%dma_start3A_364, %mul3A_22] : memref<32x512xf32, #tpu.memory_space<vmem>> -> memref<1x16xf32, #tpu.memory_space<vmem>>
      %dma_start3A_366 = tpu.memref_squeeze %dma_start3A_365 : memref<1x16xf32, #tpu.memory_space<vmem>> -> memref<16xf32, #tpu.memory_space<vmem>>
      %dma_start3A_367 = arith.constant 0 : i32
      %dma_start3A_368 = tpu.memref_slice %arg4[%dma_start3A_367] : memref<32002048xf32, #tpu.memory_space<hbm>> -> memref<32002048xf32, #tpu.memory_space<hbm>>
      tpu.enqueue_indirect_dma source(%dma_start3A_368 : memref<32002048xf32, #tpu.memory_space<hbm>>) target(%dma_start3A_366 : memref<16xf32, #tpu.memory_space<vmem>>) offsets(%add3A_363 : vector<16xi32>) semaphore(%arg12 : memref<!tpu.dma_semaphore, #tpu.memory_space<semaphore_mem>>)
      %add3A_369 = arith.constant 21001344 : i32
      %add3A_370 = vector.broadcast %add3A_369 : i32 to vector<16xi32>
      %add3A_371 = arith.addi %get3A_25, %add3A_370 : vector<16xi32>
      %dma_start3A_372 = arith.constant 21 : i32
      %dma_start3A_373 = tpu.memref_slice %arg10[%dma_start3A_372, %mul3A_22] : memref<32x512xf32, #tpu.memory_space<vmem>> -> memref<1x16xf32, #tpu.memory_space<vmem>>
      %dma_start3A_374 = tpu.memref_squeeze %dma_start3A_373 : memref<1x16xf32, #tpu.memory_space<vmem>> -> memref<16xf32, #tpu.memory_space<vmem>>
      %dma_start3A_375 = arith.constant 0 : i32
      %dma_start3A_376 = tpu.memref_slice %arg5[%dma_start3A_375] : memref<32002048xf32, #tpu.memory_space<hbm>> -> memref<32002048xf32, #tpu.memory_space<hbm>>
      tpu.enqueue_indirect_dma source(%dma_start3A_376 : memref<32002048xf32, #tpu.memory_space<hbm>>) target(%dma_start3A_374 : memref<16xf32, #tpu.memory_space<vmem>>) offsets(%add3A_371 : vector<16xi32>) semaphore(%arg12 : memref<!tpu.dma_semaphore, #tpu.memory_space<semaphore_mem>>)
      %add3A_377 = arith.constant 22001408 : i32
      %add3A_378 = vector.broadcast %add3A_377 : i32 to vector<16xi32>
      %add3A_379 = arith.addi %get3A_23, %add3A_378 : vector<16xi32>
      %dma_start3A_380 = arith.constant 22 : i32
      %dma_start3A_381 = tpu.memref_slice %arg9[%dma_start3A_380, %mul3A_22] : memref<32x512xf32, #tpu.memory_space<vmem>> -> memref<1x16xf32, #tpu.memory_space<vmem>>
      %dma_start3A_382 = tpu.memref_squeeze %dma_start3A_381 : memref<1x16xf32, #tpu.memory_space<vmem>> -> memref<16xf32, #tpu.memory_space<vmem>>
      %dma_start3A_383 = arith.constant 0 : i32
      %dma_start3A_384 = tpu.memref_slice %arg4[%dma_start3A_383] : memref<32002048xf32, #tpu.memory_space<hbm>> -> memref<32002048xf32, #tpu.memory_space<hbm>>
      tpu.enqueue_indirect_dma source(%dma_start3A_384 : memref<32002048xf32, #tpu.memory_space<hbm>>) target(%dma_start3A_382 : memref<16xf32, #tpu.memory_space<vmem>>) offsets(%add3A_379 : vector<16xi32>) semaphore(%arg12 : memref<!tpu.dma_semaphore, #tpu.memory_space<semaphore_mem>>)
      %add3A_385 = arith.constant 22001408 : i32
      %add3A_386 = vector.broadcast %add3A_385 : i32 to vector<16xi32>
      %add3A_387 = arith.addi %get3A_25, %add3A_386 : vector<16xi32>
      %dma_start3A_388 = arith.constant 22 : i32
      %dma_start3A_389 = tpu.memref_slice %arg10[%dma_start3A_388, %mul3A_22] : memref<32x512xf32, #tpu.memory_space<vmem>> -> memref<1x16xf32, #tpu.memory_space<vmem>>
      %dma_start3A_390 = tpu.memref_squeeze %dma_start3A_389 : memref<1x16xf32, #tpu.memory_space<vmem>> -> memref<16xf32, #tpu.memory_space<vmem>>
      %dma_start3A_391 = arith.constant 0 : i32
      %dma_start3A_392 = tpu.memref_slice %arg5[%dma_start3A_391] : memref<32002048xf32, #tpu.memory_space<hbm>> -> memref<32002048xf32, #tpu.memory_space<hbm>>
      tpu.enqueue_indirect_dma source(%dma_start3A_392 : memref<32002048xf32, #tpu.memory_space<hbm>>) target(%dma_start3A_390 : memref<16xf32, #tpu.memory_space<vmem>>) offsets(%add3A_387 : vector<16xi32>) semaphore(%arg12 : memref<!tpu.dma_semaphore, #tpu.memory_space<semaphore_mem>>)
      %add3A_393 = arith.constant 23001472 : i32
      %add3A_394 = vector.broadcast %add3A_393 : i32 to vector<16xi32>
      %add3A_395 = arith.addi %get3A_23, %add3A_394 : vector<16xi32>
      %dma_start3A_396 = arith.constant 23 : i32
      %dma_start3A_397 = tpu.memref_slice %arg9[%dma_start3A_396, %mul3A_22] : memref<32x512xf32, #tpu.memory_space<vmem>> -> memref<1x16xf32, #tpu.memory_space<vmem>>
      %dma_start3A_398 = tpu.memref_squeeze %dma_start3A_397 : memref<1x16xf32, #tpu.memory_space<vmem>> -> memref<16xf32, #tpu.memory_space<vmem>>
      %dma_start3A_399 = arith.constant 0 : i32
      %dma_start3A_400 = tpu.memref_slice %arg4[%dma_start3A_399] : memref<32002048xf32, #tpu.memory_space<hbm>> -> memref<32002048xf32, #tpu.memory_space<hbm>>
      tpu.enqueue_indirect_dma source(%dma_start3A_400 : memref<32002048xf32, #tpu.memory_space<hbm>>) target(%dma_start3A_398 : memref<16xf32, #tpu.memory_space<vmem>>) offsets(%add3A_395 : vector<16xi32>) semaphore(%arg12 : memref<!tpu.dma_semaphore, #tpu.memory_space<semaphore_mem>>)
      %add3A_401 = arith.constant 23001472 : i32
      %add3A_402 = vector.broadcast %add3A_401 : i32 to vector<16xi32>
      %add3A_403 = arith.addi %get3A_25, %add3A_402 : vector<16xi32>
      %dma_start3A_404 = arith.constant 23 : i32
      %dma_start3A_405 = tpu.memref_slice %arg10[%dma_start3A_404, %mul3A_22] : memref<32x512xf32, #tpu.memory_space<vmem>> -> memref<1x16xf32, #tpu.memory_space<vmem>>
      %dma_start3A_406 = tpu.memref_squeeze %dma_start3A_405 : memref<1x16xf32, #tpu.memory_space<vmem>> -> memref<16xf32, #tpu.memory_space<vmem>>
      %dma_start3A_407 = arith.constant 0 : i32
      %dma_start3A_408 = tpu.memref_slice %arg5[%dma_start3A_407] : memref<32002048xf32, #tpu.memory_space<hbm>> -> memref<32002048xf32, #tpu.memory_space<hbm>>
      tpu.enqueue_indirect_dma source(%dma_start3A_408 : memref<32002048xf32, #tpu.memory_space<hbm>>) target(%dma_start3A_406 : memref<16xf32, #tpu.memory_space<vmem>>) offsets(%add3A_403 : vector<16xi32>) semaphore(%arg12 : memref<!tpu.dma_semaphore, #tpu.memory_space<semaphore_mem>>)
      %add3A_409 = arith.constant 24001536 : i32
      %add3A_410 = vector.broadcast %add3A_409 : i32 to vector<16xi32>
      %add3A_411 = arith.addi %get3A_23, %add3A_410 : vector<16xi32>
      %dma_start3A_412 = arith.constant 24 : i32
      %dma_start3A_413 = tpu.memref_slice %arg9[%dma_start3A_412, %mul3A_22] : memref<32x512xf32, #tpu.memory_space<vmem>> -> memref<1x16xf32, #tpu.memory_space<vmem>>
      %dma_start3A_414 = tpu.memref_squeeze %dma_start3A_413 : memref<1x16xf32, #tpu.memory_space<vmem>> -> memref<16xf32, #tpu.memory_space<vmem>>
      %dma_start3A_415 = arith.constant 0 : i32
      %dma_start3A_416 = tpu.memref_slice %arg4[%dma_start3A_415] : memref<32002048xf32, #tpu.memory_space<hbm>> -> memref<32002048xf32, #tpu.memory_space<hbm>>
      tpu.enqueue_indirect_dma source(%dma_start3A_416 : memref<32002048xf32, #tpu.memory_space<hbm>>) target(%dma_start3A_414 : memref<16xf32, #tpu.memory_space<vmem>>) offsets(%add3A_411 : vector<16xi32>) semaphore(%arg12 : memref<!tpu.dma_semaphore, #tpu.memory_space<semaphore_mem>>)
      %add3A_417 = arith.constant 24001536 : i32
      %add3A_418 = vector.broadcast %add3A_417 : i32 to vector<16xi32>
      %add3A_419 = arith.addi %get3A_25, %add3A_418 : vector<16xi32>
      %dma_start3A_420 = arith.constant 24 : i32
      %dma_start3A_421 = tpu.memref_slice %arg10[%dma_start3A_420, %mul3A_22] : memref<32x512xf32, #tpu.memory_space<vmem>> -> memref<1x16xf32, #tpu.memory_space<vmem>>
      %dma_start3A_422 = tpu.memref_squeeze %dma_start3A_421 : memref<1x16xf32, #tpu.memory_space<vmem>> -> memref<16xf32, #tpu.memory_space<vmem>>
      %dma_start3A_423 = arith.constant 0 : i32
      %dma_start3A_424 = tpu.memref_slice %arg5[%dma_start3A_423] : memref<32002048xf32, #tpu.memory_space<hbm>> -> memref<32002048xf32, #tpu.memory_space<hbm>>
      tpu.enqueue_indirect_dma source(%dma_start3A_424 : memref<32002048xf32, #tpu.memory_space<hbm>>) target(%dma_start3A_422 : memref<16xf32, #tpu.memory_space<vmem>>) offsets(%add3A_419 : vector<16xi32>) semaphore(%arg12 : memref<!tpu.dma_semaphore, #tpu.memory_space<semaphore_mem>>)
      %add3A_425 = arith.constant 25001600 : i32
      %add3A_426 = vector.broadcast %add3A_425 : i32 to vector<16xi32>
      %add3A_427 = arith.addi %get3A_23, %add3A_426 : vector<16xi32>
      %dma_start3A_428 = arith.constant 25 : i32
      %dma_start3A_429 = tpu.memref_slice %arg9[%dma_start3A_428, %mul3A_22] : memref<32x512xf32, #tpu.memory_space<vmem>> -> memref<1x16xf32, #tpu.memory_space<vmem>>
      %dma_start3A_430 = tpu.memref_squeeze %dma_start3A_429 : memref<1x16xf32, #tpu.memory_space<vmem>> -> memref<16xf32, #tpu.memory_space<vmem>>
      %dma_start3A_431 = arith.constant 0 : i32
      %dma_start3A_432 = tpu.memref_slice %arg4[%dma_start3A_431] : memref<32002048xf32, #tpu.memory_space<hbm>> -> memref<32002048xf32, #tpu.memory_space<hbm>>
      tpu.enqueue_indirect_dma source(%dma_start3A_432 : memref<32002048xf32, #tpu.memory_space<hbm>>) target(%dma_start3A_430 : memref<16xf32, #tpu.memory_space<vmem>>) offsets(%add3A_427 : vector<16xi32>) semaphore(%arg12 : memref<!tpu.dma_semaphore, #tpu.memory_space<semaphore_mem>>)
      %add3A_433 = arith.constant 25001600 : i32
      %add3A_434 = vector.broadcast %add3A_433 : i32 to vector<16xi32>
      %add3A_435 = arith.addi %get3A_25, %add3A_434 : vector<16xi32>
      %dma_start3A_436 = arith.constant 25 : i32
      %dma_start3A_437 = tpu.memref_slice %arg10[%dma_start3A_436, %mul3A_22] : memref<32x512xf32, #tpu.memory_space<vmem>> -> memref<1x16xf32, #tpu.memory_space<vmem>>
      %dma_start3A_438 = tpu.memref_squeeze %dma_start3A_437 : memref<1x16xf32, #tpu.memory_space<vmem>> -> memref<16xf32, #tpu.memory_space<vmem>>
      %dma_start3A_439 = arith.constant 0 : i32
      %dma_start3A_440 = tpu.memref_slice %arg5[%dma_start3A_439] : memref<32002048xf32, #tpu.memory_space<hbm>> -> memref<32002048xf32, #tpu.memory_space<hbm>>
      tpu.enqueue_indirect_dma source(%dma_start3A_440 : memref<32002048xf32, #tpu.memory_space<hbm>>) target(%dma_start3A_438 : memref<16xf32, #tpu.memory_space<vmem>>) offsets(%add3A_435 : vector<16xi32>) semaphore(%arg12 : memref<!tpu.dma_semaphore, #tpu.memory_space<semaphore_mem>>)
      %add3A_441 = arith.constant 26001664 : i32
      %add3A_442 = vector.broadcast %add3A_441 : i32 to vector<16xi32>
      %add3A_443 = arith.addi %get3A_23, %add3A_442 : vector<16xi32>
      %dma_start3A_444 = arith.constant 26 : i32
      %dma_start3A_445 = tpu.memref_slice %arg9[%dma_start3A_444, %mul3A_22] : memref<32x512xf32, #tpu.memory_space<vmem>> -> memref<1x16xf32, #tpu.memory_space<vmem>>
      %dma_start3A_446 = tpu.memref_squeeze %dma_start3A_445 : memref<1x16xf32, #tpu.memory_space<vmem>> -> memref<16xf32, #tpu.memory_space<vmem>>
      %dma_start3A_447 = arith.constant 0 : i32
      %dma_start3A_448 = tpu.memref_slice %arg4[%dma_start3A_447] : memref<32002048xf32, #tpu.memory_space<hbm>> -> memref<32002048xf32, #tpu.memory_space<hbm>>
      tpu.enqueue_indirect_dma source(%dma_start3A_448 : memref<32002048xf32, #tpu.memory_space<hbm>>) target(%dma_start3A_446 : memref<16xf32, #tpu.memory_space<vmem>>) offsets(%add3A_443 : vector<16xi32>) semaphore(%arg12 : memref<!tpu.dma_semaphore, #tpu.memory_space<semaphore_mem>>)
      %add3A_449 = arith.constant 26001664 : i32
      %add3A_450 = vector.broadcast %add3A_449 : i32 to vector<16xi32>
      %add3A_451 = arith.addi %get3A_25, %add3A_450 : vector<16xi32>
      %dma_start3A_452 = arith.constant 26 : i32
      %dma_start3A_453 = tpu.memref_slice %arg10[%dma_start3A_452, %mul3A_22] : memref<32x512xf32, #tpu.memory_space<vmem>> -> memref<1x16xf32, #tpu.memory_space<vmem>>
      %dma_start3A_454 = tpu.memref_squeeze %dma_start3A_453 : memref<1x16xf32, #tpu.memory_space<vmem>> -> memref<16xf32, #tpu.memory_space<vmem>>
      %dma_start3A_455 = arith.constant 0 : i32
      %dma_start3A_456 = tpu.memref_slice %arg5[%dma_start3A_455] : memref<32002048xf32, #tpu.memory_space<hbm>> -> memref<32002048xf32, #tpu.memory_space<hbm>>
      tpu.enqueue_indirect_dma source(%dma_start3A_456 : memref<32002048xf32, #tpu.memory_space<hbm>>) target(%dma_start3A_454 : memref<16xf32, #tpu.memory_space<vmem>>) offsets(%add3A_451 : vector<16xi32>) semaphore(%arg12 : memref<!tpu.dma_semaphore, #tpu.memory_space<semaphore_mem>>)
      %add3A_457 = arith.constant 27001728 : i32
      %add3A_458 = vector.broadcast %add3A_457 : i32 to vector<16xi32>
      %add3A_459 = arith.addi %get3A_23, %add3A_458 : vector<16xi32>
      %dma_start3A_460 = arith.constant 27 : i32
      %dma_start3A_461 = tpu.memref_slice %arg9[%dma_start3A_460, %mul3A_22] : memref<32x512xf32, #tpu.memory_space<vmem>> -> memref<1x16xf32, #tpu.memory_space<vmem>>
      %dma_start3A_462 = tpu.memref_squeeze %dma_start3A_461 : memref<1x16xf32, #tpu.memory_space<vmem>> -> memref<16xf32, #tpu.memory_space<vmem>>
      %dma_start3A_463 = arith.constant 0 : i32
      %dma_start3A_464 = tpu.memref_slice %arg4[%dma_start3A_463] : memref<32002048xf32, #tpu.memory_space<hbm>> -> memref<32002048xf32, #tpu.memory_space<hbm>>
      tpu.enqueue_indirect_dma source(%dma_start3A_464 : memref<32002048xf32, #tpu.memory_space<hbm>>) target(%dma_start3A_462 : memref<16xf32, #tpu.memory_space<vmem>>) offsets(%add3A_459 : vector<16xi32>) semaphore(%arg12 : memref<!tpu.dma_semaphore, #tpu.memory_space<semaphore_mem>>)
      %add3A_465 = arith.constant 27001728 : i32
      %add3A_466 = vector.broadcast %add3A_465 : i32 to vector<16xi32>
      %add3A_467 = arith.addi %get3A_25, %add3A_466 : vector<16xi32>
      %dma_start3A_468 = arith.constant 27 : i32
      %dma_start3A_469 = tpu.memref_slice %arg10[%dma_start3A_468, %mul3A_22] : memref<32x512xf32, #tpu.memory_space<vmem>> -> memref<1x16xf32, #tpu.memory_space<vmem>>
      %dma_start3A_470 = tpu.memref_squeeze %dma_start3A_469 : memref<1x16xf32, #tpu.memory_space<vmem>> -> memref<16xf32, #tpu.memory_space<vmem>>
      %dma_start3A_471 = arith.constant 0 : i32
      %dma_start3A_472 = tpu.memref_slice %arg5[%dma_start3A_471] : memref<32002048xf32, #tpu.memory_space<hbm>> -> memref<32002048xf32, #tpu.memory_space<hbm>>
      tpu.enqueue_indirect_dma source(%dma_start3A_472 : memref<32002048xf32, #tpu.memory_space<hbm>>) target(%dma_start3A_470 : memref<16xf32, #tpu.memory_space<vmem>>) offsets(%add3A_467 : vector<16xi32>) semaphore(%arg12 : memref<!tpu.dma_semaphore, #tpu.memory_space<semaphore_mem>>)
      %add3A_473 = arith.constant 28001792 : i32
      %add3A_474 = vector.broadcast %add3A_473 : i32 to vector<16xi32>
      %add3A_475 = arith.addi %get3A_23, %add3A_474 : vector<16xi32>
      %dma_start3A_476 = arith.constant 28 : i32
      %dma_start3A_477 = tpu.memref_slice %arg9[%dma_start3A_476, %mul3A_22] : memref<32x512xf32, #tpu.memory_space<vmem>> -> memref<1x16xf32, #tpu.memory_space<vmem>>
      %dma_start3A_478 = tpu.memref_squeeze %dma_start3A_477 : memref<1x16xf32, #tpu.memory_space<vmem>> -> memref<16xf32, #tpu.memory_space<vmem>>
      %dma_start3A_479 = arith.constant 0 : i32
      %dma_start3A_480 = tpu.memref_slice %arg4[%dma_start3A_479] : memref<32002048xf32, #tpu.memory_space<hbm>> -> memref<32002048xf32, #tpu.memory_space<hbm>>
      tpu.enqueue_indirect_dma source(%dma_start3A_480 : memref<32002048xf32, #tpu.memory_space<hbm>>) target(%dma_start3A_478 : memref<16xf32, #tpu.memory_space<vmem>>) offsets(%add3A_475 : vector<16xi32>) semaphore(%arg12 : memref<!tpu.dma_semaphore, #tpu.memory_space<semaphore_mem>>)
      %add3A_481 = arith.constant 28001792 : i32
      %add3A_482 = vector.broadcast %add3A_481 : i32 to vector<16xi32>
      %add3A_483 = arith.addi %get3A_25, %add3A_482 : vector<16xi32>
      %dma_start3A_484 = arith.constant 28 : i32
      %dma_start3A_485 = tpu.memref_slice %arg10[%dma_start3A_484, %mul3A_22] : memref<32x512xf32, #tpu.memory_space<vmem>> -> memref<1x16xf32, #tpu.memory_space<vmem>>
      %dma_start3A_486 = tpu.memref_squeeze %dma_start3A_485 : memref<1x16xf32, #tpu.memory_space<vmem>> -> memref<16xf32, #tpu.memory_space<vmem>>
      %dma_start3A_487 = arith.constant 0 : i32
      %dma_start3A_488 = tpu.memref_slice %arg5[%dma_start3A_487] : memref<32002048xf32, #tpu.memory_space<hbm>> -> memref<32002048xf32, #tpu.memory_space<hbm>>
      tpu.enqueue_indirect_dma source(%dma_start3A_488 : memref<32002048xf32, #tpu.memory_space<hbm>>) target(%dma_start3A_486 : memref<16xf32, #tpu.memory_space<vmem>>) offsets(%add3A_483 : vector<16xi32>) semaphore(%arg12 : memref<!tpu.dma_semaphore, #tpu.memory_space<semaphore_mem>>)
      %add3A_489 = arith.constant 29001856 : i32
      %add3A_490 = vector.broadcast %add3A_489 : i32 to vector<16xi32>
      %add3A_491 = arith.addi %get3A_23, %add3A_490 : vector<16xi32>
      %dma_start3A_492 = arith.constant 29 : i32
      %dma_start3A_493 = tpu.memref_slice %arg9[%dma_start3A_492, %mul3A_22] : memref<32x512xf32, #tpu.memory_space<vmem>> -> memref<1x16xf32, #tpu.memory_space<vmem>>
      %dma_start3A_494 = tpu.memref_squeeze %dma_start3A_493 : memref<1x16xf32, #tpu.memory_space<vmem>> -> memref<16xf32, #tpu.memory_space<vmem>>
      %dma_start3A_495 = arith.constant 0 : i32
      %dma_start3A_496 = tpu.memref_slice %arg4[%dma_start3A_495] : memref<32002048xf32, #tpu.memory_space<hbm>> -> memref<32002048xf32, #tpu.memory_space<hbm>>
      tpu.enqueue_indirect_dma source(%dma_start3A_496 : memref<32002048xf32, #tpu.memory_space<hbm>>) target(%dma_start3A_494 : memref<16xf32, #tpu.memory_space<vmem>>) offsets(%add3A_491 : vector<16xi32>) semaphore(%arg12 : memref<!tpu.dma_semaphore, #tpu.memory_space<semaphore_mem>>)
      %add3A_497 = arith.constant 29001856 : i32
      %add3A_498 = vector.broadcast %add3A_497 : i32 to vector<16xi32>
      %add3A_499 = arith.addi %get3A_25, %add3A_498 : vector<16xi32>
      %dma_start3A_500 = arith.constant 29 : i32
      %dma_start3A_501 = tpu.memref_slice %arg10[%dma_start3A_500, %mul3A_22] : memref<32x512xf32, #tpu.memory_space<vmem>> -> memref<1x16xf32, #tpu.memory_space<vmem>>
      %dma_start3A_502 = tpu.memref_squeeze %dma_start3A_501 : memref<1x16xf32, #tpu.memory_space<vmem>> -> memref<16xf32, #tpu.memory_space<vmem>>
      %dma_start3A_503 = arith.constant 0 : i32
      %dma_start3A_504 = tpu.memref_slice %arg5[%dma_start3A_503] : memref<32002048xf32, #tpu.memory_space<hbm>> -> memref<32002048xf32, #tpu.memory_space<hbm>>
      tpu.enqueue_indirect_dma source(%dma_start3A_504 : memref<32002048xf32, #tpu.memory_space<hbm>>) target(%dma_start3A_502 : memref<16xf32, #tpu.memory_space<vmem>>) offsets(%add3A_499 : vector<16xi32>) semaphore(%arg12 : memref<!tpu.dma_semaphore, #tpu.memory_space<semaphore_mem>>)
      %add3A_505 = arith.constant 30001920 : i32
      %add3A_506 = vector.broadcast %add3A_505 : i32 to vector<16xi32>
      %add3A_507 = arith.addi %get3A_23, %add3A_506 : vector<16xi32>
      %dma_start3A_508 = arith.constant 30 : i32
      %dma_start3A_509 = tpu.memref_slice %arg9[%dma_start3A_508, %mul3A_22] : memref<32x512xf32, #tpu.memory_space<vmem>> -> memref<1x16xf32, #tpu.memory_space<vmem>>
      %dma_start3A_510 = tpu.memref_squeeze %dma_start3A_509 : memref<1x16xf32, #tpu.memory_space<vmem>> -> memref<16xf32, #tpu.memory_space<vmem>>
      %dma_start3A_511 = arith.constant 0 : i32
      %dma_start3A_512 = tpu.memref_slice %arg4[%dma_start3A_511] : memref<32002048xf32, #tpu.memory_space<hbm>> -> memref<32002048xf32, #tpu.memory_space<hbm>>
      tpu.enqueue_indirect_dma source(%dma_start3A_512 : memref<32002048xf32, #tpu.memory_space<hbm>>) target(%dma_start3A_510 : memref<16xf32, #tpu.memory_space<vmem>>) offsets(%add3A_507 : vector<16xi32>) semaphore(%arg12 : memref<!tpu.dma_semaphore, #tpu.memory_space<semaphore_mem>>)
      %add3A_513 = arith.constant 30001920 : i32
      %add3A_514 = vector.broadcast %add3A_513 : i32 to vector<16xi32>
      %add3A_515 = arith.addi %get3A_25, %add3A_514 : vector<16xi32>
      %dma_start3A_516 = arith.constant 30 : i32
      %dma_start3A_517 = tpu.memref_slice %arg10[%dma_start3A_516, %mul3A_22] : memref<32x512xf32, #tpu.memory_space<vmem>> -> memref<1x16xf32, #tpu.memory_space<vmem>>
      %dma_start3A_518 = tpu.memref_squeeze %dma_start3A_517 : memref<1x16xf32, #tpu.memory_space<vmem>> -> memref<16xf32, #tpu.memory_space<vmem>>
      %dma_start3A_519 = arith.constant 0 : i32
      %dma_start3A_520 = tpu.memref_slice %arg5[%dma_start3A_519] : memref<32002048xf32, #tpu.memory_space<hbm>> -> memref<32002048xf32, #tpu.memory_space<hbm>>
      tpu.enqueue_indirect_dma source(%dma_start3A_520 : memref<32002048xf32, #tpu.memory_space<hbm>>) target(%dma_start3A_518 : memref<16xf32, #tpu.memory_space<vmem>>) offsets(%add3A_515 : vector<16xi32>) semaphore(%arg12 : memref<!tpu.dma_semaphore, #tpu.memory_space<semaphore_mem>>)
      %add3A_521 = arith.constant 31001984 : i32
      %add3A_522 = vector.broadcast %add3A_521 : i32 to vector<16xi32>
      %add3A_523 = arith.addi %get3A_23, %add3A_522 : vector<16xi32>
      %dma_start3A_524 = arith.constant 31 : i32
      %dma_start3A_525 = tpu.memref_slice %arg9[%dma_start3A_524, %mul3A_22] : memref<32x512xf32, #tpu.memory_space<vmem>> -> memref<1x16xf32, #tpu.memory_space<vmem>>
      %dma_start3A_526 = tpu.memref_squeeze %dma_start3A_525 : memref<1x16xf32, #tpu.memory_space<vmem>> -> memref<16xf32, #tpu.memory_space<vmem>>
      %dma_start3A_527 = arith.constant 0 : i32
      %dma_start3A_528 = tpu.memref_slice %arg4[%dma_start3A_527] : memref<32002048xf32, #tpu.memory_space<hbm>> -> memref<32002048xf32, #tpu.memory_space<hbm>>
      tpu.enqueue_indirect_dma source(%dma_start3A_528 : memref<32002048xf32, #tpu.memory_space<hbm>>) target(%dma_start3A_526 : memref<16xf32, #tpu.memory_space<vmem>>) offsets(%add3A_523 : vector<16xi32>) semaphore(%arg12 : memref<!tpu.dma_semaphore, #tpu.memory_space<semaphore_mem>>)
      %add3A_529 = arith.constant 31001984 : i32
      %add3A_530 = vector.broadcast %add3A_529 : i32 to vector<16xi32>
      %add3A_531 = arith.addi %get3A_25, %add3A_530 : vector<16xi32>
      %dma_start3A_532 = arith.constant 31 : i32
      %dma_start3A_533 = tpu.memref_slice %arg10[%dma_start3A_532, %mul3A_22] : memref<32x512xf32, #tpu.memory_space<vmem>> -> memref<1x16xf32, #tpu.memory_space<vmem>>
      %dma_start3A_534 = tpu.memref_squeeze %dma_start3A_533 : memref<1x16xf32, #tpu.memory_space<vmem>> -> memref<16xf32, #tpu.memory_space<vmem>>
      %dma_start3A_535 = arith.constant 0 : i32
      %dma_start3A_536 = tpu.memref_slice %arg5[%dma_start3A_535] : memref<32002048xf32, #tpu.memory_space<hbm>> -> memref<32002048xf32, #tpu.memory_space<hbm>>
      tpu.enqueue_indirect_dma source(%dma_start3A_536 : memref<32002048xf32, #tpu.memory_space<hbm>>) target(%dma_start3A_534 : memref<16xf32, #tpu.memory_space<vmem>>) offsets(%add3A_531 : vector<16xi32>) semaphore(%arg12 : memref<!tpu.dma_semaphore, #tpu.memory_space<semaphore_mem>>)
    }
    %scan3A_7 = arith.constant 32 : i32
    %scan3A_8 = arith.constant 0 : i32
    %scan3A_9 = arith.constant 0 : i32
    %scan3A_10 = arith.constant 32 : i32
    %scan3A_11 = arith.addi %scan3A_9, %scan3A_10 : i32
    %scan3A_12 = arith.constant 1 : i32
    scf.for %scan3A_20 = %scan3A_9 to %scan3A_11 step %scan3A_12  : i32 {
      %dma_wait3A = arith.constant 0 : i32
      %dma_wait3A_21 = tpu.memref_slice %arg9[%scan3A_20, %dma_wait3A] : memref<32x512xf32, #tpu.memory_space<vmem>> -> memref<1x512xf32, #tpu.memory_space<vmem>>
      %dma_wait3A_22 = tpu.memref_squeeze %dma_wait3A_21 : memref<1x512xf32, #tpu.memory_space<vmem>> -> memref<512xf32, #tpu.memory_space<vmem>>
      %dma_wait3A_23 = arith.constant 0 : i32
      %dma_wait3A_24 = tpu.memref_slice %arg4[%dma_wait3A_23] : memref<32002048xf32, #tpu.memory_space<hbm>> -> memref<512xf32, #tpu.memory_space<hbm>>
      %dma_wait3A_25 = arith.constant 0 : i32
      %dma_wait3A_26 = tpu.memref_slice %arg9[%scan3A_20, %dma_wait3A_25] : memref<32x512xf32, #tpu.memory_space<vmem>> -> memref<1x512xf32, #tpu.memory_space<vmem>>
      %dma_wait3A_27 = tpu.memref_squeeze %dma_wait3A_26 : memref<1x512xf32, #tpu.memory_space<vmem>> -> memref<512xf32, #tpu.memory_space<vmem>>
      %dma_wait3A_28 = arith.constant 0 : i32
      %dma_wait3A_29 = tpu.memref_slice %arg4[%dma_wait3A_28] : memref<32002048xf32, #tpu.memory_space<hbm>> -> memref<512xf32, #tpu.memory_space<hbm>>
      tpu.wait_dma2 semaphore(%arg12 : memref<!tpu.dma_semaphore, #tpu.memory_space<semaphore_mem>>) src(%dma_wait3A_29 : memref<512xf32, #tpu.memory_space<hbm>>) dst(%dma_wait3A_27 : memref<512xf32, #tpu.memory_space<vmem>>)
      %dma_wait3A_30 = arith.constant 0 : i32
      %dma_wait3A_31 = tpu.memref_slice %arg10[%scan3A_20, %dma_wait3A_30] : memref<32x512xf32, #tpu.memory_space<vmem>> -> memref<1x512xf32, #tpu.memory_space<vmem>>
      %dma_wait3A_32 = tpu.memref_squeeze %dma_wait3A_31 : memref<1x512xf32, #tpu.memory_space<vmem>> -> memref<512xf32, #tpu.memory_space<vmem>>
      %dma_wait3A_33 = arith.constant 0 : i32
      %dma_wait3A_34 = tpu.memref_slice %arg5[%dma_wait3A_33] : memref<32002048xf32, #tpu.memory_space<hbm>> -> memref<512xf32, #tpu.memory_space<hbm>>
      %dma_wait3A_35 = arith.constant 0 : i32
      %dma_wait3A_36 = tpu.memref_slice %arg10[%scan3A_20, %dma_wait3A_35] : memref<32x512xf32, #tpu.memory_space<vmem>> -> memref<1x512xf32, #tpu.memory_space<vmem>>
      %dma_wait3A_37 = tpu.memref_squeeze %dma_wait3A_36 : memref<1x512xf32, #tpu.memory_space<vmem>> -> memref<512xf32, #tpu.memory_space<vmem>>
      %dma_wait3A_38 = arith.constant 0 : i32
      %dma_wait3A_39 = tpu.memref_slice %arg5[%dma_wait3A_38] : memref<32002048xf32, #tpu.memory_space<hbm>> -> memref<512xf32, #tpu.memory_space<hbm>>
      tpu.wait_dma2 semaphore(%arg12 : memref<!tpu.dma_semaphore, #tpu.memory_space<semaphore_mem>>) src(%dma_wait3A_39 : memref<512xf32, #tpu.memory_space<hbm>>) dst(%dma_wait3A_37 : memref<512xf32, #tpu.memory_space<vmem>>)
    }
    %scan3A_13 = arith.constant 32 : i32
    %iota3A = tpu.iota {dimensions = array<i32: 0>} : vector<16xi32>
    %scan3A_14 = arith.constant 0 : i32
    %scan3A_15 = arith.constant 0 : i32
    %scan3A_16 = arith.constant 32 : i32
    %scan3A_17 = arith.addi %scan3A_15, %scan3A_16 : i32
    %scan3A_18 = arith.constant 1 : i32
    scf.for %scan3A_20 = %scan3A_15 to %scan3A_17 step %scan3A_18  : i32 {
      %mul3A_21 = arith.constant 16 : i32
      %mul3A_22 = arith.muli %scan3A_20, %mul3A_21 : i32
      %broadcast_in_dim3A = arith.constant 0.000000e+00 : f32
      %broadcast_in_dim3A_23 = vector.broadcast %broadcast_in_dim3A : f32 to vector<16xf32>
      %get3A = arith.constant 0 : i32
      %get3A_24 = arith.index_cast %get3A : i32 to index
      %get3A_25 = arith.index_cast %mul3A_22 : i32 to index
      %get3A_26 = tpu.vector_load %arg9[%get3A_24, %get3A_25] {strides = array<i32>} : memref<32x512xf32, #tpu.memory_space<vmem>>, vector<16xf32>,
      %get3A_27 = arith.constant 0 : i32
      %get3A_28 = arith.index_cast %get3A_27 : i32 to index
      %get3A_29 = arith.index_cast %mul3A_22 : i32 to index
      %get3A_30 = tpu.vector_load %arg10[%get3A_28, %get3A_29] {strides = array<i32>} : memref<32x512xf32, #tpu.memory_space<vmem>>, vector<16xf32>,
      %mul3A_31 = arith.mulf %get3A_26, %get3A_30 : vector<16xf32>
      %add3A_32 = arith.addf %broadcast_in_dim3A_23, %mul3A_31 : vector<16xf32>
      %get3A_33 = arith.constant 1 : i32
      %get3A_34 = arith.index_cast %get3A_33 : i32 to index
      %get3A_35 = arith.index_cast %mul3A_22 : i32 to index
      %get3A_36 = tpu.vector_load %arg9[%get3A_34, %get3A_35] {strides = array<i32>} : memref<32x512xf32, #tpu.memory_space<vmem>>, vector<16xf32>,
      %get3A_37 = arith.constant 1 : i32
      %get3A_38 = arith.index_cast %get3A_37 : i32 to index
      %get3A_39 = arith.index_cast %mul3A_22 : i32 to index
      %get3A_40 = tpu.vector_load %arg10[%get3A_38, %get3A_39] {strides = array<i32>} : memref<32x512xf32, #tpu.memory_space<vmem>>, vector<16xf32>,
      %mul3A_41 = arith.mulf %get3A_36, %get3A_40 : vector<16xf32>
      %add3A_42 = arith.addf %add3A_32, %mul3A_41 : vector<16xf32>
      %get3A_43 = arith.constant 2 : i32
      %get3A_44 = arith.index_cast %get3A_43 : i32 to index
      %get3A_45 = arith.index_cast %mul3A_22 : i32 to index
      %get3A_46 = tpu.vector_load %arg9[%get3A_44, %get3A_45] {strides = array<i32>} : memref<32x512xf32, #tpu.memory_space<vmem>>, vector<16xf32>,
      %get3A_47 = arith.constant 2 : i32
      %get3A_48 = arith.index_cast %get3A_47 : i32 to index
      %get3A_49 = arith.index_cast %mul3A_22 : i32 to index
      %get3A_50 = tpu.vector_load %arg10[%get3A_48, %get3A_49] {strides = array<i32>} : memref<32x512xf32, #tpu.memory_space<vmem>>, vector<16xf32>,
      %mul3A_51 = arith.mulf %get3A_46, %get3A_50 : vector<16xf32>
      %add3A_52 = arith.addf %add3A_42, %mul3A_51 : vector<16xf32>
      %get3A_53 = arith.constant 3 : i32
      %get3A_54 = arith.index_cast %get3A_53 : i32 to index
      %get3A_55 = arith.index_cast %mul3A_22 : i32 to index
      %get3A_56 = tpu.vector_load %arg9[%get3A_54, %get3A_55] {strides = array<i32>} : memref<32x512xf32, #tpu.memory_space<vmem>>, vector<16xf32>,
      %get3A_57 = arith.constant 3 : i32
      %get3A_58 = arith.index_cast %get3A_57 : i32 to index
      %get3A_59 = arith.index_cast %mul3A_22 : i32 to index
      %get3A_60 = tpu.vector_load %arg10[%get3A_58, %get3A_59] {strides = array<i32>} : memref<32x512xf32, #tpu.memory_space<vmem>>, vector<16xf32>,
      %mul3A_61 = arith.mulf %get3A_56, %get3A_60 : vector<16xf32>
      %add3A_62 = arith.addf %add3A_52, %mul3A_61 : vector<16xf32>
      %get3A_63 = arith.constant 4 : i32
      %get3A_64 = arith.index_cast %get3A_63 : i32 to index
      %get3A_65 = arith.index_cast %mul3A_22 : i32 to index
      %get3A_66 = tpu.vector_load %arg9[%get3A_64, %get3A_65] {strides = array<i32>} : memref<32x512xf32, #tpu.memory_space<vmem>>, vector<16xf32>,
      %get3A_67 = arith.constant 4 : i32
      %get3A_68 = arith.index_cast %get3A_67 : i32 to index
      %get3A_69 = arith.index_cast %mul3A_22 : i32 to index
      %get3A_70 = tpu.vector_load %arg10[%get3A_68, %get3A_69] {strides = array<i32>} : memref<32x512xf32, #tpu.memory_space<vmem>>, vector<16xf32>,
      %mul3A_71 = arith.mulf %get3A_66, %get3A_70 : vector<16xf32>
      %add3A_72 = arith.addf %add3A_62, %mul3A_71 : vector<16xf32>
      %get3A_73 = arith.constant 5 : i32
      %get3A_74 = arith.index_cast %get3A_73 : i32 to index
      %get3A_75 = arith.index_cast %mul3A_22 : i32 to index
      %get3A_76 = tpu.vector_load %arg9[%get3A_74, %get3A_75] {strides = array<i32>} : memref<32x512xf32, #tpu.memory_space<vmem>>, vector<16xf32>,
      %get3A_77 = arith.constant 5 : i32
      %get3A_78 = arith.index_cast %get3A_77 : i32 to index
      %get3A_79 = arith.index_cast %mul3A_22 : i32 to index
      %get3A_80 = tpu.vector_load %arg10[%get3A_78, %get3A_79] {strides = array<i32>} : memref<32x512xf32, #tpu.memory_space<vmem>>, vector<16xf32>,
      %mul3A_81 = arith.mulf %get3A_76, %get3A_80 : vector<16xf32>
      %add3A_82 = arith.addf %add3A_72, %mul3A_81 : vector<16xf32>
      %get3A_83 = arith.constant 6 : i32
      %get3A_84 = arith.index_cast %get3A_83 : i32 to index
      %get3A_85 = arith.index_cast %mul3A_22 : i32 to index
      %get3A_86 = tpu.vector_load %arg9[%get3A_84, %get3A_85] {strides = array<i32>} : memref<32x512xf32, #tpu.memory_space<vmem>>, vector<16xf32>,
      %get3A_87 = arith.constant 6 : i32
      %get3A_88 = arith.index_cast %get3A_87 : i32 to index
      %get3A_89 = arith.index_cast %mul3A_22 : i32 to index
      %get3A_90 = tpu.vector_load %arg10[%get3A_88, %get3A_89] {strides = array<i32>} : memref<32x512xf32, #tpu.memory_space<vmem>>, vector<16xf32>,
      %mul3A_91 = arith.mulf %get3A_86, %get3A_90 : vector<16xf32>
      %add3A_92 = arith.addf %add3A_82, %mul3A_91 : vector<16xf32>
      %get3A_93 = arith.constant 7 : i32
      %get3A_94 = arith.index_cast %get3A_93 : i32 to index
      %get3A_95 = arith.index_cast %mul3A_22 : i32 to index
      %get3A_96 = tpu.vector_load %arg9[%get3A_94, %get3A_95] {strides = array<i32>} : memref<32x512xf32, #tpu.memory_space<vmem>>, vector<16xf32>,
      %get3A_97 = arith.constant 7 : i32
      %get3A_98 = arith.index_cast %get3A_97 : i32 to index
      %get3A_99 = arith.index_cast %mul3A_22 : i32 to index
      %get3A_100 = tpu.vector_load %arg10[%get3A_98, %get3A_99] {strides = array<i32>} : memref<32x512xf32, #tpu.memory_space<vmem>>, vector<16xf32>,
      %mul3A_101 = arith.mulf %get3A_96, %get3A_100 : vector<16xf32>
      %add3A_102 = arith.addf %add3A_92, %mul3A_101 : vector<16xf32>
      %get3A_103 = arith.constant 8 : i32
      %get3A_104 = arith.index_cast %get3A_103 : i32 to index
      %get3A_105 = arith.index_cast %mul3A_22 : i32 to index
      %get3A_106 = tpu.vector_load %arg9[%get3A_104, %get3A_105] {strides = array<i32>} : memref<32x512xf32, #tpu.memory_space<vmem>>, vector<16xf32>,
      %get3A_107 = arith.constant 8 : i32
      %get3A_108 = arith.index_cast %get3A_107 : i32 to index
      %get3A_109 = arith.index_cast %mul3A_22 : i32 to index
      %get3A_110 = tpu.vector_load %arg10[%get3A_108, %get3A_109] {strides = array<i32>} : memref<32x512xf32, #tpu.memory_space<vmem>>, vector<16xf32>,
      %mul3A_111 = arith.mulf %get3A_106, %get3A_110 : vector<16xf32>
      %add3A_112 = arith.addf %add3A_102, %mul3A_111 : vector<16xf32>
      %get3A_113 = arith.constant 9 : i32
      %get3A_114 = arith.index_cast %get3A_113 : i32 to index
      %get3A_115 = arith.index_cast %mul3A_22 : i32 to index
      %get3A_116 = tpu.vector_load %arg9[%get3A_114, %get3A_115] {strides = array<i32>} : memref<32x512xf32, #tpu.memory_space<vmem>>, vector<16xf32>,
      %get3A_117 = arith.constant 9 : i32
      %get3A_118 = arith.index_cast %get3A_117 : i32 to index
      %get3A_119 = arith.index_cast %mul3A_22 : i32 to index
      %get3A_120 = tpu.vector_load %arg10[%get3A_118, %get3A_119] {strides = array<i32>} : memref<32x512xf32, #tpu.memory_space<vmem>>, vector<16xf32>,
      %mul3A_121 = arith.mulf %get3A_116, %get3A_120 : vector<16xf32>
      %add3A_122 = arith.addf %add3A_112, %mul3A_121 : vector<16xf32>
      %get3A_123 = arith.constant 10 : i32
      %get3A_124 = arith.index_cast %get3A_123 : i32 to index
      %get3A_125 = arith.index_cast %mul3A_22 : i32 to index
      %get3A_126 = tpu.vector_load %arg9[%get3A_124, %get3A_125] {strides = array<i32>} : memref<32x512xf32, #tpu.memory_space<vmem>>, vector<16xf32>,
      %get3A_127 = arith.constant 10 : i32
      %get3A_128 = arith.index_cast %get3A_127 : i32 to index
      %get3A_129 = arith.index_cast %mul3A_22 : i32 to index
      %get3A_130 = tpu.vector_load %arg10[%get3A_128, %get3A_129] {strides = array<i32>} : memref<32x512xf32, #tpu.memory_space<vmem>>, vector<16xf32>,
      %mul3A_131 = arith.mulf %get3A_126, %get3A_130 : vector<16xf32>
      %add3A_132 = arith.addf %add3A_122, %mul3A_131 : vector<16xf32>
      %get3A_133 = arith.constant 11 : i32
      %get3A_134 = arith.index_cast %get3A_133 : i32 to index
      %get3A_135 = arith.index_cast %mul3A_22 : i32 to index
      %get3A_136 = tpu.vector_load %arg9[%get3A_134, %get3A_135] {strides = array<i32>} : memref<32x512xf32, #tpu.memory_space<vmem>>, vector<16xf32>,
      %get3A_137 = arith.constant 11 : i32
      %get3A_138 = arith.index_cast %get3A_137 : i32 to index
      %get3A_139 = arith.index_cast %mul3A_22 : i32 to index
      %get3A_140 = tpu.vector_load %arg10[%get3A_138, %get3A_139] {strides = array<i32>} : memref<32x512xf32, #tpu.memory_space<vmem>>, vector<16xf32>,
      %mul3A_141 = arith.mulf %get3A_136, %get3A_140 : vector<16xf32>
      %add3A_142 = arith.addf %add3A_132, %mul3A_141 : vector<16xf32>
      %get3A_143 = arith.constant 12 : i32
      %get3A_144 = arith.index_cast %get3A_143 : i32 to index
      %get3A_145 = arith.index_cast %mul3A_22 : i32 to index
      %get3A_146 = tpu.vector_load %arg9[%get3A_144, %get3A_145] {strides = array<i32>} : memref<32x512xf32, #tpu.memory_space<vmem>>, vector<16xf32>,
      %get3A_147 = arith.constant 12 : i32
      %get3A_148 = arith.index_cast %get3A_147 : i32 to index
      %get3A_149 = arith.index_cast %mul3A_22 : i32 to index
      %get3A_150 = tpu.vector_load %arg10[%get3A_148, %get3A_149] {strides = array<i32>} : memref<32x512xf32, #tpu.memory_space<vmem>>, vector<16xf32>,
      %mul3A_151 = arith.mulf %get3A_146, %get3A_150 : vector<16xf32>
      %add3A_152 = arith.addf %add3A_142, %mul3A_151 : vector<16xf32>
      %get3A_153 = arith.constant 13 : i32
      %get3A_154 = arith.index_cast %get3A_153 : i32 to index
      %get3A_155 = arith.index_cast %mul3A_22 : i32 to index
      %get3A_156 = tpu.vector_load %arg9[%get3A_154, %get3A_155] {strides = array<i32>} : memref<32x512xf32, #tpu.memory_space<vmem>>, vector<16xf32>,
      %get3A_157 = arith.constant 13 : i32
      %get3A_158 = arith.index_cast %get3A_157 : i32 to index
      %get3A_159 = arith.index_cast %mul3A_22 : i32 to index
      %get3A_160 = tpu.vector_load %arg10[%get3A_158, %get3A_159] {strides = array<i32>} : memref<32x512xf32, #tpu.memory_space<vmem>>, vector<16xf32>,
      %mul3A_161 = arith.mulf %get3A_156, %get3A_160 : vector<16xf32>
      %add3A_162 = arith.addf %add3A_152, %mul3A_161 : vector<16xf32>
      %get3A_163 = arith.constant 14 : i32
      %get3A_164 = arith.index_cast %get3A_163 : i32 to index
      %get3A_165 = arith.index_cast %mul3A_22 : i32 to index
      %get3A_166 = tpu.vector_load %arg9[%get3A_164, %get3A_165] {strides = array<i32>} : memref<32x512xf32, #tpu.memory_space<vmem>>, vector<16xf32>,
      %get3A_167 = arith.constant 14 : i32
      %get3A_168 = arith.index_cast %get3A_167 : i32 to index
      %get3A_169 = arith.index_cast %mul3A_22 : i32 to index
      %get3A_170 = tpu.vector_load %arg10[%get3A_168, %get3A_169] {strides = array<i32>} : memref<32x512xf32, #tpu.memory_space<vmem>>, vector<16xf32>,
      %mul3A_171 = arith.mulf %get3A_166, %get3A_170 : vector<16xf32>
      %add3A_172 = arith.addf %add3A_162, %mul3A_171 : vector<16xf32>
      %get3A_173 = arith.constant 15 : i32
      %get3A_174 = arith.index_cast %get3A_173 : i32 to index
      %get3A_175 = arith.index_cast %mul3A_22 : i32 to index
      %get3A_176 = tpu.vector_load %arg9[%get3A_174, %get3A_175] {strides = array<i32>} : memref<32x512xf32, #tpu.memory_space<vmem>>, vector<16xf32>,
      %get3A_177 = arith.constant 15 : i32
      %get3A_178 = arith.index_cast %get3A_177 : i32 to index
      %get3A_179 = arith.index_cast %mul3A_22 : i32 to index
      %get3A_180 = tpu.vector_load %arg10[%get3A_178, %get3A_179] {strides = array<i32>} : memref<32x512xf32, #tpu.memory_space<vmem>>, vector<16xf32>,
      %mul3A_181 = arith.mulf %get3A_176, %get3A_180 : vector<16xf32>
      %add3A_182 = arith.addf %add3A_172, %mul3A_181 : vector<16xf32>
      %get3A_183 = arith.constant 16 : i32
      %get3A_184 = arith.index_cast %get3A_183 : i32 to index
      %get3A_185 = arith.index_cast %mul3A_22 : i32 to index
      %get3A_186 = tpu.vector_load %arg9[%get3A_184, %get3A_185] {strides = array<i32>} : memref<32x512xf32, #tpu.memory_space<vmem>>, vector<16xf32>,
      %get3A_187 = arith.constant 16 : i32
      %get3A_188 = arith.index_cast %get3A_187 : i32 to index
      %get3A_189 = arith.index_cast %mul3A_22 : i32 to index
      %get3A_190 = tpu.vector_load %arg10[%get3A_188, %get3A_189] {strides = array<i32>} : memref<32x512xf32, #tpu.memory_space<vmem>>, vector<16xf32>,
      %mul3A_191 = arith.mulf %get3A_186, %get3A_190 : vector<16xf32>
      %add3A_192 = arith.addf %add3A_182, %mul3A_191 : vector<16xf32>
      %get3A_193 = arith.constant 17 : i32
      %get3A_194 = arith.index_cast %get3A_193 : i32 to index
      %get3A_195 = arith.index_cast %mul3A_22 : i32 to index
      %get3A_196 = tpu.vector_load %arg9[%get3A_194, %get3A_195] {strides = array<i32>} : memref<32x512xf32, #tpu.memory_space<vmem>>, vector<16xf32>,
      %get3A_197 = arith.constant 17 : i32
      %get3A_198 = arith.index_cast %get3A_197 : i32 to index
      %get3A_199 = arith.index_cast %mul3A_22 : i32 to index
      %get3A_200 = tpu.vector_load %arg10[%get3A_198, %get3A_199] {strides = array<i32>} : memref<32x512xf32, #tpu.memory_space<vmem>>, vector<16xf32>,
      %mul3A_201 = arith.mulf %get3A_196, %get3A_200 : vector<16xf32>
      %add3A_202 = arith.addf %add3A_192, %mul3A_201 : vector<16xf32>
      %get3A_203 = arith.constant 18 : i32
      %get3A_204 = arith.index_cast %get3A_203 : i32 to index
      %get3A_205 = arith.index_cast %mul3A_22 : i32 to index
      %get3A_206 = tpu.vector_load %arg9[%get3A_204, %get3A_205] {strides = array<i32>} : memref<32x512xf32, #tpu.memory_space<vmem>>, vector<16xf32>,
      %get3A_207 = arith.constant 18 : i32
      %get3A_208 = arith.index_cast %get3A_207 : i32 to index
      %get3A_209 = arith.index_cast %mul3A_22 : i32 to index
      %get3A_210 = tpu.vector_load %arg10[%get3A_208, %get3A_209] {strides = array<i32>} : memref<32x512xf32, #tpu.memory_space<vmem>>, vector<16xf32>,
      %mul3A_211 = arith.mulf %get3A_206, %get3A_210 : vector<16xf32>
      %add3A_212 = arith.addf %add3A_202, %mul3A_211 : vector<16xf32>
      %get3A_213 = arith.constant 19 : i32
      %get3A_214 = arith.index_cast %get3A_213 : i32 to index
      %get3A_215 = arith.index_cast %mul3A_22 : i32 to index
      %get3A_216 = tpu.vector_load %arg9[%get3A_214, %get3A_215] {strides = array<i32>} : memref<32x512xf32, #tpu.memory_space<vmem>>, vector<16xf32>,
      %get3A_217 = arith.constant 19 : i32
      %get3A_218 = arith.index_cast %get3A_217 : i32 to index
      %get3A_219 = arith.index_cast %mul3A_22 : i32 to index
      %get3A_220 = tpu.vector_load %arg10[%get3A_218, %get3A_219] {strides = array<i32>} : memref<32x512xf32, #tpu.memory_space<vmem>>, vector<16xf32>,
      %mul3A_221 = arith.mulf %get3A_216, %get3A_220 : vector<16xf32>
      %add3A_222 = arith.addf %add3A_212, %mul3A_221 : vector<16xf32>
      %get3A_223 = arith.constant 20 : i32
      %get3A_224 = arith.index_cast %get3A_223 : i32 to index
      %get3A_225 = arith.index_cast %mul3A_22 : i32 to index
      %get3A_226 = tpu.vector_load %arg9[%get3A_224, %get3A_225] {strides = array<i32>} : memref<32x512xf32, #tpu.memory_space<vmem>>, vector<16xf32>,
      %get3A_227 = arith.constant 20 : i32
      %get3A_228 = arith.index_cast %get3A_227 : i32 to index
      %get3A_229 = arith.index_cast %mul3A_22 : i32 to index
      %get3A_230 = tpu.vector_load %arg10[%get3A_228, %get3A_229] {strides = array<i32>} : memref<32x512xf32, #tpu.memory_space<vmem>>, vector<16xf32>,
      %mul3A_231 = arith.mulf %get3A_226, %get3A_230 : vector<16xf32>
      %add3A_232 = arith.addf %add3A_222, %mul3A_231 : vector<16xf32>
      %get3A_233 = arith.constant 21 : i32
      %get3A_234 = arith.index_cast %get3A_233 : i32 to index
      %get3A_235 = arith.index_cast %mul3A_22 : i32 to index
      %get3A_236 = tpu.vector_load %arg9[%get3A_234, %get3A_235] {strides = array<i32>} : memref<32x512xf32, #tpu.memory_space<vmem>>, vector<16xf32>,
      %get3A_237 = arith.constant 21 : i32
      %get3A_238 = arith.index_cast %get3A_237 : i32 to index
      %get3A_239 = arith.index_cast %mul3A_22 : i32 to index
      %get3A_240 = tpu.vector_load %arg10[%get3A_238, %get3A_239] {strides = array<i32>} : memref<32x512xf32, #tpu.memory_space<vmem>>, vector<16xf32>,
      %mul3A_241 = arith.mulf %get3A_236, %get3A_240 : vector<16xf32>
      %add3A_242 = arith.addf %add3A_232, %mul3A_241 : vector<16xf32>
      %get3A_243 = arith.constant 22 : i32
      %get3A_244 = arith.index_cast %get3A_243 : i32 to index
      %get3A_245 = arith.index_cast %mul3A_22 : i32 to index
      %get3A_246 = tpu.vector_load %arg9[%get3A_244, %get3A_245] {strides = array<i32>} : memref<32x512xf32, #tpu.memory_space<vmem>>, vector<16xf32>,
      %get3A_247 = arith.constant 22 : i32
      %get3A_248 = arith.index_cast %get3A_247 : i32 to index
      %get3A_249 = arith.index_cast %mul3A_22 : i32 to index
      %get3A_250 = tpu.vector_load %arg10[%get3A_248, %get3A_249] {strides = array<i32>} : memref<32x512xf32, #tpu.memory_space<vmem>>, vector<16xf32>,
      %mul3A_251 = arith.mulf %get3A_246, %get3A_250 : vector<16xf32>
      %add3A_252 = arith.addf %add3A_242, %mul3A_251 : vector<16xf32>
      %get3A_253 = arith.constant 23 : i32
      %get3A_254 = arith.index_cast %get3A_253 : i32 to index
      %get3A_255 = arith.index_cast %mul3A_22 : i32 to index
      %get3A_256 = tpu.vector_load %arg9[%get3A_254, %get3A_255] {strides = array<i32>} : memref<32x512xf32, #tpu.memory_space<vmem>>, vector<16xf32>,
      %get3A_257 = arith.constant 23 : i32
      %get3A_258 = arith.index_cast %get3A_257 : i32 to index
      %get3A_259 = arith.index_cast %mul3A_22 : i32 to index
      %get3A_260 = tpu.vector_load %arg10[%get3A_258, %get3A_259] {strides = array<i32>} : memref<32x512xf32, #tpu.memory_space<vmem>>, vector<16xf32>,
      %mul3A_261 = arith.mulf %get3A_256, %get3A_260 : vector<16xf32>
      %add3A_262 = arith.addf %add3A_252, %mul3A_261 : vector<16xf32>
      %get3A_263 = arith.constant 24 : i32
      %get3A_264 = arith.index_cast %get3A_263 : i32 to index
      %get3A_265 = arith.index_cast %mul3A_22 : i32 to index
      %get3A_266 = tpu.vector_load %arg9[%get3A_264, %get3A_265] {strides = array<i32>} : memref<32x512xf32, #tpu.memory_space<vmem>>, vector<16xf32>,
      %get3A_267 = arith.constant 24 : i32
      %get3A_268 = arith.index_cast %get3A_267 : i32 to index
      %get3A_269 = arith.index_cast %mul3A_22 : i32 to index
      %get3A_270 = tpu.vector_load %arg10[%get3A_268, %get3A_269] {strides = array<i32>} : memref<32x512xf32, #tpu.memory_space<vmem>>, vector<16xf32>,
      %mul3A_271 = arith.mulf %get3A_266, %get3A_270 : vector<16xf32>
      %add3A_272 = arith.addf %add3A_262, %mul3A_271 : vector<16xf32>
      %get3A_273 = arith.constant 25 : i32
      %get3A_274 = arith.index_cast %get3A_273 : i32 to index
      %get3A_275 = arith.index_cast %mul3A_22 : i32 to index
      %get3A_276 = tpu.vector_load %arg9[%get3A_274, %get3A_275] {strides = array<i32>} : memref<32x512xf32, #tpu.memory_space<vmem>>, vector<16xf32>,
      %get3A_277 = arith.constant 25 : i32
      %get3A_278 = arith.index_cast %get3A_277 : i32 to index
      %get3A_279 = arith.index_cast %mul3A_22 : i32 to index
      %get3A_280 = tpu.vector_load %arg10[%get3A_278, %get3A_279] {strides = array<i32>} : memref<32x512xf32, #tpu.memory_space<vmem>>, vector<16xf32>,
      %mul3A_281 = arith.mulf %get3A_276, %get3A_280 : vector<16xf32>
      %add3A_282 = arith.addf %add3A_272, %mul3A_281 : vector<16xf32>
      %get3A_283 = arith.constant 26 : i32
      %get3A_284 = arith.index_cast %get3A_283 : i32 to index
      %get3A_285 = arith.index_cast %mul3A_22 : i32 to index
      %get3A_286 = tpu.vector_load %arg9[%get3A_284, %get3A_285] {strides = array<i32>} : memref<32x512xf32, #tpu.memory_space<vmem>>, vector<16xf32>,
      %get3A_287 = arith.constant 26 : i32
      %get3A_288 = arith.index_cast %get3A_287 : i32 to index
      %get3A_289 = arith.index_cast %mul3A_22 : i32 to index
      %get3A_290 = tpu.vector_load %arg10[%get3A_288, %get3A_289] {strides = array<i32>} : memref<32x512xf32, #tpu.memory_space<vmem>>, vector<16xf32>,
      %mul3A_291 = arith.mulf %get3A_286, %get3A_290 : vector<16xf32>
      %add3A_292 = arith.addf %add3A_282, %mul3A_291 : vector<16xf32>
      %get3A_293 = arith.constant 27 : i32
      %get3A_294 = arith.index_cast %get3A_293 : i32 to index
      %get3A_295 = arith.index_cast %mul3A_22 : i32 to index
      %get3A_296 = tpu.vector_load %arg9[%get3A_294, %get3A_295] {strides = array<i32>} : memref<32x512xf32, #tpu.memory_space<vmem>>, vector<16xf32>,
      %get3A_297 = arith.constant 27 : i32
      %get3A_298 = arith.index_cast %get3A_297 : i32 to index
      %get3A_299 = arith.index_cast %mul3A_22 : i32 to index
      %get3A_300 = tpu.vector_load %arg10[%get3A_298, %get3A_299] {strides = array<i32>} : memref<32x512xf32, #tpu.memory_space<vmem>>, vector<16xf32>,
      %mul3A_301 = arith.mulf %get3A_296, %get3A_300 : vector<16xf32>
      %add3A_302 = arith.addf %add3A_292, %mul3A_301 : vector<16xf32>
      %get3A_303 = arith.constant 28 : i32
      %get3A_304 = arith.index_cast %get3A_303 : i32 to index
      %get3A_305 = arith.index_cast %mul3A_22 : i32 to index
      %get3A_306 = tpu.vector_load %arg9[%get3A_304, %get3A_305] {strides = array<i32>} : memref<32x512xf32, #tpu.memory_space<vmem>>, vector<16xf32>,
      %get3A_307 = arith.constant 28 : i32
      %get3A_308 = arith.index_cast %get3A_307 : i32 to index
      %get3A_309 = arith.index_cast %mul3A_22 : i32 to index
      %get3A_310 = tpu.vector_load %arg10[%get3A_308, %get3A_309] {strides = array<i32>} : memref<32x512xf32, #tpu.memory_space<vmem>>, vector<16xf32>,
      %mul3A_311 = arith.mulf %get3A_306, %get3A_310 : vector<16xf32>
      %add3A_312 = arith.addf %add3A_302, %mul3A_311 : vector<16xf32>
      %get3A_313 = arith.constant 29 : i32
      %get3A_314 = arith.index_cast %get3A_313 : i32 to index
      %get3A_315 = arith.index_cast %mul3A_22 : i32 to index
      %get3A_316 = tpu.vector_load %arg9[%get3A_314, %get3A_315] {strides = array<i32>} : memref<32x512xf32, #tpu.memory_space<vmem>>, vector<16xf32>,
      %get3A_317 = arith.constant 29 : i32
      %get3A_318 = arith.index_cast %get3A_317 : i32 to index
      %get3A_319 = arith.index_cast %mul3A_22 : i32 to index
      %get3A_320 = tpu.vector_load %arg10[%get3A_318, %get3A_319] {strides = array<i32>} : memref<32x512xf32, #tpu.memory_space<vmem>>, vector<16xf32>,
      %mul3A_321 = arith.mulf %get3A_316, %get3A_320 : vector<16xf32>
      %add3A_322 = arith.addf %add3A_312, %mul3A_321 : vector<16xf32>
      %get3A_323 = arith.constant 30 : i32
      %get3A_324 = arith.index_cast %get3A_323 : i32 to index
      %get3A_325 = arith.index_cast %mul3A_22 : i32 to index
      %get3A_326 = tpu.vector_load %arg9[%get3A_324, %get3A_325] {strides = array<i32>} : memref<32x512xf32, #tpu.memory_space<vmem>>, vector<16xf32>,
      %get3A_327 = arith.constant 30 : i32
      %get3A_328 = arith.index_cast %get3A_327 : i32 to index
      %get3A_329 = arith.index_cast %mul3A_22 : i32 to index
      %get3A_330 = tpu.vector_load %arg10[%get3A_328, %get3A_329] {strides = array<i32>} : memref<32x512xf32, #tpu.memory_space<vmem>>, vector<16xf32>,
      %mul3A_331 = arith.mulf %get3A_326, %get3A_330 : vector<16xf32>
      %add3A_332 = arith.addf %add3A_322, %mul3A_331 : vector<16xf32>
      %get3A_333 = arith.constant 31 : i32
      %get3A_334 = arith.index_cast %get3A_333 : i32 to index
      %get3A_335 = arith.index_cast %mul3A_22 : i32 to index
      %get3A_336 = tpu.vector_load %arg9[%get3A_334, %get3A_335] {strides = array<i32>} : memref<32x512xf32, #tpu.memory_space<vmem>>, vector<16xf32>,
      %get3A_337 = arith.constant 31 : i32
      %get3A_338 = arith.index_cast %get3A_337 : i32 to index
      %get3A_339 = arith.index_cast %mul3A_22 : i32 to index
      %get3A_340 = tpu.vector_load %arg10[%get3A_338, %get3A_339] {strides = array<i32>} : memref<32x512xf32, #tpu.memory_space<vmem>>, vector<16xf32>,
      %mul3A_341 = arith.mulf %get3A_336, %get3A_340 : vector<16xf32>
      %add3A_342 = arith.addf %add3A_332, %mul3A_341 : vector<16xf32>
      %abs3A = math.absf %add3A_342 : vector<16xf32>
      %neg3A = arith.constant 0.000000e+00 : f32
      %neg3A_343 = vector.broadcast %neg3A : f32 to vector<16xf32>
      %neg3A_344 = arith.subf %neg3A_343, %abs3A : vector<16xf32>
      %exp3A = math.exp %neg3A_344 : vector<16xf32>
      %ge3A = arith.constant 0.000000e+00 : f32
      %ge3A_345 = vector.broadcast %ge3A : f32 to vector<16xf32>
      %ge3A_346 = arith.cmpf oge, %add3A_342, %ge3A_345 : vector<16xf32>
      %broadcast_in_dim3A_347 = arith.constant 1.000000e+00 : f32
      %broadcast_in_dim3A_348 = vector.broadcast %broadcast_in_dim3A_347 : f32 to vector<16xf32>
      %select_n3A = arith.select %ge3A_346, %broadcast_in_dim3A_348, %exp3A : vector<16xi1>, vector<16xf32>
      %mul3A_349 = arith.constant 16 : i32
      %mul3A_350 = arith.muli %scan3A_20, %mul3A_349 : i32
      %add3A_351 = vector.broadcast %mul3A_350 : i32 to vector<16xi32>
      %add3A_352 = arith.addi %add3A_351, %iota3A : vector<16xi32>
      %add3A_353 = arith.constant 1.000000e+00 : f32
      %add3A_354 = vector.broadcast %add3A_353 : f32 to vector<16xf32>
      %add3A_355 = arith.addf %add3A_354, %exp3A : vector<16xf32>
      %div3A = arith.divf %select_n3A, %add3A_355 : vector<16xf32>
      tpu.vector_store_idx %arg11[%add3A_352], %div3A : memref<512xf32, #tpu.memory_space<vmem>>[vector<16xi32>], vector<16xf32>,
    }
    %scan3A_19 = arith.constant 32 : i32
    "tpu.region"() ({
      %run_scoped3A = tpu.sem_alloc : memref<!tpu.dma_semaphore, #tpu.memory_space<semaphore_mem>>
      %dma_start3A = tpu.memref_slice %arg6[%mul3A_2] : memref<16384xf32, #tpu.memory_space<hbm>> -> memref<512xf32, #tpu.memory_space<hbm>>
      %dma_start3A_20 = tpu.memref_slice %arg6[%mul3A_2] : memref<16384xf32, #tpu.memory_space<hbm>> -> memref<512xf32, #tpu.memory_space<hbm>>
      tpu.enqueue_dma source(%arg11 : memref<512xf32, #tpu.memory_space<vmem>>) target(%dma_start3A_20 : memref<512xf32, #tpu.memory_space<hbm>>) target_semaphore(%run_scoped3A : memref<!tpu.dma_semaphore, #tpu.memory_space<semaphore_mem>>)
      %dma_wait3A = tpu.memref_slice %arg6[%mul3A_2] : memref<16384xf32, #tpu.memory_space<hbm>> -> memref<512xf32, #tpu.memory_space<hbm>>
      %dma_wait3A_21 = tpu.memref_slice %arg6[%mul3A_2] : memref<16384xf32, #tpu.memory_space<hbm>> -> memref<512xf32, #tpu.memory_space<hbm>>
      tpu.wait_dma2 semaphore(%run_scoped3A : memref<!tpu.dma_semaphore, #tpu.memory_space<semaphore_mem>>) src(%arg11 : memref<512xf32, #tpu.memory_space<vmem>>) dst(%dma_wait3A_21 : memref<512xf32, #tpu.memory_space<hbm>>)
      tpu.yield
    }) : () -> ()
    return
  }
}

</mosaic_0001>

<sc_bundles>
// kernel: kernel.4.cloned.1.call-start
scs
__scs_entry_jumppad:
0x0: {  	(pc) =	sbr.rel $0x88, $3  }
0x1: {  	(tag) =	ssettag $0x0;
	lr =	simm.s32 $0x1  }
0x2: {  	[smem:$0x3F9D] =	sst lr;
	_ =	strace $0xD0000000  }
0x3: {  	_ = 	snop  }
0x4: {  	_ = 	snop  }
0x5: {  	_ = 	snop  }
0x6: {  	_ = 	snop  }
0x7: {  	_ = 	snop  }
__scs_overlays_trampoline_lowered:
0x8: {  	[smem:$0x3FAC] =	sst s0  }
0x9: {  	[smem:$0x3FAD] =	sst s1  }
0xa: {  	[smem:$0x3FAE] =	sst s2  }
0xb: {  	[smem:$0x3FAF] =	sst s3  }
0xc: {  	[smem:$0x3FB0] =	sst s4  }
0xd: {  	[smem:$0x3FB1] =	sst s5  }
0xe: {  	[smem:$0x3FB2] =	sst s6  }
0xf: {  	[smem:$0x3FB3] =	sst s7  }
0x10: {  	[smem:$0x3FB4] =	sst s8  }
0x11: {  	[smem:$0x3FB5] =	sst s9;
	s0 =	simm.s32 @!p0 $0x0  }
0x12: {  	s1 =	sld [smem:$0x3F9B];
	s0 =	simm.s32 @p0 $0x1  }
0x13: {  	[smem:$0x3FB6] =	sst s0;
	s0 =	simm.s32 @!p1 $0x0  }
0x14: {  	s2 =	sld [smem:$0x3F9A];
	s0 =	simm.s32 @p1 $0x1  }
0x15: {  	[smem:$0x3FB7] =	sst s0;
	s0 =	simm.s32 @!p2 $0x0  }
0x16: {  	s3 =	sld [smem:$0x3FDB];
	s0 =	simm.s32 @p2 $0x1  }
0x17: {  	s4 =	simm.s32 $0x1BF5;
	[smem:$0x3FB9] =	sst s0  }
0x18: {  	s0 =	sld [smem:$0x3F9C];
	_ =	swait.ge [sflag:s4], $0x0  }
0x19: {  	s7 =	sld [smem:$0x3F9D]  }
0x1a: {  	s8 =	sadd.s32 $0xFFFFE003, lr  }
0x1b: {  	s9 =	sadd.s32 $0xFFFFFEF7, lr;
	s5 =	simm.s32 $0xFFFFFFFF;
	p2 =	slt.u32 s8, $0xFFFFF086  }
0x1c: {  	p1 =	slt.u32 s9, $0xF7A;
	s5 =	simm.s32 @!p2 $0x0  }
0x1d: {  	s5 =	simm.s32 @p1 $0x1;
	p0 =	seq.s32 s7, s2  }
0x1e: {  	s7 =	smul.u32 @!p0 $0xF7A, s2;
	p2 =	seq.s32 @!p0 s5, $0x0  }
0x1f: {  	s9 =	smul.u32 $0xF7A, s1;
	s8 =	simm.s32 @!p0 $0x1BF5;
	p2 =	por !p2, p0  }
0x20: {  	[sflag:s8] =	ssyncset.s32 @!p0 $0xFFFFF086;
	s6 =	sadd.s32 @!p0 s3, s7;
	s7 =	simm.s32 @!p0 $0x108  }
0x21: {  	s3 =	sadd.s32 s3, s9;
	s6 =	sadd.s32 @!p0 $0x88, s6;
	s7 =	simm.s32 @p2 $0x1082  }
0x22: {  	[simem:s7], [sflag:s8] =	dma.local @!p0 [hbm:s6], $0xF7A  }
0x23: {  	s9 =	sor.u32 $0xD0000000, s2;
	s6 =	simm.s32 $0x108;
	_ =	swait.ge @!p0 [sflag:s8], $0x0  }
0x24: {  	s3 =	sadd.s32 $0x88, s3;
	s6 =	simm.s32 @!p1 $0x1082;
	[sflag:s4] =	ssyncset.s32 $0xFFFFF086  }
0x25: {  	[simem:s6], [sflag:s4] =	dma.local [hbm:s3], $0xF7A  }
0x26: {  	[smem:$0x3F9D] =	sst s1;
	(tag) =	ssettag s2;
	_ =	strace s9  }
0x27: {  	s1 =	sld [smem:$0x3FAD]  }
0x28: {  	s2 =	sld [smem:$0x3FAE]  }
0x29: {  	s4 =	sld [smem:$0x3FB0]  }
0x2a: {  	p0 =	seq.s32 s5, $0x0;
	s5 =	sld [smem:$0x3FB1]  }
0x2b: {  	s6 =	sld [smem:$0x3FB2]  }
0x2c: {  	s7 =	sld [smem:$0x3FB3]  }
0x2d: {  	s3 =	simm.s32 $0x108;
	s8 =	sld [smem:$0x3FB4]  }
0x2e: {  	s3 =	simm.s32 @!p0 $0x1082;
	s9 =	sld [smem:$0x3FB5]  }
0x2f: {  	lr =	sadd.s32 s0, s3;
	s0 =	sld [smem:$0x3FAC]  }
0x30: {  	s3 =	sld [smem:$0x3FAF]  }
0x31: {  	[smem:$0x3FB8] =	sst s10  }
0x32: {  	s10 =	sld [smem:$0x3FB6];
	_ =	sdelay $0x3  }
0x33: {  	p0 =	seq.s32 s10, $0x1;
	s10 =	sld [smem:$0x3FB8];
	_ =	sdelay $0x3  }
0x34: {  	[smem:$0x3FB8] =	sst s10  }
0x35: {  	s10 =	sld [smem:$0x3FB7];
	_ =	sdelay $0x3  }
0x36: {  	p1 =	seq.s32 s10, $0x1;
	s10 =	sld [smem:$0x3FB8];
	_ =	sdelay $0x3  }
0x37: {  	[smem:$0x3FB8] =	sst s10  }
0x38: {  	s10 =	sld [smem:$0x3FB9]  }
0x39: {  	_ = 	snop;
	(pc) =	sbr.ind lr, $3  }
0x3a: {  	_ = 	snop  }
0x3b: {  	_ = 	snop  }
0x3c: {  	p2 =	seq.s32 s10, $0x1;
	s10 =	sld [smem:$0x3FB8]  }
0x3d: {  	_ =	shalt  }
0x3e: {  	_ =	shalt  }
0x3f: {  	_ =	shalt  }
0x40: {  	_ =	shalt  }
0x41: {  	_ =	shalt  }
0x42: {  	_ =	shalt  }
0x43: {  	_ =	shalt  }
0x44: {  	_ =	shalt  }
0x45: {  	_ =	shalt  }
0x46: {  	_ =	shalt  }
0x47: {  	_ =	shalt  }
0x48: {  	_ =	shalt  }
0x49: {  	_ =	shalt  }
0x4a: {  	_ =	shalt  }
0x4b: {  	_ =	shalt  }
0x4c: {  	_ =	shalt  }
0x4d: {  	_ =	shalt  }
0x4e: {  	_ =	shalt  }
0x4f: {  	_ =	shalt  }
0x50: {  	_ =	shalt  }
0x51: {  	_ =	shalt  }
0x52: {  	_ =	shalt  }
0x53: {  	_ =	shalt  }
0x54: {  	_ =	shalt  }
0x55: {  	_ =	shalt  }
0x56: {  	_ =	shalt  }
0x57: {  	_ =	shalt  }
0x58: {  	_ =	shalt  }
0x59: {  	_ =	shalt  }
0x5a: {  	_ =	shalt  }
0x5b: {  	_ =	shalt  }
0x5c: {  	_ =	shalt  }
0x5d: {  	_ =	shalt  }
0x5e: {  	_ =	shalt  }
0x5f: {  	_ =	shalt  }
0x60: {  	_ =	shalt  }
0x61: {  	_ =	shalt  }
0x62: {  	_ =	shalt  }
0x63: {  	_ =	shalt  }
0x64: {  	_ =	shalt  }
0x65: {  	_ =	shalt  }
0x66: {  	_ =	shalt  }
0x67: {  	_ =	shalt  }
0x68: {  	_ =	shalt  }
0x69: {  	_ =	shalt  }
0x6a: {  	_ =	shalt  }
0x6b: {  	_ =	shalt  }
0x6c: {  	_ =	shalt  }
0x6d: {  	_ =	shalt  }
0x6e: {  	_ =	shalt  }
0x6f: {  	_ =	shalt  }
0x70: {  	_ =	shalt  }
0x71: {  	_ =	shalt  }
0x72: {  	_ =	shalt  }
0x73: {  	_ =	shalt  }
0x74: {  	_ =	shalt  }
0x75: {  	_ =	shalt  }
0x76: {  	_ =	shalt  }
0x77: {  	_ =	shalt  }
0x78: {  	_ =	shalt  }
0x79: {  	_ =	shalt  }
0x7a: {  	_ =	shalt  }
0x7b: {  	_ =	shalt  }
0x7c: {  	_ =	shalt  }
0x7d: {  	_ =	shalt  }
0x7e: {  	_ =	shalt  }
0x7f: {  	_ =	shalt  }
0x80: {  	_ =	shalt  }
0x81: {  	_ =	shalt  }
0x82: {  	_ =	shalt  }
0x83: {  	_ =	shalt  }
0x84: {  	_ =	shalt  }
0x85: {  	_ =	shalt  }
0x86: {  	_ =	shalt  }
0x87: {  	_ =	shalt  }
.Lfunc_end0:
.L_simem_size_0:
called_computation_lowered:
.L_overlay_start_0:
0x88: {  	s2 =	sld [smem:$0x3FD9]  }
0x89: {  	s3 =	sld [smem:$0x3FFE];
	_ =	sdelay $0x1  }
0x8a: {  	s1 =	srdreg.scid  }
0x8b: {  	s0 =	sand.u32 $0x1, s1  }
0x8c: {  	s17 =	sshll.u32 s0, $0xA;
	s2 =	sadd.s32 s3, s2  }
0x8d: {  	s2 =	sadd.s32 s2, s17  }
0x8e: {  	[smem:$0x3FC4] =	sst s2  }
0x8f: {  	_ = 	snop  }
0x90: {  	s2 =	sld [smem:$0x3FC7]  }
0x91: {  	s18 =	sld [smem:$0x3FC6];
	(tm) =	ssettm $0x1  }
0x92: {  	s4 =	sld [smem:$0x3FFB];
	_ =	sdelay $0x3  }
0x93: {  	_ =	strace s4  }
0x94: {  	s4 =	sld [smem:$0x3FFC];
	_ =	sdelay $0x3  }
0x95: {  	_ =	strace s4  }
0x96: {  	s4 =	sld [smem:$0x3FFD];
	_ =	sdelay $0x3  }
0x97: {  	_ =	strace s4  }
0x98: {  	_ =	strace $0x8FFFFFFF  }
0x99: {  	s19 =	sld [smem:$0x3FDB];
	_ =	sdelay $0x1  }
0x9a: {  	s5 =	simm.s32 $_scs_section_size  }
0x9b: {  	s6 =	simm.s32 $_size__tile_overlayer_lowered;
	s7 =	simm.s32 $_tile_overlayer_lowered  }
0x9c: {  	s22 =	simm.s32 $0x1BFF;
	s21 =	sshll.u32 s7, $0x1;
	s4 =	sadd.s32 s5, s19  }
0x9d: {  	s8 =	simm.s32 $0x0;
	s20 =	sshll.u32 s6, $0x1;
	s6 =	sadd.s32 s21, s4  }
0x9e: {  	[timem:s8], [sflag:s22] =	dma.local [hbm:s6], s20  }
0x9f: {  	_ =	swait.ge [sflag:s22], s20  }
0xa0: {  	s5 =	ssub.s32 $0x0, s20;
	[sflag:s22] =	ssyncset.done $0x0  }
0xa1: {  	[sflag:s22] =	ssyncadd.s32 s5;
	_ =	sdelay $0x1  }
0xa2: {  	s23 =	simm.s32 $0x1B8B  }
0xa3: {  	_ =	swait.ge [sflag:s23], $0x1  }
0xa4: {  	[sflag:s23] =	ssyncset.done $0x0  }
0xa5: {  	s25 =	simm.s32 $0x1B8E;
	s24 =	sld [smem:$0x3FFE];
	[sflag:s23] =	ssyncadd.s32 $0xFFFFFFFF  }
0xa6: {  	s26 =	simm.s32 $execute0_lowered;
	[smem:$0x3FD2] =	sst s25  }
0xa7: {  	s6 =	sshll.u32 s26, $0x1;
	_ =	strace $0x80000046;
	[dreg:$0x1] =	wrdreg $0xFFFFFFFF  }
0xa8: {  	s28 =	simm.s32 $_size_execute0_lowered;
	s4 =	sadd.s32 s4, s6;
	[dreg:$0x0] =	wrdreg $0x0  }
0xa9: {  	s6 =	sshll.u32 s28, $0x1;
	[dreg:$0x2] =	wrdreg s4  }
0xaa: {  	[dreg:$0x3] =	wrdreg s6  }
0xab: {  	[dreg:$0x4] =	wrdreg $0xC0  }
0xac: {  	_ =	task [dreg:s8], $0x5FFFF  }
0xad: {  	[dreg:$0x1] =	wrdreg $0xFFFFFFFF  }
0xae: {  	[dreg:$0x0] =	wrdreg $0x60  }
0xaf: {  	[dreg:$0x2] =	wrdreg s2  }
0xb0: {  	[dreg:$0x3] =	wrdreg s18  }
0xb1: {  	[dreg:$0x4] =	wrdreg s24  }
0xb2: {  	[dreg:$0x5] =	wrdreg $0x9  }
0xb3: {  	_ =	task.clear_ibuf [dreg:s8], $0x6FFFF;
	_ =	strace $0x90000046  }
0xb4: {  	s29 =	simm.s32 $0x9;
	_ =	strace $0x80000048  }
0xb5: {  	_ =	swait.ge [sflag:s29], $0x1  }
0xb6: {  	[sflag:s29] =	ssyncadd.s32 $0xFFFFFFFF  }
0xb7: {  	_ =	strace $0x90000048  }
0xb8: {  	_ =	sfence  }
0xb9: {  	s30 =	sld [smem:$0x0];
	_ =	sdelay $0x2  }
0xba: {  	s31 =	sshll.u32 s1, $0xD;
	s1 =	sshrl.u32 s1, $0x2  }
0xbb: {  	s3 =	sand.u32 $0x4000, s31;
	s1 =	sadd.s32 s1, s30  }
0xbc: {  	s0 =	sor.u32 s3, s0;
	s1 =	sshll.u32 s1, $0x11  }
0xbd: {  	s0 =	sor.u32 s1, s0  }
0xbe: {  	s0 =	sadd.s32 $0x8F2B, s0  }
0xbf: {  	[sflag:s0] =	ssyncadd.remote.s32 $0x1  }
0xc0: {  	_ =	sfence.sel $0xFFFF  }
0xc1: {  	[dreg:$0x0] =	wrdreg $0xFFFFFFFF;
	(pc) =	sbr.abs _section_cstart, $3  }
0xc2: {  	[dreg:$0x1] =	wrdreg $0xFFFFFFFF  }
0xc3: {  	_ =	task.clear_ibuf [dreg:s8], $0x2FFFF;
	_ =	strace $0x9FFFFFFF  }
0xc4: {  	(tm) =	ssettm $0x7FFFFFFF  }
0xc5: {  	_ =	shalt  }
tec
execute0_lowered:
.L_overlay_start_1:
0x0: {  	(tag) =	ssettag $0x1  }
0x1: {  	s1 =	rddreg [dreg:$0x0]  }
0x2: {  	s3 =	rddreg [dreg:$0x1]  }
0x3: {  	s15 =	rddreg [dreg:$0x2]  }
0x4: {  	s0 =	rddreg [dreg:$0x3]  }
0x5: {  	s5 =	srdreg.scid;
	s2 =	stileid.u32  }
0x6: {  	s4 =	simm.s32 $0x0;
	s16 =	simm.s32 $0x400;
	s17 =	simm.s32 $0x7A00  }
0x7: {  	s18 =	simm.s32 $0x2;
	s19 =	simm.s32 $0x80;
	s20 =	simm.s32 $0x1  }
0x8: {  	s22 =	simm.s32 $0x3;
	s23 =	simm.s32 $0x0;
	s8 =	sand.u32 $0x1, s5  }
0x9: {  	s30 =	sshll.u32 s2, $0x1;
	[smem:$0x7FF] =	sst s4;
	s13 =	smul.u32 $0xF400, s2  }
0xa: {  	s5 =	sadd.s32 $0xC00, s15;
	s21 =	sor.u32 s8, s30;
	s14 =	smul.u32 $0x7A00, s8  }
0xb: {  	s7 =	sadd.s32 $0x3D1600, s15;
	s9 =	ssub.s32 $0x2, s8;
	s10 =	smul.u32 $0x7A00, s21  }
0xc: {  	_ =	strace $0x80000047;
	s11 =	sshrl.u32 s9, $0x1;
	s6 =	smul.u32 $0x3D000, s21  }
.Ltmp0:
0xd: {  	p0 =	sne.s32 s21, $0x0;
	s21 =	simm.s32 $0xF400;
	(pc) =	sbr.rel .LBB2_1-.Ltmp0, $4  }
0xe: {  	s9 =	ssub.s32 s9, s11;
	s13 =	sadd.s32 s14, s13;
	s14 =	sadd.s32 $0x3EFE00, s15  }
0xf: {  	s15 =	sadd.s32 $0x1F400, s15;
	s31 =	sshrl.u32 s6, $0x3;
	s12 =	sshrl.u32 s10, $0x3  }
0x10: {  	s8 =	smax.u32 s9, $0x1;
	s13 =	sadd.s32 $0xF4280, s13;
	s9 =	sadd.s32 s1, s31  }
0x11: {  	s10 =	sadd.s32 s5, s12;
	s11 =	sadd.s32 s3, s31;
	s12 =	sadd.s32 s7, s12  }
.LBB2_6:
0x12: {  	s26 =	sshrl.u32 s29, $0x3  }
0x13: {  	[sflag:s22] =	ssyncadd.s32 $0xFFFFFDC0;
	s28 =	sadd.s32 s1, s26  }
0x14: {  	[tilespmem:s21], [sflag:$0x3] =	stream.strided.gather [hbm4b:s28+s19], $0x280, s16, s19, $0x38;
	[tilespmem:$0xF680] =	vst v63  }
0x15: {  	_ =	swait.ge [sflag:s22], $0x280  }
0x16: {  	[sflag:s22] =	ssyncset.done $0x0  }
0x17: {  	[sflag:s22] =	ssyncadd.s32 $0xFFFFFD80  }
0x18: {  	[hbm4b:s25+s4] =	stream.linear.scatter [tilespmem:s21], [sflag:$0x3], $0x240, $0x38;
	[tilespmem:$0xF680] =	vst v63  }
0x19: {  	_ =	swait.ge [sflag:s22], $0x240  }
0x1a: {  	[sflag:s22] =	ssyncset.done $0x0  }
0x1b: {  	s31 =	sadd.s32 s3, s26;
	[sflag:s22] =	ssyncadd.s32 $0xFFFFFDC0  }
0x1c: {  	[tilespmem:s21], [sflag:$0x3] =	stream.strided.gather [hbm4b:s31+s19], $0x280, s16, s19, $0x38;
	[tilespmem:$0xF680] =	vst v63  }
0x1d: {  	_ =	swait.ge [sflag:s22], $0x280  }
0x1e: {  	[sflag:s22] =	ssyncset.done $0x0  }
0x1f: {  	[sflag:s22] =	ssyncadd.s32 $0xFFFFFD80  }
0x20: {  	[hbm4b:s24+s4] =	stream.linear.scatter [tilespmem:s21], [sflag:$0x3], $0x240, $0x38;
	[tilespmem:$0xF680] =	vst v63  }
0x21: {  	_ =	swait.ge [sflag:s22], $0x240  }
0x22: {  	[sflag:s22] =	ssyncset.done $0x0  }
0x23: {  	[sflag:s22] =	ssyncadd.s32 $0xFFFFFDC0  }
.LBB2_7:
0x24: {  	s23 =	sadd.s32 $0x1, s23  }
0x25: {  	p1 =	sne.s32 s23, s8  }
.Ltmp1:
0x26: {  	_ = 	snop;
	(pc) =	sbr.rel @!p1 .LBB2_8-.Ltmp1, $1  }
0x27: {  	_ =	sdelay $0x3  }
.LBB2_1:
0x28: {  	[tilespmem:s4], [sflag:$0x1] =	stream.strided.gather [hbm4b:s9+s19], $0x7A00, s16, s19, $0x38;
	[tilespmem:$0xF680] =	vst v63  }
0x29: {  	_ =	swait.ge [sflag:s20], $0x7A00  }
0x2a: {  	[sflag:s20] =	ssyncset.done $0x0  }
0x2b: {  	[sflag:s20] =	ssyncadd.s32 $0xFFFF8600  }
0x2c: {  	[hbm4b:s10+s4] =	stream.linear.scatter [tilespmem:s4], [sflag:$0x2], $0x7A00, $0x38;
	[tilespmem:$0xF680] =	vst v63  }
0x2d: {  	s24 =	simm.s32 $0x0  }
0x2e: {  	[tilespmem:s17], [sflag:$0x1] =	stream.strided.gather [hbm4b:s11+s19], $0x7A00, s16, s19, $0x38;
	[tilespmem:$0xF680] =	vst v63  }
0x2f: {  	s24 =	smul.u32 $0x7A1400, s24;
	_ =	swait.ge [sflag:s20], $0x7A00  }
0x30: {  	[sflag:s20] =	ssyncset.done $0x0  }
0x31: {  	s25 =	sand.u32 $0x380, s19;
	s24 =	sadd.s32 s6, s24;
	[sflag:s20] =	ssyncadd.s32 $0xFFFF8600  }
0x32: {  	[hbm4b:s12+s4] =	stream.linear.scatter [tilespmem:s17], [sflag:$0x2], $0x7A00, $0x38;
	[tilespmem:$0xF680] =	vst v63  }
0x33: {  	s24 =	sor.u32 s25, s24;
	_ =	swait.ge [sflag:s18], $0x7A00  }
0x34: {  	s24 =	sshrl.u32 s24, $0x3;
	[sflag:s18] =	ssyncset.done $0x0  }
0x35: {  	s30 =	sadd.s32 s1, s24;
	[sflag:s18] =	ssyncadd.s32 $0xFFFF8600  }
0x36: {  	[tilespmem:s4], [sflag:$0x1] =	stream.strided.gather [hbm4b:s30+s19], $0x7A00, s16, s19, $0x38;
	[tilespmem:$0xF680] =	vst v63  }
0x37: {  	_ =	swait.ge [sflag:s20], $0x7A00  }
0x38: {  	s29 =	sshrl.u32 s13, $0x3;
	[sflag:s20] =	ssyncset.done $0x0  }
0x39: {  	s31 =	sadd.s32 s5, s29;
	[sflag:s20] =	ssyncadd.s32 $0xFFFF8600  }
0x3a: {  	[hbm4b:s31+s4] =	stream.linear.scatter [tilespmem:s4], [sflag:$0x2], $0x7A00, $0x38;
	[tilespmem:$0xF680] =	vst v63  }
0x3b: {  	_ =	swait.ge [sflag:s18], $0x7A00  }
0x3c: {  	[sflag:s18] =	ssyncset.done $0x0  }
0x3d: {  	s24 =	sadd.s32 s3, s24;
	[sflag:s18] =	ssyncadd.s32 $0xFFFF8600  }
0x3e: {  	[tilespmem:s17], [sflag:$0x1] =	stream.strided.gather [hbm4b:s24+s19], $0x7A00, s16, s19, $0x38;
	[tilespmem:$0xF680] =	vst v63  }
0x3f: {  	s26 =	simm.s32 $0x3;
	s28 =	simm.s32 $0x0;
	_ =	swait.ge [sflag:s20], $0x7A00  }
0x40: {  	s28 =	smul.u32 $0x7A1400, s28;
	s29 =	sadd.s32 s7, s29;
	[sflag:s20] =	ssyncset.done $0x0  }
0x41: {  	s25 =	simm.s32 $0x100;
	s24 =	sadd.s32 $0xF4280, s13;
	[sflag:s20] =	ssyncadd.s32 $0xFFFF8600  }
.LBB2_2:
0x42: {  	[hbm4b:s29+s4] =	stream.linear.scatter [tilespmem:s17], [sflag:$0x2], $0x7A00, $0x38;
	[tilespmem:$0xF680] =	vst v63  }
0x43: {  	s29 =	smov.u32 s26  }
0x44: {  	s30 =	sadd.s32 $0x1, s26;
	s31 =	sand.u32 $0x380, s25;
	s28 =	sadd.s32 s6, s28  }
0x45: {  	p1 =	sne.s32 s26, $0x1F;
	_ =	swait.ge [sflag:s18], $0x7A00;
	s26 =	sor.u32 s31, s28  }
0x46: {  	[sflag:s18] =	ssyncset.done $0x0;
	s26 =	sshrl.u32 s26, $0x3  }
0x47: {  	[sflag:s18] =	ssyncadd.s32 $0xFFFF8600;
	s28 =	sadd.s32 s1, s26  }
0x48: {  	[tilespmem:s4], [sflag:$0x1] =	stream.strided.gather [hbm4b:s28+s19], $0x7A00, s16, s19, $0x38;
	[tilespmem:$0xF680] =	vst v63  }
0x49: {  	_ =	swait.ge [sflag:s20], $0x7A00  }
0x4a: {  	s31 =	sshrl.u32 s24, $0x3;
	[sflag:s20] =	ssyncset.done $0x0  }
0x4b: {  	s28 =	sadd.s32 s5, s31;
	[sflag:s20] =	ssyncadd.s32 $0xFFFF8600  }
0x4c: {  	[hbm4b:s28+s4] =	stream.linear.scatter [tilespmem:s4], [sflag:$0x2], $0x7A00, $0x38;
	[tilespmem:$0xF680] =	vst v63  }
0x4d: {  	_ =	swait.ge [sflag:s18], $0x7A00  }
0x4e: {  	[sflag:s18] =	ssyncset.done $0x0  }
.Ltmp2:
0x4f: {  	s26 =	sadd.s32 s3, s26;
	[sflag:s18] =	ssyncadd.s32 $0xFFFF8600;
	(pc) =	sbr.rel @p1 .LBB2_2-.Ltmp2, $4  }
0x50: {  	[tilespmem:s17], [sflag:$0x1] =	stream.strided.gather [hbm4b:s26+s19], $0x7A00, s16, s19, $0x38;
	[tilespmem:$0xF680] =	vst v63  }
0x51: {  	s25 =	sadd.s32 $0x80, s25;
	s24 =	sadd.s32 $0xF4280, s24;
	_ =	swait.ge [sflag:s20], $0x7A00  }
0x52: {  	s26 =	sshrl.u32 s29, $0x3;
	s29 =	sadd.s32 s7, s31;
	[sflag:s20] =	ssyncset.done $0x0  }
0x53: {  	s28 =	smul.u32 $0x7A1400, s26;
	s26 =	smov.u32 s30;
	[sflag:s20] =	ssyncadd.s32 $0xFFFF8600  }
0x54: {  	[hbm4b:s29+s4] =	stream.linear.scatter [tilespmem:s17], [sflag:$0x2], $0x7A00, $0x38;
	[tilespmem:$0xF680] =	vst v63  }
0x55: {  	s25 =	sand.u32 $0x380, s25;
	s26 =	sadd.s32 s6, s28  }
0x56: {  	_ =	swait.ge [sflag:s18], $0x7A00;
	s25 =	sor.u32 s25, s26  }
0x57: {  	[sflag:s18] =	ssyncset.done $0x0;
	s25 =	sshrl.u32 s25, $0x3  }
0x58: {  	[sflag:s18] =	ssyncadd.s32 $0xFFFF8600;
	s30 =	sadd.s32 s1, s25  }
0x59: {  	[tilespmem:s4], [sflag:$0x1] =	stream.strided.gather [hbm4b:s30+s19], $0x7A00, s16, s19, $0x38;
	[tilespmem:$0xF680] =	vst v63  }
0x5a: {  	_ =	swait.ge [sflag:s20], $0x7A00  }
0x5b: {  	s24 =	sshrl.u32 s24, $0x3;
	[sflag:s20] =	ssyncset.done $0x0  }
0x5c: {  	s31 =	sadd.s32 s5, s24;
	[sflag:s20] =	ssyncadd.s32 $0xFFFF8600  }
0x5d: {  	[hbm4b:s31+s4] =	stream.linear.scatter [tilespmem:s4], [sflag:$0x2], $0x7A00, $0x38;
	[tilespmem:$0xF680] =	vst v63  }
0x5e: {  	_ =	swait.ge [sflag:s18], $0x7A00  }
0x5f: {  	[sflag:s18] =	ssyncset.done $0x0  }
0x60: {  	s25 =	sadd.s32 s3, s25;
	[sflag:s18] =	ssyncadd.s32 $0xFFFF8600  }
0x61: {  	[tilespmem:s17], [sflag:$0x1] =	stream.strided.gather [hbm4b:s25+s19], $0x7A00, s16, s19, $0x38;
	[tilespmem:$0xF680] =	vst v63  }
0x62: {  	_ =	swait.ge [sflag:s20], $0x7A00  }
0x63: {  	[sflag:s20] =	ssyncset.done $0x0  }
0x64: {  	s24 =	sadd.s32 s7, s24;
	[sflag:s20] =	ssyncadd.s32 $0xFFFF8600  }
0x65: {  	[hbm4b:s24+s4] =	stream.linear.scatter [tilespmem:s17], [sflag:$0x2], $0x7A00, $0x38;
	[tilespmem:$0xF680] =	vst v63  }
0x66: {  	_ =	swait.ge [sflag:s18], $0x7A00  }
.Ltmp3:
0x67: {  	[sflag:s18] =	ssyncset.done $0x0;
	(pc) =	sbr.rel @p0 .LBB2_7-.Ltmp3, $4  }
0x68: {  	[sflag:s18] =	ssyncadd.s32 $0xFFFF8600  }
0x69: {  	_ =	swait.ge [sflag:s18], $0x7A00  }
0x6a: {  	[sflag:s18] =	ssyncset.done $0x0  }
0x6b: {  	[sflag:s18] =	ssyncadd.s32 $0xFFFF8600  }
0x6c: {  	s24 =	simm.s32 $0x0  }
0x6d: {  	s25 =	simm.s32 $0x0;
	s24 =	smul.u32 $0x7A1400, s24  }
0x6e: {  	s25 =	sand.u32 $0x380, s25  }
0x6f: {  	s24 =	sor.u32 s25, s24  }
0x70: {  	s24 =	sadd.s32 $0x7A0000, s24  }
0x71: {  	s24 =	sshrl.u32 s24, $0x3  }
0x72: {  	s26 =	sadd.s32 s1, s24  }
0x73: {  	[tilespmem:s21], [sflag:$0x3] =	stream.strided.gather [hbm4b:s26+s19], $0x280, s16, s19, $0x38;
	[tilespmem:$0xF680] =	vst v63  }
0x74: {  	_ =	swait.ge [sflag:s22], $0x280  }
0x75: {  	[sflag:s22] =	ssyncset.done $0x0  }
0x76: {  	[sflag:s22] =	ssyncadd.s32 $0xFFFFFD80  }
0x77: {  	[hbm4b:s15+s4] =	stream.linear.scatter [tilespmem:s21], [sflag:$0x3], $0x240, $0x38;
	[tilespmem:$0xF680] =	vst v63  }
0x78: {  	_ =	swait.ge [sflag:s22], $0x240  }
0x79: {  	[sflag:s22] =	ssyncset.done $0x0  }
0x7a: {  	s24 =	sadd.s32 s3, s24;
	[sflag:s22] =	ssyncadd.s32 $0xFFFFFDC0  }
0x7b: {  	[tilespmem:s21], [sflag:$0x3] =	stream.strided.gather [hbm4b:s24+s19], $0x280, s16, s19, $0x38;
	[tilespmem:$0xF680] =	vst v63  }
0x7c: {  	s28 =	simm.s32 $0x2;
	_ =	swait.ge [sflag:s22], $0x280  }
0x7d: {  	s30 =	simm.s32 $0x0;
	s26 =	simm.s32 $0x80;
	[sflag:s22] =	ssyncset.done $0x0  }
0x7e: {  	s31 =	sand.u32 $0x380, s26;
	s24 =	smul.u32 $0x7A1400, s30;
	[sflag:s22] =	ssyncadd.s32 $0xFFFFFD80  }
0x7f: {  	[hbm4b:s14+s4] =	stream.linear.scatter [tilespmem:s21], [sflag:$0x3], $0x240, $0x38;
	[tilespmem:$0xF680] =	vst v63  }
0x80: {  	s25 =	sadd.s32 $0x1E850, s15;
	s24 =	sor.u32 s31, s24;
	_ =	swait.ge [sflag:s22], $0x240  }
0x81: {  	s29 =	sadd.s32 $0x7A0000, s24;
	s24 =	sadd.s32 $0x1E850, s14;
	[sflag:s22] =	ssyncset.done $0x0  }
.LBB2_5:
0x82: {  	s29 =	sshrl.u32 s29, $0x3  }
0x83: {  	[sflag:s22] =	ssyncadd.s32 $0xFFFFFDC0;
	s30 =	smov.u32 s28;
	s31 =	sadd.s32 $0x1, s28  }
0x84: {  	p1 =	sne.s32 s28, $0x1F;
	s28 =	sadd.s32 s1, s29  }
0x85: {  	[tilespmem:s21], [sflag:$0x3] =	stream.strided.gather [hbm4b:s28+s19], $0x280, s16, s19, $0x38;
	[tilespmem:$0xF680] =	vst v63  }
0x86: {  	_ =	swait.ge [sflag:s22], $0x280  }
0x87: {  	[sflag:s22] =	ssyncset.done $0x0  }
0x88: {  	[sflag:s22] =	ssyncadd.s32 $0xFFFFFD80  }
0x89: {  	[hbm4b:s25+s4] =	stream.linear.scatter [tilespmem:s21], [sflag:$0x3], $0x240, $0x38;
	[tilespmem:$0xF680] =	vst v63  }
0x8a: {  	_ =	swait.ge [sflag:s22], $0x240  }
0x8b: {  	[sflag:s22] =	ssyncset.done $0x0  }
0x8c: {  	s28 =	sadd.s32 s3, s29;
	[sflag:s22] =	ssyncadd.s32 $0xFFFFFDC0  }
0x8d: {  	[tilespmem:s21], [sflag:$0x3] =	stream.strided.gather [hbm4b:s28+s19], $0x280, s16, s19, $0x38;
	[tilespmem:$0xF680] =	vst v63  }
0x8e: {  	s28 =	sshrl.u32 s30, $0x3  }
0x8f: {  	s26 =	sadd.s32 $0x80, s26;
	_ =	swait.ge [sflag:s22], $0x280;
	s28 =	smul.u32 $0x7A1400, s28  }
.Ltmp4:
0x90: {  	s29 =	sand.u32 $0x380, s26;
	[sflag:s22] =	ssyncset.done $0x0;
	(pc) =	sbr.rel @p1 .LBB2_5-.Ltmp4, $4  }
0x91: {  	[sflag:s22] =	ssyncadd.s32 $0xFFFFFD80;
	s28 =	sor.u32 s29, s28  }
0x92: {  	[hbm4b:s24+s4] =	stream.linear.scatter [tilespmem:s21], [sflag:$0x3], $0x240, $0x38;
	[tilespmem:$0xF680] =	vst v63  }
0x93: {  	s25 =	sadd.s32 $0x1E850, s25;
	s29 =	sadd.s32 $0x7A0000, s28;
	_ =	swait.ge [sflag:s22], $0x240  }
0x94: {  	s24 =	sadd.s32 $0x1E850, s24;
	s28 =	smov.u32 s31;
	[sflag:s22] =	ssyncset.done $0x0  }
.Ltmp5:
0x95: {  	_ = 	snop;
	(pc) =	sbr.rel .LBB2_6-.Ltmp5, $1  }
0x96: {  	_ =	sdelay $0x3  }
.LBB2_8:
0x97: {  	_ =	sfence.sel $0x180000  }
0x98: {  	[bflag:$0x0] =	sbarrier.arrive $0xFFFF  }
0x99: {  	p0 =	sne.s32 s2, $0x0;
	_ =	strace $0x90000047  }
0x9a: {  	s0 =	sadd.s32 @!p0 $0x100000, s0;
	[bflag:$0x2] =	sbarrier.arrive $0xFFFF  }
0x9b: {  	[sflag:s0] =	ssyncadd.tile.s32 @!p0 $0x1;
	_ =	shalt  }
.Lfunc_end2:
_tile_overlayer_lowered:
.L_overlay_start_2:
0x9c: {  	(tag) =	ssettag $0x2  }
0x9d: {  	s0 =	rddreg [dreg:$0x0];
	s2 =	stileid.u32  }
0x9e: {  	s1 =	rddreg [dreg:$0x1];
	p0 =	sne.s32 s2, $0x0  }
0x9f: {  	s3 =	rddreg [dreg:$0x2];
	[bflag:$0x3] =	sbarrier.arrive $0xFFFF;
	s2 =	simm.s32 @!p0 $0x1C03  }
0xa0: {  	[timem:s3], [sflag:s2] =	dma.local @!p0 [hbm:s0], s1  }
0xa1: {  	s0 =	simm.s32 @!p0 $0x3  }
0xa2: {  	_ =	swait.ge @!p0 [sflag:s0], s1  }
0xa3: {  	s1 =	ssub.s32 @!p0 $0x0, s1;
	[sflag:s0] =	ssyncset.done @!p0 $0x0  }
0xa4: {  	[sflag:s0] =	ssyncadd.s32 @!p0 s1  }
0xa5: {  	[bflag:$0x3] =	sbarrier.arrive $0xFFFF  }
0xa6: {  	_ =	shalt  }

// kernel: kernel.7.cloned.1.call-start
scs
__scs_entry_jumppad:
0x0: {  	(pc) =	sbr.rel $0x88, $3  }
0x1: {  	(tag) =	ssettag $0x0;
	lr =	simm.s32 $0x1  }
0x2: {  	[smem:$0x3F9D] =	sst lr;
	_ =	strace $0xD0000000  }
0x3: {  	_ = 	snop  }
0x4: {  	_ = 	snop  }
0x5: {  	_ = 	snop  }
0x6: {  	_ = 	snop  }
0x7: {  	_ = 	snop  }
__scs_overlays_trampoline_lowered:
0x8: {  	[smem:$0x3FAC] =	sst s0  }
0x9: {  	[smem:$0x3FAD] =	sst s1  }
0xa: {  	[smem:$0x3FAE] =	sst s2  }
0xb: {  	[smem:$0x3FAF] =	sst s3  }
0xc: {  	[smem:$0x3FB0] =	sst s4  }
0xd: {  	[smem:$0x3FB1] =	sst s5  }
0xe: {  	[smem:$0x3FB2] =	sst s6  }
0xf: {  	[smem:$0x3FB3] =	sst s7  }
0x10: {  	[smem:$0x3FB4] =	sst s8  }
0x11: {  	[smem:$0x3FB5] =	sst s9;
	s0 =	simm.s32 @!p0 $0x0  }
0x12: {  	s1 =	sld [smem:$0x3F9B];
	s0 =	simm.s32 @p0 $0x1  }
0x13: {  	[smem:$0x3FB6] =	sst s0;
	s0 =	simm.s32 @!p1 $0x0  }
0x14: {  	s2 =	sld [smem:$0x3F9A];
	s0 =	simm.s32 @p1 $0x1  }
0x15: {  	[smem:$0x3FB7] =	sst s0;
	s0 =	simm.s32 @!p2 $0x0  }
0x16: {  	s3 =	sld [smem:$0x3FDB];
	s0 =	simm.s32 @p2 $0x1  }
0x17: {  	s4 =	simm.s32 $0x1BF5;
	[smem:$0x3FB9] =	sst s0  }
0x18: {  	s0 =	sld [smem:$0x3F9C];
	_ =	swait.ge [sflag:s4], $0x0  }
0x19: {  	s7 =	sld [smem:$0x3F9D]  }
0x1a: {  	s8 =	sadd.s32 $0xFFFFE003, lr  }
0x1b: {  	s9 =	sadd.s32 $0xFFFFFEF7, lr;
	s5 =	simm.s32 $0xFFFFFFFF;
	p2 =	slt.u32 s8, $0xFFFFF086  }
0x1c: {  	p1 =	slt.u32 s9, $0xF7A;
	s5 =	simm.s32 @!p2 $0x0  }
0x1d: {  	s5 =	simm.s32 @p1 $0x1;
	p0 =	seq.s32 s7, s2  }
0x1e: {  	s7 =	smul.u32 @!p0 $0xF7A, s2;
	p2 =	seq.s32 @!p0 s5, $0x0  }
0x1f: {  	s9 =	smul.u32 $0xF7A, s1;
	s8 =	simm.s32 @!p0 $0x1BF5;
	p2 =	por !p2, p0  }
0x20: {  	[sflag:s8] =	ssyncset.s32 @!p0 $0xFFFFF086;
	s6 =	sadd.s32 @!p0 s3, s7;
	s7 =	simm.s32 @!p0 $0x108  }
0x21: {  	s3 =	sadd.s32 s3, s9;
	s6 =	sadd.s32 @!p0 $0x88, s6;
	s7 =	simm.s32 @p2 $0x1082  }
0x22: {  	[simem:s7], [sflag:s8] =	dma.local @!p0 [hbm:s6], $0xF7A  }
0x23: {  	s9 =	sor.u32 $0xD0000000, s2;
	s6 =	simm.s32 $0x108;
	_ =	swait.ge @!p0 [sflag:s8], $0x0  }
0x24: {  	s3 =	sadd.s32 $0x88, s3;
	s6 =	simm.s32 @!p1 $0x1082;
	[sflag:s4] =	ssyncset.s32 $0xFFFFF086  }
0x25: {  	[simem:s6], [sflag:s4] =	dma.local [hbm:s3], $0xF7A  }
0x26: {  	[smem:$0x3F9D] =	sst s1;
	(tag) =	ssettag s2;
	_ =	strace s9  }
0x27: {  	s1 =	sld [smem:$0x3FAD]  }
0x28: {  	s2 =	sld [smem:$0x3FAE]  }
0x29: {  	s4 =	sld [smem:$0x3FB0]  }
0x2a: {  	p0 =	seq.s32 s5, $0x0;
	s5 =	sld [smem:$0x3FB1]  }
0x2b: {  	s6 =	sld [smem:$0x3FB2]  }
0x2c: {  	s7 =	sld [smem:$0x3FB3]  }
0x2d: {  	s3 =	simm.s32 $0x108;
	s8 =	sld [smem:$0x3FB4]  }
0x2e: {  	s3 =	simm.s32 @!p0 $0x1082;
	s9 =	sld [smem:$0x3FB5]  }
0x2f: {  	lr =	sadd.s32 s0, s3;
	s0 =	sld [smem:$0x3FAC]  }
0x30: {  	s3 =	sld [smem:$0x3FAF]  }
0x31: {  	[smem:$0x3FB8] =	sst s10  }
0x32: {  	s10 =	sld [smem:$0x3FB6];
	_ =	sdelay $0x3  }
0x33: {  	p0 =	seq.s32 s10, $0x1;
	s10 =	sld [smem:$0x3FB8];
	_ =	sdelay $0x3  }
0x34: {  	[smem:$0x3FB8] =	sst s10  }
0x35: {  	s10 =	sld [smem:$0x3FB7];
	_ =	sdelay $0x3  }
0x36: {  	p1 =	seq.s32 s10, $0x1;
	s10 =	sld [smem:$0x3FB8];
	_ =	sdelay $0x3  }
0x37: {  	[smem:$0x3FB8] =	sst s10  }
0x38: {  	s10 =	sld [smem:$0x3FB9]  }
0x39: {  	_ = 	snop;
	(pc) =	sbr.ind lr, $3  }
0x3a: {  	_ = 	snop  }
0x3b: {  	_ = 	snop  }
0x3c: {  	p2 =	seq.s32 s10, $0x1;
	s10 =	sld [smem:$0x3FB8]  }
0x3d: {  	_ =	shalt  }
0x3e: {  	_ =	shalt  }
0x3f: {  	_ =	shalt  }
0x40: {  	_ =	shalt  }
0x41: {  	_ =	shalt  }
0x42: {  	_ =	shalt  }
0x43: {  	_ =	shalt  }
0x44: {  	_ =	shalt  }
0x45: {  	_ =	shalt  }
0x46: {  	_ =	shalt  }
0x47: {  	_ =	shalt  }
0x48: {  	_ =	shalt  }
0x49: {  	_ =	shalt  }
0x4a: {  	_ =	shalt  }
0x4b: {  	_ =	shalt  }
0x4c: {  	_ =	shalt  }
0x4d: {  	_ =	shalt  }
0x4e: {  	_ =	shalt  }
0x4f: {  	_ =	shalt  }
0x50: {  	_ =	shalt  }
0x51: {  	_ =	shalt  }
0x52: {  	_ =	shalt  }
0x53: {  	_ =	shalt  }
0x54: {  	_ =	shalt  }
0x55: {  	_ =	shalt  }
0x56: {  	_ =	shalt  }
0x57: {  	_ =	shalt  }
0x58: {  	_ =	shalt  }
0x59: {  	_ =	shalt  }
0x5a: {  	_ =	shalt  }
0x5b: {  	_ =	shalt  }
0x5c: {  	_ =	shalt  }
0x5d: {  	_ =	shalt  }
0x5e: {  	_ =	shalt  }
0x5f: {  	_ =	shalt  }
0x60: {  	_ =	shalt  }
0x61: {  	_ =	shalt  }
0x62: {  	_ =	shalt  }
0x63: {  	_ =	shalt  }
0x64: {  	_ =	shalt  }
0x65: {  	_ =	shalt  }
0x66: {  	_ =	shalt  }
0x67: {  	_ =	shalt  }
0x68: {  	_ =	shalt  }
0x69: {  	_ =	shalt  }
0x6a: {  	_ =	shalt  }
0x6b: {  	_ =	shalt  }
0x6c: {  	_ =	shalt  }
0x6d: {  	_ =	shalt  }
0x6e: {  	_ =	shalt  }
0x6f: {  	_ =	shalt  }
0x70: {  	_ =	shalt  }
0x71: {  	_ =	shalt  }
0x72: {  	_ =	shalt  }
0x73: {  	_ =	shalt  }
0x74: {  	_ =	shalt  }
0x75: {  	_ =	shalt  }
0x76: {  	_ =	shalt  }
0x77: {  	_ =	shalt  }
0x78: {  	_ =	shalt  }
0x79: {  	_ =	shalt  }
0x7a: {  	_ =	shalt  }
0x7b: {  	_ =	shalt  }
0x7c: {  	_ =	shalt  }
0x7d: {  	_ =	shalt  }
0x7e: {  	_ =	shalt  }
0x7f: {  	_ =	shalt  }
0x80: {  	_ =	shalt  }
0x81: {  	_ =	shalt  }
0x82: {  	_ =	shalt  }
0x83: {  	_ =	shalt  }
0x84: {  	_ =	shalt  }
0x85: {  	_ =	shalt  }
0x86: {  	_ =	shalt  }
0x87: {  	_ =	shalt  }
.Lfunc_end0:
.L_simem_size_0:
called_computation.1_lowered:
.L_overlay_start_0:
0x88: {  	s2 =	sld [smem:$0x3FD9]  }
0x89: {  	s3 =	sld [smem:$0x3FFE];
	_ =	sdelay $0x1  }
0x8a: {  	s1 =	srdreg.scid  }
0x8b: {  	s0 =	sand.u32 $0x1, s1  }
0x8c: {  	s17 =	sshll.u32 s0, $0xA;
	s2 =	sadd.s32 s3, s2  }
0x8d: {  	s2 =	sadd.s32 s2, s17  }
0x8e: {  	[smem:$0x3FC4] =	sst s2  }
0x8f: {  	_ = 	snop  }
0x90: {  	s2 =	sld [smem:$0x3FC9]  }
0x91: {  	s18 =	sld [smem:$0x3FC8]  }
0x92: {  	s4 =	sld [smem:$0x3FD0];
	(tm) =	ssettm $0x1  }
0x93: {  	s5 =	sld [smem:$0x3FFB];
	_ =	sdelay $0x3  }
0x94: {  	_ =	strace s5  }
0x95: {  	s5 =	sld [smem:$0x3FFC];
	_ =	sdelay $0x3  }
0x96: {  	_ =	strace s5  }
0x97: {  	s5 =	sld [smem:$0x3FFD];
	_ =	sdelay $0x3  }
0x98: {  	_ =	strace s5  }
0x99: {  	_ =	strace $0x8FFFFFFF  }
0x9a: {  	s19 =	sld [smem:$0x3FDB];
	_ =	sdelay $0x1  }
0x9b: {  	s6 =	simm.s32 $_scs_section_size  }
0x9c: {  	s7 =	simm.s32 $_size__tile_overlayer_lowered;
	s8 =	simm.s32 $_tile_overlayer_lowered  }
0x9d: {  	s22 =	simm.s32 $0x1BFF;
	s21 =	sshll.u32 s8, $0x1;
	s5 =	sadd.s32 s6, s19  }
0x9e: {  	s9 =	simm.s32 $0x0;
	s20 =	sshll.u32 s7, $0x1;
	s7 =	sadd.s32 s21, s5  }
0x9f: {  	[timem:s9], [sflag:s22] =	dma.local [hbm:s7], s20  }
0xa0: {  	_ =	swait.ge [sflag:s22], s20  }
0xa1: {  	s6 =	ssub.s32 $0x0, s20;
	[sflag:s22] =	ssyncset.done $0x0  }
0xa2: {  	[sflag:s22] =	ssyncadd.s32 s6;
	_ =	sdelay $0x1  }
0xa3: {  	s23 =	simm.s32 $0x1B8B  }
0xa4: {  	_ =	swait.ge [sflag:s23], $0x1  }
0xa5: {  	[sflag:s23] =	ssyncset.done $0x0  }
0xa6: {  	s25 =	simm.s32 $0x1B8E;
	s24 =	sld [smem:$0x3FFE];
	[sflag:s23] =	ssyncadd.s32 $0xFFFFFFFF  }
0xa7: {  	s26 =	simm.s32 $execute0_lowered;
	[smem:$0x3FD2] =	sst s25  }
0xa8: {  	s7 =	sshll.u32 s26, $0x1;
	_ =	strace $0x80000049;
	[dreg:$0x1] =	wrdreg $0xFFFFFFFF  }
0xa9: {  	s28 =	simm.s32 $_size_execute0_lowered;
	s5 =	sadd.s32 s5, s7;
	[dreg:$0x0] =	wrdreg $0x0  }
0xaa: {  	s7 =	sshll.u32 s28, $0x1;
	[dreg:$0x2] =	wrdreg s5  }
0xab: {  	[dreg:$0x3] =	wrdreg s7  }
0xac: {  	[dreg:$0x4] =	wrdreg $0xC0  }
0xad: {  	_ =	task [dreg:s9], $0x5FFFF  }
0xae: {  	[dreg:$0x1] =	wrdreg $0xFFFFFFFF  }
0xaf: {  	[dreg:$0x0] =	wrdreg $0x60  }
0xb0: {  	[dreg:$0x2] =	wrdreg s2  }
0xb1: {  	[dreg:$0x3] =	wrdreg s18  }
0xb2: {  	[dreg:$0x4] =	wrdreg s24  }
0xb3: {  	[dreg:$0x5] =	wrdreg s4  }
0xb4: {  	[dreg:$0x6] =	wrdreg $0x9  }
0xb5: {  	_ =	task.clear_ibuf [dreg:s9], $0x7FFFF;
	_ =	strace $0x90000049  }
0xb6: {  	s29 =	simm.s32 $0x9;
	_ =	strace $0x8000004B  }
0xb7: {  	_ =	swait.ge [sflag:s29], $0x1  }
0xb8: {  	[sflag:s29] =	ssyncadd.s32 $0xFFFFFFFF  }
0xb9: {  	_ =	strace $0x9000004B  }
0xba: {  	_ =	sfence  }
0xbb: {  	s30 =	sld [smem:$0x0];
	_ =	sdelay $0x2  }
0xbc: {  	s31 =	sshll.u32 s1, $0xD;
	s1 =	sshrl.u32 s1, $0x2  }
0xbd: {  	s3 =	sand.u32 $0x4000, s31;
	s1 =	sadd.s32 s1, s30  }
0xbe: {  	s0 =	sor.u32 s3, s0;
	s1 =	sshll.u32 s1, $0x11  }
0xbf: {  	s0 =	sor.u32 s1, s0  }
0xc0: {  	s0 =	sadd.s32 $0x8F2B, s0  }
0xc1: {  	[sflag:s0] =	ssyncadd.remote.s32 $0x1  }
0xc2: {  	_ =	sfence.sel $0xFFFF  }
0xc3: {  	[dreg:$0x0] =	wrdreg $0xFFFFFFFF;
	(pc) =	sbr.abs _section_cstart, $3  }
0xc4: {  	[dreg:$0x1] =	wrdreg $0xFFFFFFFF  }
0xc5: {  	_ =	task.clear_ibuf [dreg:s9], $0x2FFFF;
	_ =	strace $0x9FFFFFFF  }
0xc6: {  	(tm) =	ssettm $0x7FFFFFFF  }
0xc7: {  	_ =	shalt  }
tec
execute0_lowered:
.L_overlay_start_1:
0x0: {  	(tag) =	ssettag $0x1  }
0x1: {  	s5 =	rddreg [dreg:$0x0]  }
0x2: {  	s6 =	rddreg [dreg:$0x1]  }
0x3: {  	s4 =	rddreg [dreg:$0x2]  }
0x4: {  	s7 =	rddreg [dreg:$0x3]  }
0x5: {  	s0 =	rddreg [dreg:$0x4];
	s1 =	simm.s32 $0x0;
	s2 =	srdreg.scid  }
0x6: {  	s12 =	simm.s32 $0x8400;
	s13 =	simm.s32 $0x0;
	[smem:$0x7FF] =	sst s1  }
0x7: {  	s8 =	sand.u32 $0x1, s2;
	s3 =	sadd.s32 $0xC00, s4;
	s2 =	stileid.u32  }
0x8: {  	s4 =	sadd.s32 $0x3D1600, s4;
	_ =	strace $0x8000004A;
	s9 =	ssub.s32 $0x2, s8  }
0x9: {  	s11 =	sshll.u32 s2, $0x7;
	s8 =	sshll.u32 s8, $0x6;
	s10 =	sshrl.u32 s9, $0x1  }
0xa: {  	s8 =	sor.u32 s8, s11;
	s11 =	simm.s32 $0x1;
	s9 =	ssub.s32 s9, s10  }
0xb: {  	s5 =	sadd.s32 s5, s8;
	s6 =	sadd.s32 s6, s8;
	s7 =	sadd.s32 s7, s8  }
0xc: {  	vm0 =	vmmov $0xffff;
	v0 =	vlaneseq.u32;
	s10 =	simm.s32 $0x200;
	s8 =	smax.u32 s9, $0x1;
	s9 =	simm.s32 $0x2  }
.LBB2_1:
0xd: {  	[tilespmem:s1], [sflag:$0x2] =	stream.linear.gather [hbm4b:s5+s1], $0x200, $0x38;
	[tilespmem:$0x8600] =	vst v63  }
0xe: {  	_ =	swait.ge [sflag:s9], $0x200  }
0xf: {  	[sflag:s9] =	ssyncset.done $0x0  }
0x10: {  	[sflag:s9] =	ssyncadd.s32 $0xFFFFFE00  }
0x11: {  	[tilespmem:s10], [sflag:$0x2] =	stream.linear.gather [hbm4b:s6+s1], $0x200, $0x38;
	[tilespmem:$0x8600] =	vst v63  }
0x12: {  	_ =	swait.ge [sflag:s9], $0x200  }
0x13: {  	[sflag:s9] =	ssyncset.done $0x0  }
0x14: {  	s14 =	simm.s32 $0x0;
	[sflag:s9] =	ssyncadd.s32 $0xFFFFFE00  }
0x15: {  	v2 =	vld [tilespmem:s14+$0x0];
	_ =	sdelay $0x1  }
0x16: {  	v1 =	vld [tilespmem:s14+$0x200];
	_ =	sdelay $0x4  }
0x17: {  	s16 =	simm.s32 $0x400;
	v3 =	vadd.s32 $0xF4280, v2  }
0x18: {  	[tilespmem:s16], [sflag:$0x1] =	stream.indirect_vreg.gather [hbm4b:s3+s1], $0x1, v2, vm0, $0xb8;
	[tilespmem:$0x8600] =	vst v63  }
0x19: {  	s17 =	simm.s32 $0x4400;
	v4 =	vadd.s32 $0xF4280, v1  }
0x1a: {  	[tilespmem:s17], [sflag:$0x1] =	stream.indirect_vreg.gather [hbm4b:s4+s1], $0x1, v1, vm0, $0xb8;
	[tilespmem:$0x8600] =	vst v63  }
0x1b: {  	s18 =	simm.s32 $0x600;
	v5 =	vadd.s32 $0x1E8500, v2  }
0x1c: {  	[tilespmem:s18], [sflag:$0x1] =	stream.indirect_vreg.gather [hbm4b:s3+s1], $0x1, v3, vm0, $0xb8;
	[tilespmem:$0x8600] =	vst v63  }
0x1d: {  	s19 =	simm.s32 $0x4600;
	v3 =	vadd.s32 $0x1E8500, v1  }
0x1e: {  	[tilespmem:s19], [sflag:$0x1] =	stream.indirect_vreg.gather [hbm4b:s4+s1], $0x1, v4, vm0, $0xb8;
	[tilespmem:$0x8600] =	vst v63  }
0x1f: {  	s20 =	simm.s32 $0x800;
	v26 =	vadd.s32 $0x2DC780, v2  }
0x20: {  	[tilespmem:s20], [sflag:$0x1] =	stream.indirect_vreg.gather [hbm4b:s3+s1], $0x1, v5, vm0, $0xb8;
	[tilespmem:$0x8600] =	vst v63  }
0x21: {  	s21 =	simm.s32 $0x4800;
	v27 =	vadd.s32 $0x2DC780, v1  }
0x22: {  	[tilespmem:s21], [sflag:$0x1] =	stream.indirect_vreg.gather [hbm4b:s4+s1], $0x1, v3, vm0, $0xb8;
	[tilespmem:$0x8600] =	vst v63  }
0x23: {  	s22 =	simm.s32 $0xA00;
	v3 =	vadd.s32 $0x3D0A00, v2  }
0x24: {  	[tilespmem:s22], [sflag:$0x1] =	stream.indirect_vreg.gather [hbm4b:s3+s1], $0x1, v26, vm0, $0xb8;
	[tilespmem:$0x8600] =	vst v63  }
0x25: {  	s23 =	simm.s32 $0x4A00;
	v28 =	vadd.s32 $0x3D0A00, v1  }
0x26: {  	[tilespmem:s23], [sflag:$0x1] =	stream.indirect_vreg.gather [hbm4b:s4+s1], $0x1, v27, vm0, $0xb8;
	[tilespmem:$0x8600] =	vst v63  }
0x27: {  	s24 =	simm.s32 $0xC00;
	v29 =	vadd.s32 $0x4C4C80, v2  }
0x28: {  	[tilespmem:s24], [sflag:$0x1] =	stream.indirect_vreg.gather [hbm4b:s3+s1], $0x1, v3, vm0, $0xb8;
	[tilespmem:$0x8600] =	vst v63  }
0x29: {  	s25 =	simm.s32 $0x4C00;
	v3 =	vadd.s32 $0x4C4C80, v1  }
0x2a: {  	[tilespmem:s25], [sflag:$0x1] =	stream.indirect_vreg.gather [hbm4b:s4+s1], $0x1, v28, vm0, $0xb8;
	[tilespmem:$0x8600] =	vst v63  }
0x2b: {  	s26 =	simm.s32 $0xE00;
	v30 =	vadd.s32 $0x5B8F00, v2  }
0x2c: {  	[tilespmem:s26], [sflag:$0x1] =	stream.indirect_vreg.gather [hbm4b:s3+s1], $0x1, v29, vm0, $0xb8;
	[tilespmem:$0x8600] =	vst v63  }
0x2d: {  	s28 =	simm.s32 $0x4E00;
	v31 =	vadd.s32 $0x5B8F00, v1  }
0x2e: {  	[tilespmem:s28], [sflag:$0x1] =	stream.indirect_vreg.gather [hbm4b:s4+s1], $0x1, v3, vm0, $0xb8;
	[tilespmem:$0x8600] =	vst v63  }
0x2f: {  	s29 =	simm.s32 $0x1000;
	v3 =	vadd.s32 $0x6AD180, v2  }
0x30: {  	[tilespmem:s29], [sflag:$0x1] =	stream.indirect_vreg.gather [hbm4b:s3+s1], $0x1, v30, vm0, $0xb8;
	[tilespmem:$0x8600] =	vst v63  }
0x31: {  	s30 =	simm.s32 $0x5000;
	v32 =	vadd.s32 $0x6AD180, v1  }
0x32: {  	[tilespmem:s30], [sflag:$0x1] =	stream.indirect_vreg.gather [hbm4b:s4+s1], $0x1, v31, vm0, $0xb8;
	[tilespmem:$0x8600] =	vst v63  }
0x33: {  	s31 =	simm.s32 $0x1200;
	v33 =	vadd.s32 $0x7A1400, v2  }
0x34: {  	[tilespmem:s31], [sflag:$0x1] =	stream.indirect_vreg.gather [hbm4b:s3+s1], $0x1, v3, vm0, $0xb8;
	[tilespmem:$0x8600] =	vst v63  }
0x35: {  	s15 =	simm.s32 $0x5200;
	v3 =	vadd.s32 $0x7A1400, v1  }
0x36: {  	[tilespmem:s15], [sflag:$0x1] =	stream.indirect_vreg.gather [hbm4b:s4+s1], $0x1, v32, vm0, $0xb8;
	[tilespmem:$0x8600] =	vst v63  }
0x37: {  	v34 =	vadd.s32 $0x895680, v2;
	s16 =	simm.s32 $0x1400  }
0x38: {  	[tilespmem:s16], [sflag:$0x1] =	stream.indirect_vreg.gather [hbm4b:s3+s1], $0x1, v33, vm0, $0xb8;
	[tilespmem:$0x8600] =	vst v63  }
0x39: {  	v35 =	vadd.s32 $0x895680, v1;
	s17 =	simm.s32 $0x5400  }
0x3a: {  	[tilespmem:s17], [sflag:$0x1] =	stream.indirect_vreg.gather [hbm4b:s4+s1], $0x1, v3, vm0, $0xb8;
	[tilespmem:$0x8600] =	vst v63  }
0x3b: {  	s18 =	simm.s32 $0x1600;
	v3 =	vadd.s32 $0x989900, v2  }
0x3c: {  	[tilespmem:s18], [sflag:$0x1] =	stream.indirect_vreg.gather [hbm4b:s3+s1], $0x1, v34, vm0, $0xb8;
	[tilespmem:$0x8600] =	vst v63  }
0x3d: {  	v36 =	vadd.s32 $0x989900, v1;
	s19 =	simm.s32 $0x5600  }
0x3e: {  	[tilespmem:s19], [sflag:$0x1] =	stream.indirect_vreg.gather [hbm4b:s4+s1], $0x1, v35, vm0, $0xb8;
	[tilespmem:$0x8600] =	vst v63  }
0x3f: {  	v37 =	vadd.s32 $0xA7DB80, v2;
	s20 =	simm.s32 $0x1800  }
0x40: {  	[tilespmem:s20], [sflag:$0x1] =	stream.indirect_vreg.gather [hbm4b:s3+s1], $0x1, v3, vm0, $0xb8;
	[tilespmem:$0x8600] =	vst v63  }
0x41: {  	s21 =	simm.s32 $0x5800;
	v3 =	vadd.s32 $0xA7DB80, v1  }
0x42: {  	[tilespmem:s21], [sflag:$0x1] =	stream.indirect_vreg.gather [hbm4b:s4+s1], $0x1, v36, vm0, $0xb8;
	[tilespmem:$0x8600] =	vst v63  }
0x43: {  	v38 =	vadd.s32 $0xB71E00, v2;
	s22 =	simm.s32 $0x1A00  }
0x44: {  	[tilespmem:s22], [sflag:$0x1] =	stream.indirect_vreg.gather [hbm4b:s3+s1], $0x1, v37, vm0, $0xb8;
	[tilespmem:$0x8600] =	vst v63  }
0x45: {  	v39 =	vadd.s32 $0xB71E00, v1;
	s23 =	simm.s32 $0x5A00  }
0x46: {  	[tilespmem:s23], [sflag:$0x1] =	stream.indirect_vreg.gather [hbm4b:s4+s1], $0x1, v3, vm0, $0xb8;
	[tilespmem:$0x8600] =	vst v63  }
0x47: {  	s24 =	simm.s32 $0x1C00;
	v3 =	vadd.s32 $0xC66080, v2  }
0x48: {  	[tilespmem:s24], [sflag:$0x1] =	stream.indirect_vreg.gather [hbm4b:s3+s1], $0x1, v38, vm0, $0xb8;
	[tilespmem:$0x8600] =	vst v63  }
0x49: {  	v40 =	vadd.s32 $0xC66080, v1;
	s25 =	simm.s32 $0x5C00  }
0x4a: {  	[tilespmem:s25], [sflag:$0x1] =	stream.indirect_vreg.gather [hbm4b:s4+s1], $0x1, v39, vm0, $0xb8;
	[tilespmem:$0x8600] =	vst v63  }
0x4b: {  	v41 =	vadd.s32 $0xD5A300, v2;
	s26 =	simm.s32 $0x1E00  }
0x4c: {  	[tilespmem:s26], [sflag:$0x1] =	stream.indirect_vreg.gather [hbm4b:s3+s1], $0x1, v3, vm0, $0xb8;
	[tilespmem:$0x8600] =	vst v63  }
0x4d: {  	s28 =	simm.s32 $0x5E00;
	v3 =	vadd.s32 $0xD5A300, v1  }
0x4e: {  	[tilespmem:s28], [sflag:$0x1] =	stream.indirect_vreg.gather [hbm4b:s4+s1], $0x1, v40, vm0, $0xb8;
	[tilespmem:$0x8600] =	vst v63  }
0x4f: {  	v42 =	vadd.s32 $0xE4E580, v2;
	s29 =	simm.s32 $0x2000  }
0x50: {  	[tilespmem:s29], [sflag:$0x1] =	stream.indirect_vreg.gather [hbm4b:s3+s1], $0x1, v41, vm0, $0xb8;
	[tilespmem:$0x8600] =	vst v63  }
0x51: {  	v43 =	vadd.s32 $0xE4E580, v1;
	s30 =	simm.s32 $0x6000  }
0x52: {  	[tilespmem:s30], [sflag:$0x1] =	stream.indirect_vreg.gather [hbm4b:s4+s1], $0x1, v3, vm0, $0xb8;
	[tilespmem:$0x8600] =	vst v63  }
0x53: {  	s31 =	simm.s32 $0x2200;
	v3 =	vadd.s32 $0xF42800, v2  }
0x54: {  	[tilespmem:s31], [sflag:$0x1] =	stream.indirect_vreg.gather [hbm4b:s3+s1], $0x1, v42, vm0, $0xb8;
	[tilespmem:$0x8600] =	vst v63  }
0x55: {  	v44 =	vadd.s32 $0xF42800, v1;
	s15 =	simm.s32 $0x6200  }
0x56: {  	[tilespmem:s15], [sflag:$0x1] =	stream.indirect_vreg.gather [hbm4b:s4+s1], $0x1, v43, vm0, $0xb8;
	[tilespmem:$0x8600] =	vst v63  }
0x57: {  	v45 =	vadd.s32 $0x1036A80, v2;
	s16 =	simm.s32 $0x2400  }
0x58: {  	[tilespmem:s16], [sflag:$0x1] =	stream.indirect_vreg.gather [hbm4b:s3+s1], $0x1, v3, vm0, $0xb8;
	[tilespmem:$0x8600] =	vst v63  }
0x59: {  	s17 =	simm.s32 $0x6400;
	v3 =	vadd.s32 $0x1036A80, v1  }
0x5a: {  	[tilespmem:s17], [sflag:$0x1] =	stream.indirect_vreg.gather [hbm4b:s4+s1], $0x1, v44, vm0, $0xb8;
	[tilespmem:$0x8600] =	vst v63  }
0x5b: {  	v46 =	vadd.s32 $0x112AD00, v2;
	s18 =	simm.s32 $0x2600  }
0x5c: {  	[tilespmem:s18], [sflag:$0x1] =	stream.indirect_vreg.gather [hbm4b:s3+s1], $0x1, v45, vm0, $0xb8;
	[tilespmem:$0x8600] =	vst v63  }
0x5d: {  	v47 =	vadd.s32 $0x112AD00, v1;
	s19 =	simm.s32 $0x6600  }
0x5e: {  	[tilespmem:s19], [sflag:$0x1] =	stream.indirect_vreg.gather [hbm4b:s4+s1], $0x1, v3, vm0, $0xb8;
	[tilespmem:$0x8600] =	vst v63  }
0x5f: {  	s20 =	simm.s32 $0x2800;
	v3 =	vadd.s32 $0x121EF80, v2  }
0x60: {  	[tilespmem:s20], [sflag:$0x1] =	stream.indirect_vreg.gather [hbm4b:s3+s1], $0x1, v46, vm0, $0xb8;
	[tilespmem:$0x8600] =	vst v63  }
0x61: {  	v48 =	vadd.s32 $0x121EF80, v1;
	s21 =	simm.s32 $0x6800  }
0x62: {  	[tilespmem:s21], [sflag:$0x1] =	stream.indirect_vreg.gather [hbm4b:s4+s1], $0x1, v47, vm0, $0xb8;
	[tilespmem:$0x8600] =	vst v63  }
0x63: {  	v49 =	vadd.s32 $0x1313200, v2;
	s22 =	simm.s32 $0x2A00  }
0x64: {  	[tilespmem:s22], [sflag:$0x1] =	stream.indirect_vreg.gather [hbm4b:s3+s1], $0x1, v3, vm0, $0xb8;
	[tilespmem:$0x8600] =	vst v63  }
0x65: {  	s23 =	simm.s32 $0x6A00;
	v3 =	vadd.s32 $0x1313200, v1  }
0x66: {  	[tilespmem:s23], [sflag:$0x1] =	stream.indirect_vreg.gather [hbm4b:s4+s1], $0x1, v48, vm0, $0xb8;
	[tilespmem:$0x8600] =	vst v63  }
0x67: {  	v50 =	vadd.s32 $0x1407480, v2;
	s24 =	simm.s32 $0x2C00  }
0x68: {  	[tilespmem:s24], [sflag:$0x1] =	stream.indirect_vreg.gather [hbm4b:s3+s1], $0x1, v49, vm0, $0xb8;
	[tilespmem:$0x8600] =	vst v63  }
0x69: {  	v51 =	vadd.s32 $0x1407480, v1;
	s25 =	simm.s32 $0x6C00  }
0x6a: {  	[tilespmem:s25], [sflag:$0x1] =	stream.indirect_vreg.gather [hbm4b:s4+s1], $0x1, v3, vm0, $0xb8;
	[tilespmem:$0x8600] =	vst v63  }
0x6b: {  	s26 =	simm.s32 $0x2E00;
	v3 =	vadd.s32 $0x14FB700, v2  }
0x6c: {  	[tilespmem:s26], [sflag:$0x1] =	stream.indirect_vreg.gather [hbm4b:s3+s1], $0x1, v50, vm0, $0xb8;
	[tilespmem:$0x8600] =	vst v63  }
0x6d: {  	v52 =	vadd.s32 $0x14FB700, v1;
	s28 =	simm.s32 $0x6E00  }
0x6e: {  	[tilespmem:s28], [sflag:$0x1] =	stream.indirect_vreg.gather [hbm4b:s4+s1], $0x1, v51, vm0, $0xb8;
	[tilespmem:$0x8600] =	vst v63  }
0x6f: {  	v53 =	vadd.s32 $0x15EF980, v2;
	s29 =	simm.s32 $0x3000  }
0x70: {  	[tilespmem:s29], [sflag:$0x1] =	stream.indirect_vreg.gather [hbm4b:s3+s1], $0x1, v3, vm0, $0xb8;
	[tilespmem:$0x8600] =	vst v63  }
0x71: {  	s30 =	simm.s32 $0x7000;
	v3 =	vadd.s32 $0x15EF980, v1  }
0x72: {  	[tilespmem:s30], [sflag:$0x1] =	stream.indirect_vreg.gather [hbm4b:s4+s1], $0x1, v52, vm0, $0xb8;
	[tilespmem:$0x8600] =	vst v63  }
0x73: {  	v54 =	vadd.s32 $0x16E3C00, v2;
	s31 =	simm.s32 $0x3200  }
0x74: {  	[tilespmem:s31], [sflag:$0x1] =	stream.indirect_vreg.gather [hbm4b:s3+s1], $0x1, v53, vm0, $0xb8;
	[tilespmem:$0x8600] =	vst v63  }
0x75: {  	v55 =	vadd.s32 $0x16E3C00, v1;
	s15 =	simm.s32 $0x7200  }
0x76: {  	[tilespmem:s15], [sflag:$0x1] =	stream.indirect_vreg.gather [hbm4b:s4+s1], $0x1, v3, vm0, $0xb8;
	[tilespmem:$0x8600] =	vst v63  }
0x77: {  	s16 =	simm.s32 $0x3400;
	v3 =	vadd.s32 $0x17D7E80, v2  }
0x78: {  	[tilespmem:s16], [sflag:$0x1] =	stream.indirect_vreg.gather [hbm4b:s3+s1], $0x1, v54, vm0, $0xb8;
	[tilespmem:$0x8600] =	vst v63  }
0x79: {  	v56 =	vadd.s32 $0x17D7E80, v1;
	s17 =	simm.s32 $0x7400  }
0x7a: {  	[tilespmem:s17], [sflag:$0x1] =	stream.indirect_vreg.gather [hbm4b:s4+s1], $0x1, v55, vm0, $0xb8;
	[tilespmem:$0x8600] =	vst v63  }
0x7b: {  	v57 =	vadd.s32 $0x18CC100, v2;
	s18 =	simm.s32 $0x3600  }
0x7c: {  	[tilespmem:s18], [sflag:$0x1] =	stream.indirect_vreg.gather [hbm4b:s3+s1], $0x1, v3, vm0, $0xb8;
	[tilespmem:$0x8600] =	vst v63  }
0x7d: {  	s19 =	simm.s32 $0x7600;
	v3 =	vadd.s32 $0x18CC100, v1  }
0x7e: {  	[tilespmem:s19], [sflag:$0x1] =	stream.indirect_vreg.gather [hbm4b:s4+s1], $0x1, v56, vm0, $0xb8;
	[tilespmem:$0x8600] =	vst v63  }
0x7f: {  	v58 =	vadd.s32 $0x19C0380, v2;
	s20 =	simm.s32 $0x3800  }
0x80: {  	[tilespmem:s20], [sflag:$0x1] =	stream.indirect_vreg.gather [hbm4b:s3+s1], $0x1, v57, vm0, $0xb8;
	[tilespmem:$0x8600] =	vst v63  }
0x81: {  	v59 =	vadd.s32 $0x19C0380, v1;
	s21 =	simm.s32 $0x7800  }
0x82: {  	[tilespmem:s21], [sflag:$0x1] =	stream.indirect_vreg.gather [hbm4b:s4+s1], $0x1, v3, vm0, $0xb8;
	[tilespmem:$0x8600] =	vst v63  }
0x83: {  	s22 =	simm.s32 $0x3A00;
	v3 =	vadd.s32 $0x1AB4600, v2  }
0x84: {  	[tilespmem:s22], [sflag:$0x1] =	stream.indirect_vreg.gather [hbm4b:s3+s1], $0x1, v58, vm0, $0xb8;
	[tilespmem:$0x8600] =	vst v63  }
0x85: {  	v60 =	vadd.s32 $0x1AB4600, v1;
	s23 =	simm.s32 $0x7A00  }
0x86: {  	[tilespmem:s23], [sflag:$0x1] =	stream.indirect_vreg.gather [hbm4b:s4+s1], $0x1, v59, vm0, $0xb8;
	[tilespmem:$0x8600] =	vst v63  }
0x87: {  	v61 =	vadd.s32 $0x1BA8880, v2;
	s24 =	simm.s32 $0x3C00  }
0x88: {  	[tilespmem:s24], [sflag:$0x1] =	stream.indirect_vreg.gather [hbm4b:s3+s1], $0x1, v3, vm0, $0xb8;
	[tilespmem:$0x8600] =	vst v63  }
0x89: {  	s25 =	simm.s32 $0x7C00;
	v3 =	vadd.s32 $0x1BA8880, v1  }
0x8a: {  	[tilespmem:s25], [sflag:$0x1] =	stream.indirect_vreg.gather [hbm4b:s4+s1], $0x1, v60, vm0, $0xb8;
	[tilespmem:$0x8600] =	vst v63  }
0x8b: {  	v62 =	vadd.s32 $0x1C9CB00, v2;
	s26 =	simm.s32 $0x3E00  }
0x8c: {  	[tilespmem:s26], [sflag:$0x1] =	stream.indirect_vreg.gather [hbm4b:s3+s1], $0x1, v61, vm0, $0xb8;
	[tilespmem:$0x8600] =	vst v63  }
0x8d: {  	v63 =	vadd.s32 $0x1C9CB00, v1;
	s28 =	simm.s32 $0x7E00  }
0x8e: {  	[tilespmem:s28], [sflag:$0x1] =	stream.indirect_vreg.gather [hbm4b:s4+s1], $0x1, v3, vm0, $0xb8;
	[tilespmem:$0x8600] =	vst v63  }
0x8f: {  	s29 =	simm.s32 $0x4000;
	v2 =	vadd.s32 $0x1D90D80, v2  }
0x90: {  	v1 =	vadd.s32 $0x1D90D80, v1;
	[tilespmem:s29], [sflag:$0x1] =	stream.indirect_vreg.gather [hbm4b:s3+s1], $0x1, v62, vm0, $0xb8;
	[tilespmem:$0x8600] =	vst v63  }
0x91: {  	s14 =	simm.s32 $0x10;
	s30 =	simm.s32 $0x8000  }
0x92: {  	[tilespmem:s30], [sflag:$0x1] =	stream.indirect_vreg.gather [hbm4b:s4+s1], $0x1, v63, vm0, $0xb8;
	[tilespmem:$0x8600] =	vst v63  }
0x93: {  	s31 =	simm.s32 $0x4200;
	s15 =	simm.s32 $0x80;
	s17 =	simm.s32 $0x8200  }
0x94: {  	[tilespmem:s31], [sflag:$0x1] =	stream.indirect_vreg.gather [hbm4b:s3+s1], $0x1, v2, vm0, $0xb8;
	[tilespmem:$0x8600] =	vst v63  }
.LBB2_2:
0x95: {  	[tilespmem:s17], [sflag:$0x1] =	stream.indirect_vreg.gather [hbm4b:s4+s1], $0x1, v1, vm0, $0xb8;
	[tilespmem:$0x8600] =	vst v63  }
0x96: {  	s16 =	sshra.s32 s15, $0x2;
	p0 =	sne.s32 s15, $0x7C0;
	s15 =	sadd.s32 $0x40, s15;
	v2 =	vld [tilespmem:s14+$0x0]  }
0x97: {  	_ = 	snop  }
0x98: {  	v1 =	vld [tilespmem:s14+$0x200];
	_ =	sdelay $0x4  }
0x99: {  	s17 =	sadd.s32 $0x400, s14;
	v3 =	vadd.s32 $0xF4280, v2  }
0x9a: {  	[tilespmem:s17], [sflag:$0x1] =	stream.indirect_vreg.gather [hbm4b:s3+s1], $0x1, v2, vm0, $0xb8;
	[tilespmem:$0x8600] =	vst v63  }
0x9b: {  	v4 =	vadd.s32 $0xF4280, v1;
	s17 =	sadd.s32 $0x4400, s14  }
0x9c: {  	[tilespmem:s17], [sflag:$0x1] =	stream.indirect_vreg.gather [hbm4b:s4+s1], $0x1, v1, vm0, $0xb8;
	[tilespmem:$0x8600] =	vst v63  }
0x9d: {  	v5 =	vadd.s32 $0x1E8500, v2;
	s17 =	sadd.s32 $0x600, s14  }
0x9e: {  	[tilespmem:s17], [sflag:$0x1] =	stream.indirect_vreg.gather [hbm4b:s3+s1], $0x1, v3, vm0, $0xb8;
	[tilespmem:$0x8600] =	vst v63  }
0x9f: {  	s17 =	sadd.s32 $0x4600, s14;
	v3 =	vadd.s32 $0x1E8500, v1  }
0xa0: {  	[tilespmem:s17], [sflag:$0x1] =	stream.indirect_vreg.gather [hbm4b:s4+s1], $0x1, v4, vm0, $0xb8;
	[tilespmem:$0x8600] =	vst v63  }
0xa1: {  	s17 =	sadd.s32 $0x800, s14;
	v4 =	vadd.s32 $0x2DC780, v2  }
0xa2: {  	[tilespmem:s17], [sflag:$0x1] =	stream.indirect_vreg.gather [hbm4b:s3+s1], $0x1, v5, vm0, $0xb8;
	[tilespmem:$0x8600] =	vst v63  }
0xa3: {  	s17 =	sadd.s32 $0x4800, s14;
	v5 =	vadd.s32 $0x2DC780, v1  }
0xa4: {  	[tilespmem:s17], [sflag:$0x1] =	stream.indirect_vreg.gather [hbm4b:s4+s1], $0x1, v3, vm0, $0xb8;
	[tilespmem:$0x8600] =	vst v63  }
0xa5: {  	s17 =	sadd.s32 $0xA00, s14;
	v3 =	vadd.s32 $0x3D0A00, v2  }
0xa6: {  	[tilespmem:s17], [sflag:$0x1] =	stream.indirect_vreg.gather [hbm4b:s3+s1], $0x1, v4, vm0, $0xb8;
	[tilespmem:$0x8600] =	vst v63  }
0xa7: {  	s17 =	sadd.s32 $0x4A00, s14;
	v4 =	vadd.s32 $0x3D0A00, v1  }
0xa8: {  	[tilespmem:s17], [sflag:$0x1] =	stream.indirect_vreg.gather [hbm4b:s4+s1], $0x1, v5, vm0, $0xb8;
	[tilespmem:$0x8600] =	vst v63  }
0xa9: {  	s17 =	sadd.s32 $0xC00, s14;
	v5 =	vadd.s32 $0x4C4C80, v2  }
0xaa: {  	[tilespmem:s17], [sflag:$0x1] =	stream.indirect_vreg.gather [hbm4b:s3+s1], $0x1, v3, vm0, $0xb8;
	[tilespmem:$0x8600] =	vst v63  }
0xab: {  	s17 =	sadd.s32 $0x4C00, s14;
	v3 =	vadd.s32 $0x4C4C80, v1  }
0xac: {  	[tilespmem:s17], [sflag:$0x1] =	stream.indirect_vreg.gather [hbm4b:s4+s1], $0x1, v4, vm0, $0xb8;
	[tilespmem:$0x8600] =	vst v63  }
0xad: {  	s17 =	sadd.s32 $0xE00, s14;
	v4 =	vadd.s32 $0x5B8F00, v2  }
0xae: {  	[tilespmem:s17], [sflag:$0x1] =	stream.indirect_vreg.gather [hbm4b:s3+s1], $0x1, v5, vm0, $0xb8;
	[tilespmem:$0x8600] =	vst v63  }
0xaf: {  	s17 =	sadd.s32 $0x4E00, s14;
	v5 =	vadd.s32 $0x5B8F00, v1  }
0xb0: {  	[tilespmem:s17], [sflag:$0x1] =	stream.indirect_vreg.gather [hbm4b:s4+s1], $0x1, v3, vm0, $0xb8;
	[tilespmem:$0x8600] =	vst v63  }
0xb1: {  	s17 =	sadd.s32 $0x1000, s14;
	v3 =	vadd.s32 $0x6AD180, v2  }
0xb2: {  	[tilespmem:s17], [sflag:$0x1] =	stream.indirect_vreg.gather [hbm4b:s3+s1], $0x1, v4, vm0, $0xb8;
	[tilespmem:$0x8600] =	vst v63  }
0xb3: {  	s17 =	sadd.s32 $0x5000, s14;
	v4 =	vadd.s32 $0x6AD180, v1  }
0xb4: {  	[tilespmem:s17], [sflag:$0x1] =	stream.indirect_vreg.gather [hbm4b:s4+s1], $0x1, v5, vm0, $0xb8;
	[tilespmem:$0x8600] =	vst v63  }
0xb5: {  	s17 =	sadd.s32 $0x1200, s14;
	v5 =	vadd.s32 $0x7A1400, v2  }
0xb6: {  	[tilespmem:s17], [sflag:$0x1] =	stream.indirect_vreg.gather [hbm4b:s3+s1], $0x1, v3, vm0, $0xb8;
	[tilespmem:$0x8600] =	vst v63  }
0xb7: {  	s17 =	sadd.s32 $0x5200, s14;
	v3 =	vadd.s32 $0x7A1400, v1  }
0xb8: {  	[tilespmem:s17], [sflag:$0x1] =	stream.indirect_vreg.gather [hbm4b:s4+s1], $0x1, v4, vm0, $0xb8;
	[tilespmem:$0x8600] =	vst v63  }
0xb9: {  	s17 =	sadd.s32 $0x1400, s14;
	v4 =	vadd.s32 $0x895680, v2  }
0xba: {  	[tilespmem:s17], [sflag:$0x1] =	stream.indirect_vreg.gather [hbm4b:s3+s1], $0x1, v5, vm0, $0xb8;
	[tilespmem:$0x8600] =	vst v63  }
0xbb: {  	s17 =	sadd.s32 $0x5400, s14;
	v5 =	vadd.s32 $0x895680, v1  }
0xbc: {  	[tilespmem:s17], [sflag:$0x1] =	stream.indirect_vreg.gather [hbm4b:s4+s1], $0x1, v3, vm0, $0xb8;
	[tilespmem:$0x8600] =	vst v63  }
0xbd: {  	s17 =	sadd.s32 $0x1600, s14;
	v3 =	vadd.s32 $0x989900, v2  }
0xbe: {  	[tilespmem:s17], [sflag:$0x1] =	stream.indirect_vreg.gather [hbm4b:s3+s1], $0x1, v4, vm0, $0xb8;
	[tilespmem:$0x8600] =	vst v63  }
0xbf: {  	s17 =	sadd.s32 $0x5600, s14;
	v4 =	vadd.s32 $0x989900, v1  }
0xc0: {  	[tilespmem:s17], [sflag:$0x1] =	stream.indirect_vreg.gather [hbm4b:s4+s1], $0x1, v5, vm0, $0xb8;
	[tilespmem:$0x8600] =	vst v63  }
0xc1: {  	s17 =	sadd.s32 $0x1800, s14;
	v5 =	vadd.s32 $0xA7DB80, v2  }
0xc2: {  	[tilespmem:s17], [sflag:$0x1] =	stream.indirect_vreg.gather [hbm4b:s3+s1], $0x1, v3, vm0, $0xb8;
	[tilespmem:$0x8600] =	vst v63  }
0xc3: {  	s17 =	sadd.s32 $0x5800, s14;
	v3 =	vadd.s32 $0xA7DB80, v1  }
0xc4: {  	[tilespmem:s17], [sflag:$0x1] =	stream.indirect_vreg.gather [hbm4b:s4+s1], $0x1, v4, vm0, $0xb8;
	[tilespmem:$0x8600] =	vst v63  }
0xc5: {  	s17 =	sadd.s32 $0x1A00, s14;
	v4 =	vadd.s32 $0xB71E00, v2  }
0xc6: {  	[tilespmem:s17], [sflag:$0x1] =	stream.indirect_vreg.gather [hbm4b:s3+s1], $0x1, v5, vm0, $0xb8;
	[tilespmem:$0x8600] =	vst v63  }
0xc7: {  	s17 =	sadd.s32 $0x5A00, s14;
	v5 =	vadd.s32 $0xB71E00, v1  }
0xc8: {  	[tilespmem:s17], [sflag:$0x1] =	stream.indirect_vreg.gather [hbm4b:s4+s1], $0x1, v3, vm0, $0xb8;
	[tilespmem:$0x8600] =	vst v63  }
0xc9: {  	s17 =	sadd.s32 $0x1C00, s14;
	v3 =	vadd.s32 $0xC66080, v2  }
0xca: {  	[tilespmem:s17], [sflag:$0x1] =	stream.indirect_vreg.gather [hbm4b:s3+s1], $0x1, v4, vm0, $0xb8;
	[tilespmem:$0x8600] =	vst v63  }
0xcb: {  	s17 =	sadd.s32 $0x5C00, s14;
	v4 =	vadd.s32 $0xC66080, v1  }
0xcc: {  	[tilespmem:s17], [sflag:$0x1] =	stream.indirect_vreg.gather [hbm4b:s4+s1], $0x1, v5, vm0, $0xb8;
	[tilespmem:$0x8600] =	vst v63  }
0xcd: {  	s17 =	sadd.s32 $0x1E00, s14;
	v5 =	vadd.s32 $0xD5A300, v2  }
0xce: {  	[tilespmem:s17], [sflag:$0x1] =	stream.indirect_vreg.gather [hbm4b:s3+s1], $0x1, v3, vm0, $0xb8;
	[tilespmem:$0x8600] =	vst v63  }
0xcf: {  	s17 =	sadd.s32 $0x5E00, s14;
	v3 =	vadd.s32 $0xD5A300, v1  }
0xd0: {  	[tilespmem:s17], [sflag:$0x1] =	stream.indirect_vreg.gather [hbm4b:s4+s1], $0x1, v4, vm0, $0xb8;
	[tilespmem:$0x8600] =	vst v63  }
0xd1: {  	s17 =	sadd.s32 $0x2000, s14;
	v4 =	vadd.s32 $0xE4E580, v2  }
0xd2: {  	[tilespmem:s17], [sflag:$0x1] =	stream.indirect_vreg.gather [hbm4b:s3+s1], $0x1, v5, vm0, $0xb8;
	[tilespmem:$0x8600] =	vst v63  }
0xd3: {  	s17 =	sadd.s32 $0x6000, s14;
	v5 =	vadd.s32 $0xE4E580, v1  }
0xd4: {  	[tilespmem:s17], [sflag:$0x1] =	stream.indirect_vreg.gather [hbm4b:s4+s1], $0x1, v3, vm0, $0xb8;
	[tilespmem:$0x8600] =	vst v63  }
0xd5: {  	s17 =	sadd.s32 $0x2200, s14;
	v3 =	vadd.s32 $0xF42800, v2  }
0xd6: {  	[tilespmem:s17], [sflag:$0x1] =	stream.indirect_vreg.gather [hbm4b:s3+s1], $0x1, v4, vm0, $0xb8;
	[tilespmem:$0x8600] =	vst v63  }
0xd7: {  	s17 =	sadd.s32 $0x6200, s14;
	v4 =	vadd.s32 $0xF42800, v1  }
0xd8: {  	[tilespmem:s17], [sflag:$0x1] =	stream.indirect_vreg.gather [hbm4b:s4+s1], $0x1, v5, vm0, $0xb8;
	[tilespmem:$0x8600] =	vst v63  }
0xd9: {  	s17 =	sadd.s32 $0x2400, s14;
	v5 =	vadd.s32 $0x1036A80, v2  }
0xda: {  	[tilespmem:s17], [sflag:$0x1] =	stream.indirect_vreg.gather [hbm4b:s3+s1], $0x1, v3, vm0, $0xb8;
	[tilespmem:$0x8600] =	vst v63  }
0xdb: {  	s17 =	sadd.s32 $0x6400, s14;
	v3 =	vadd.s32 $0x1036A80, v1  }
0xdc: {  	[tilespmem:s17], [sflag:$0x1] =	stream.indirect_vreg.gather [hbm4b:s4+s1], $0x1, v4, vm0, $0xb8;
	[tilespmem:$0x8600] =	vst v63  }
0xdd: {  	s17 =	sadd.s32 $0x2600, s14;
	v4 =	vadd.s32 $0x112AD00, v2  }
0xde: {  	[tilespmem:s17], [sflag:$0x1] =	stream.indirect_vreg.gather [hbm4b:s3+s1], $0x1, v5, vm0, $0xb8;
	[tilespmem:$0x8600] =	vst v63  }
0xdf: {  	s17 =	sadd.s32 $0x6600, s14;
	v5 =	vadd.s32 $0x112AD00, v1  }
0xe0: {  	[tilespmem:s17], [sflag:$0x1] =	stream.indirect_vreg.gather [hbm4b:s4+s1], $0x1, v3, vm0, $0xb8;
	[tilespmem:$0x8600] =	vst v63  }
0xe1: {  	s17 =	sadd.s32 $0x2800, s14;
	v3 =	vadd.s32 $0x121EF80, v2  }
0xe2: {  	[tilespmem:s17], [sflag:$0x1] =	stream.indirect_vreg.gather [hbm4b:s3+s1], $0x1, v4, vm0, $0xb8;
	[tilespmem:$0x8600] =	vst v63  }
0xe3: {  	s17 =	sadd.s32 $0x6800, s14;
	v4 =	vadd.s32 $0x121EF80, v1  }
0xe4: {  	[tilespmem:s17], [sflag:$0x1] =	stream.indirect_vreg.gather [hbm4b:s4+s1], $0x1, v5, vm0, $0xb8;
	[tilespmem:$0x8600] =	vst v63  }
0xe5: {  	s17 =	sadd.s32 $0x2A00, s14;
	v5 =	vadd.s32 $0x1313200, v2  }
0xe6: {  	[tilespmem:s17], [sflag:$0x1] =	stream.indirect_vreg.gather [hbm4b:s3+s1], $0x1, v3, vm0, $0xb8;
	[tilespmem:$0x8600] =	vst v63  }
0xe7: {  	s17 =	sadd.s32 $0x6A00, s14;
	v3 =	vadd.s32 $0x1313200, v1  }
0xe8: {  	[tilespmem:s17], [sflag:$0x1] =	stream.indirect_vreg.gather [hbm4b:s4+s1], $0x1, v4, vm0, $0xb8;
	[tilespmem:$0x8600] =	vst v63  }
0xe9: {  	s17 =	sadd.s32 $0x2C00, s14;
	v4 =	vadd.s32 $0x1407480, v2  }
0xea: {  	[tilespmem:s17], [sflag:$0x1] =	stream.indirect_vreg.gather [hbm4b:s3+s1], $0x1, v5, vm0, $0xb8;
	[tilespmem:$0x8600] =	vst v63  }
0xeb: {  	s17 =	sadd.s32 $0x6C00, s14;
	v5 =	vadd.s32 $0x1407480, v1  }
0xec: {  	[tilespmem:s17], [sflag:$0x1] =	stream.indirect_vreg.gather [hbm4b:s4+s1], $0x1, v3, vm0, $0xb8;
	[tilespmem:$0x8600] =	vst v63  }
0xed: {  	s17 =	sadd.s32 $0x2E00, s14;
	v3 =	vadd.s32 $0x14FB700, v2  }
0xee: {  	[tilespmem:s17], [sflag:$0x1] =	stream.indirect_vreg.gather [hbm4b:s3+s1], $0x1, v4, vm0, $0xb8;
	[tilespmem:$0x8600] =	vst v63  }
0xef: {  	s17 =	sadd.s32 $0x6E00, s14;
	v4 =	vadd.s32 $0x14FB700, v1  }
0xf0: {  	[tilespmem:s17], [sflag:$0x1] =	stream.indirect_vreg.gather [hbm4b:s4+s1], $0x1, v5, vm0, $0xb8;
	[tilespmem:$0x8600] =	vst v63  }
0xf1: {  	s17 =	sadd.s32 $0x3000, s14;
	v5 =	vadd.s32 $0x15EF980, v2  }
0xf2: {  	[tilespmem:s17], [sflag:$0x1] =	stream.indirect_vreg.gather [hbm4b:s3+s1], $0x1, v3, vm0, $0xb8;
	[tilespmem:$0x8600] =	vst v63  }
0xf3: {  	s17 =	sadd.s32 $0x7000, s14;
	v3 =	vadd.s32 $0x15EF980, v1  }
0xf4: {  	[tilespmem:s17], [sflag:$0x1] =	stream.indirect_vreg.gather [hbm4b:s4+s1], $0x1, v4, vm0, $0xb8;
	[tilespmem:$0x8600] =	vst v63  }
0xf5: {  	s17 =	sadd.s32 $0x3200, s14;
	v4 =	vadd.s32 $0x16E3C00, v2  }
0xf6: {  	[tilespmem:s17], [sflag:$0x1] =	stream.indirect_vreg.gather [hbm4b:s3+s1], $0x1, v5, vm0, $0xb8;
	[tilespmem:$0x8600] =	vst v63  }
0xf7: {  	s17 =	sadd.s32 $0x7200, s14;
	v5 =	vadd.s32 $0x16E3C00, v1  }
0xf8: {  	[tilespmem:s17], [sflag:$0x1] =	stream.indirect_vreg.gather [hbm4b:s4+s1], $0x1, v3, vm0, $0xb8;
	[tilespmem:$0x8600] =	vst v63  }
0xf9: {  	s17 =	sadd.s32 $0x3400, s14;
	v3 =	vadd.s32 $0x17D7E80, v2  }
0xfa: {  	[tilespmem:s17], [sflag:$0x1] =	stream.indirect_vreg.gather [hbm4b:s3+s1], $0x1, v4, vm0, $0xb8;
	[tilespmem:$0x8600] =	vst v63  }
0xfb: {  	s17 =	sadd.s32 $0x7400, s14;
	v4 =	vadd.s32 $0x17D7E80, v1  }
0xfc: {  	[tilespmem:s17], [sflag:$0x1] =	stream.indirect_vreg.gather [hbm4b:s4+s1], $0x1, v5, vm0, $0xb8;
	[tilespmem:$0x8600] =	vst v63  }
0xfd: {  	s17 =	sadd.s32 $0x3600, s14;
	v5 =	vadd.s32 $0x18CC100, v2  }
0xfe: {  	[tilespmem:s17], [sflag:$0x1] =	stream.indirect_vreg.gather [hbm4b:s3+s1], $0x1, v3, vm0, $0xb8;
	[tilespmem:$0x8600] =	vst v63  }
0xff: {  	s17 =	sadd.s32 $0x7600, s14;
	v3 =	vadd.s32 $0x18CC100, v1  }
0x100: {  	[tilespmem:s17], [sflag:$0x1] =	stream.indirect_vreg.gather [hbm4b:s4+s1], $0x1, v4, vm0, $0xb8;
	[tilespmem:$0x8600] =	vst v63  }
0x101: {  	s17 =	sadd.s32 $0x3800, s14;
	v4 =	vadd.s32 $0x19C0380, v2  }
0x102: {  	[tilespmem:s17], [sflag:$0x1] =	stream.indirect_vreg.gather [hbm4b:s3+s1], $0x1, v5, vm0, $0xb8;
	[tilespmem:$0x8600] =	vst v63  }
0x103: {  	s17 =	sadd.s32 $0x7800, s14;
	v5 =	vadd.s32 $0x19C0380, v1  }
0x104: {  	[tilespmem:s17], [sflag:$0x1] =	stream.indirect_vreg.gather [hbm4b:s4+s1], $0x1, v3, vm0, $0xb8;
	[tilespmem:$0x8600] =	vst v63  }
0x105: {  	s17 =	sadd.s32 $0x3A00, s14;
	v3 =	vadd.s32 $0x1AB4600, v2  }
0x106: {  	[tilespmem:s17], [sflag:$0x1] =	stream.indirect_vreg.gather [hbm4b:s3+s1], $0x1, v4, vm0, $0xb8;
	[tilespmem:$0x8600] =	vst v63  }
0x107: {  	s17 =	sadd.s32 $0x7A00, s14;
	v4 =	vadd.s32 $0x1AB4600, v1  }
0x108: {  	[tilespmem:s17], [sflag:$0x1] =	stream.indirect_vreg.gather [hbm4b:s4+s1], $0x1, v5, vm0, $0xb8;
	[tilespmem:$0x8600] =	vst v63  }
0x109: {  	s17 =	sadd.s32 $0x3C00, s14;
	v5 =	vadd.s32 $0x1BA8880, v2  }
0x10a: {  	[tilespmem:s17], [sflag:$0x1] =	stream.indirect_vreg.gather [hbm4b:s3+s1], $0x1, v3, vm0, $0xb8;
	[tilespmem:$0x8600] =	vst v63  }
0x10b: {  	s17 =	sadd.s32 $0x7C00, s14;
	v3 =	vadd.s32 $0x1BA8880, v1  }
0x10c: {  	[tilespmem:s17], [sflag:$0x1] =	stream.indirect_vreg.gather [hbm4b:s4+s1], $0x1, v4, vm0, $0xb8;
	[tilespmem:$0x8600] =	vst v63  }
0x10d: {  	s17 =	sadd.s32 $0x3E00, s14;
	v4 =	vadd.s32 $0x1C9CB00, v2  }
0x10e: {  	[tilespmem:s17], [sflag:$0x1] =	stream.indirect_vreg.gather [hbm4b:s3+s1], $0x1, v5, vm0, $0xb8;
	[tilespmem:$0x8600] =	vst v63  }
0x10f: {  	s17 =	sadd.s32 $0x7E00, s14;
	v5 =	vadd.s32 $0x1C9CB00, v1  }
0x110: {  	[tilespmem:s17], [sflag:$0x1] =	stream.indirect_vreg.gather [hbm4b:s4+s1], $0x1, v3, vm0, $0xb8;
	[tilespmem:$0x8600] =	vst v63  }
0x111: {  	v2 =	vadd.s32 $0x1D90D80, v2;
	s17 =	sadd.s32 $0x4000, s14  }
0x112: {  	[tilespmem:s17], [sflag:$0x1] =	stream.indirect_vreg.gather [hbm4b:s3+s1], $0x1, v4, vm0, $0xb8;
	[tilespmem:$0x8600] =	vst v63  }
.Ltmp0:
0x113: {  	v1 =	vadd.s32 $0x1D90D80, v1;
	s17 =	sadd.s32 $0x8000, s14;
	(pc) =	sbr.rel @p0 .LBB2_2-.Ltmp0, $4  }
0x114: {  	[tilespmem:s17], [sflag:$0x1] =	stream.indirect_vreg.gather [hbm4b:s4+s1], $0x1, v5, vm0, $0xb8;
	[tilespmem:$0x8600] =	vst v63  }
0x115: {  	s17 =	sadd.s32 $0x4200, s14  }
0x116: {  	[tilespmem:s17], [sflag:$0x1] =	stream.indirect_vreg.gather [hbm4b:s3+s1], $0x1, v2, vm0, $0xb8;
	[tilespmem:$0x8600] =	vst v63  }
0x117: {  	s17 =	sadd.s32 $0x8200, s14;
	s14 =	smov.u32 s16  }
0x118: {  	_ =	sdelay $0x3  }
0x119: {  	[tilespmem:s17], [sflag:$0x1] =	stream.indirect_vreg.gather [hbm4b:s4+s1], $0x1, v1, vm0, $0xb8;
	[tilespmem:$0x8600] =	vst v63  }
0x11a: {  	v2 =	vld [tilespmem:s14+$0x0];
	_ =	sdelay $0x1  }
0x11b: {  	v1 =	vld [tilespmem:s14+$0x200];
	_ =	sdelay $0x4  }
0x11c: {  	s15 =	sadd.s32 $0x400, s14;
	v3 =	vadd.s32 $0xF4280, v2  }
0x11d: {  	[tilespmem:s15], [sflag:$0x1] =	stream.indirect_vreg.gather [hbm4b:s3+s1], $0x1, v2, vm0, $0xb8;
	[tilespmem:$0x8600] =	vst v63  }
0x11e: {  	s29 =	sadd.s32 $0x4400, s14;
	v4 =	vadd.s32 $0xF4280, v1  }
0x11f: {  	[tilespmem:s29], [sflag:$0x1] =	stream.indirect_vreg.gather [hbm4b:s4+s1], $0x1, v1, vm0, $0xb8;
	[tilespmem:$0x8600] =	vst v63  }
0x120: {  	s30 =	sadd.s32 $0x600, s14;
	v5 =	vadd.s32 $0x1E8500, v2  }
0x121: {  	[tilespmem:s30], [sflag:$0x1] =	stream.indirect_vreg.gather [hbm4b:s3+s1], $0x1, v3, vm0, $0xb8;
	[tilespmem:$0x8600] =	vst v63  }
0x122: {  	s31 =	sadd.s32 $0x4600, s14;
	v3 =	vadd.s32 $0x1E8500, v1  }
0x123: {  	[tilespmem:s31], [sflag:$0x1] =	stream.indirect_vreg.gather [hbm4b:s4+s1], $0x1, v4, vm0, $0xb8;
	[tilespmem:$0x8600] =	vst v63  }
0x124: {  	s16 =	sadd.s32 $0x800, s14;
	v26 =	vadd.s32 $0x2DC780, v2  }
0x125: {  	[tilespmem:s16], [sflag:$0x1] =	stream.indirect_vreg.gather [hbm4b:s3+s1], $0x1, v5, vm0, $0xb8;
	[tilespmem:$0x8600] =	vst v63  }
0x126: {  	s17 =	sadd.s32 $0x4800, s14;
	v27 =	vadd.s32 $0x2DC780, v1  }
0x127: {  	[tilespmem:s17], [sflag:$0x1] =	stream.indirect_vreg.gather [hbm4b:s4+s1], $0x1, v3, vm0, $0xb8;
	[tilespmem:$0x8600] =	vst v63  }
0x128: {  	s18 =	sadd.s32 $0xA00, s14;
	v3 =	vadd.s32 $0x3D0A00, v2  }
0x129: {  	[tilespmem:s18], [sflag:$0x1] =	stream.indirect_vreg.gather [hbm4b:s3+s1], $0x1, v26, vm0, $0xb8;
	[tilespmem:$0x8600] =	vst v63  }
0x12a: {  	s19 =	sadd.s32 $0x4A00, s14;
	v28 =	vadd.s32 $0x3D0A00, v1  }
0x12b: {  	[tilespmem:s19], [sflag:$0x1] =	stream.indirect_vreg.gather [hbm4b:s4+s1], $0x1, v27, vm0, $0xb8;
	[tilespmem:$0x8600] =	vst v63  }
0x12c: {  	s20 =	sadd.s32 $0xC00, s14;
	v29 =	vadd.s32 $0x4C4C80, v2  }
0x12d: {  	[tilespmem:s20], [sflag:$0x1] =	stream.indirect_vreg.gather [hbm4b:s3+s1], $0x1, v3, vm0, $0xb8;
	[tilespmem:$0x8600] =	vst v63  }
0x12e: {  	s21 =	sadd.s32 $0x4C00, s14;
	v3 =	vadd.s32 $0x4C4C80, v1  }
0x12f: {  	[tilespmem:s21], [sflag:$0x1] =	stream.indirect_vreg.gather [hbm4b:s4+s1], $0x1, v28, vm0, $0xb8;
	[tilespmem:$0x8600] =	vst v63  }
0x130: {  	s22 =	sadd.s32 $0xE00, s14;
	v30 =	vadd.s32 $0x5B8F00, v2  }
0x131: {  	[tilespmem:s22], [sflag:$0x1] =	stream.indirect_vreg.gather [hbm4b:s3+s1], $0x1, v29, vm0, $0xb8;
	[tilespmem:$0x8600] =	vst v63  }
0x132: {  	s23 =	sadd.s32 $0x4E00, s14;
	v31 =	vadd.s32 $0x5B8F00, v1  }
0x133: {  	[tilespmem:s23], [sflag:$0x1] =	stream.indirect_vreg.gather [hbm4b:s4+s1], $0x1, v3, vm0, $0xb8;
	[tilespmem:$0x8600] =	vst v63  }
0x134: {  	s24 =	sadd.s32 $0x1000, s14;
	v3 =	vadd.s32 $0x6AD180, v2  }
0x135: {  	[tilespmem:s24], [sflag:$0x1] =	stream.indirect_vreg.gather [hbm4b:s3+s1], $0x1, v30, vm0, $0xb8;
	[tilespmem:$0x8600] =	vst v63  }
0x136: {  	s25 =	sadd.s32 $0x5000, s14;
	v32 =	vadd.s32 $0x6AD180, v1  }
0x137: {  	[tilespmem:s25], [sflag:$0x1] =	stream.indirect_vreg.gather [hbm4b:s4+s1], $0x1, v31, vm0, $0xb8;
	[tilespmem:$0x8600] =	vst v63  }
0x138: {  	s26 =	sadd.s32 $0x1200, s14;
	v33 =	vadd.s32 $0x7A1400, v2  }
0x139: {  	[tilespmem:s26], [sflag:$0x1] =	stream.indirect_vreg.gather [hbm4b:s3+s1], $0x1, v3, vm0, $0xb8;
	[tilespmem:$0x8600] =	vst v63  }
0x13a: {  	s28 =	sadd.s32 $0x5200, s14;
	v3 =	vadd.s32 $0x7A1400, v1  }
0x13b: {  	[tilespmem:s28], [sflag:$0x1] =	stream.indirect_vreg.gather [hbm4b:s4+s1], $0x1, v32, vm0, $0xb8;
	[tilespmem:$0x8600] =	vst v63  }
0x13c: {  	v34 =	vadd.s32 $0x895680, v2;
	s29 =	sadd.s32 $0x1400, s14  }
0x13d: {  	[tilespmem:s29], [sflag:$0x1] =	stream.indirect_vreg.gather [hbm4b:s3+s1], $0x1, v33, vm0, $0xb8;
	[tilespmem:$0x8600] =	vst v63  }
0x13e: {  	v35 =	vadd.s32 $0x895680, v1;
	s30 =	sadd.s32 $0x5400, s14  }
0x13f: {  	[tilespmem:s30], [sflag:$0x1] =	stream.indirect_vreg.gather [hbm4b:s4+s1], $0x1, v3, vm0, $0xb8;
	[tilespmem:$0x8600] =	vst v63  }
0x140: {  	s31 =	sadd.s32 $0x1600, s14;
	v3 =	vadd.s32 $0x989900, v2  }
0x141: {  	[tilespmem:s31], [sflag:$0x1] =	stream.indirect_vreg.gather [hbm4b:s3+s1], $0x1, v34, vm0, $0xb8;
	[tilespmem:$0x8600] =	vst v63  }
0x142: {  	v36 =	vadd.s32 $0x989900, v1;
	s16 =	sadd.s32 $0x5600, s14  }
0x143: {  	[tilespmem:s16], [sflag:$0x1] =	stream.indirect_vreg.gather [hbm4b:s4+s1], $0x1, v35, vm0, $0xb8;
	[tilespmem:$0x8600] =	vst v63  }
0x144: {  	v37 =	vadd.s32 $0xA7DB80, v2;
	s17 =	sadd.s32 $0x1800, s14  }
0x145: {  	[tilespmem:s17], [sflag:$0x1] =	stream.indirect_vreg.gather [hbm4b:s3+s1], $0x1, v3, vm0, $0xb8;
	[tilespmem:$0x8600] =	vst v63  }
0x146: {  	s18 =	sadd.s32 $0x5800, s14;
	v3 =	vadd.s32 $0xA7DB80, v1  }
0x147: {  	[tilespmem:s18], [sflag:$0x1] =	stream.indirect_vreg.gather [hbm4b:s4+s1], $0x1, v36, vm0, $0xb8;
	[tilespmem:$0x8600] =	vst v63  }
0x148: {  	v38 =	vadd.s32 $0xB71E00, v2;
	s19 =	sadd.s32 $0x1A00, s14  }
0x149: {  	[tilespmem:s19], [sflag:$0x1] =	stream.indirect_vreg.gather [hbm4b:s3+s1], $0x1, v37, vm0, $0xb8;
	[tilespmem:$0x8600] =	vst v63  }
0x14a: {  	v39 =	vadd.s32 $0xB71E00, v1;
	s20 =	sadd.s32 $0x5A00, s14  }
0x14b: {  	[tilespmem:s20], [sflag:$0x1] =	stream.indirect_vreg.gather [hbm4b:s4+s1], $0x1, v3, vm0, $0xb8;
	[tilespmem:$0x8600] =	vst v63  }
0x14c: {  	s21 =	sadd.s32 $0x1C00, s14;
	v3 =	vadd.s32 $0xC66080, v2  }
0x14d: {  	[tilespmem:s21], [sflag:$0x1] =	stream.indirect_vreg.gather [hbm4b:s3+s1], $0x1, v38, vm0, $0xb8;
	[tilespmem:$0x8600] =	vst v63  }
0x14e: {  	v40 =	vadd.s32 $0xC66080, v1;
	s22 =	sadd.s32 $0x5C00, s14  }
0x14f: {  	[tilespmem:s22], [sflag:$0x1] =	stream.indirect_vreg.gather [hbm4b:s4+s1], $0x1, v39, vm0, $0xb8;
	[tilespmem:$0x8600] =	vst v63  }
0x150: {  	v41 =	vadd.s32 $0xD5A300, v2;
	s23 =	sadd.s32 $0x1E00, s14  }
0x151: {  	[tilespmem:s23], [sflag:$0x1] =	stream.indirect_vreg.gather [hbm4b:s3+s1], $0x1, v3, vm0, $0xb8;
	[tilespmem:$0x8600] =	vst v63  }
0x152: {  	s24 =	sadd.s32 $0x5E00, s14;
	v3 =	vadd.s32 $0xD5A300, v1  }
0x153: {  	[tilespmem:s24], [sflag:$0x1] =	stream.indirect_vreg.gather [hbm4b:s4+s1], $0x1, v40, vm0, $0xb8;
	[tilespmem:$0x8600] =	vst v63  }
0x154: {  	v42 =	vadd.s32 $0xE4E580, v2;
	s25 =	sadd.s32 $0x2000, s14  }
0x155: {  	[tilespmem:s25], [sflag:$0x1] =	stream.indirect_vreg.gather [hbm4b:s3+s1], $0x1, v41, vm0, $0xb8;
	[tilespmem:$0x8600] =	vst v63  }
0x156: {  	v43 =	vadd.s32 $0xE4E580, v1;
	s26 =	sadd.s32 $0x6000, s14  }
0x157: {  	[tilespmem:s26], [sflag:$0x1] =	stream.indirect_vreg.gather [hbm4b:s4+s1], $0x1, v3, vm0, $0xb8;
	[tilespmem:$0x8600] =	vst v63  }
0x158: {  	s28 =	sadd.s32 $0x2200, s14;
	v3 =	vadd.s32 $0xF42800, v2  }
0x159: {  	[tilespmem:s28], [sflag:$0x1] =	stream.indirect_vreg.gather [hbm4b:s3+s1], $0x1, v42, vm0, $0xb8;
	[tilespmem:$0x8600] =	vst v63  }
0x15a: {  	v44 =	vadd.s32 $0xF42800, v1;
	s29 =	sadd.s32 $0x6200, s14  }
0x15b: {  	[tilespmem:s29], [sflag:$0x1] =	stream.indirect_vreg.gather [hbm4b:s4+s1], $0x1, v43, vm0, $0xb8;
	[tilespmem:$0x8600] =	vst v63  }
0x15c: {  	v45 =	vadd.s32 $0x1036A80, v2;
	s30 =	sadd.s32 $0x2400, s14  }
0x15d: {  	[tilespmem:s30], [sflag:$0x1] =	stream.indirect_vreg.gather [hbm4b:s3+s1], $0x1, v3, vm0, $0xb8;
	[tilespmem:$0x8600] =	vst v63  }
0x15e: {  	s31 =	sadd.s32 $0x6400, s14;
	v3 =	vadd.s32 $0x1036A80, v1  }
0x15f: {  	[tilespmem:s31], [sflag:$0x1] =	stream.indirect_vreg.gather [hbm4b:s4+s1], $0x1, v44, vm0, $0xb8;
	[tilespmem:$0x8600] =	vst v63  }
0x160: {  	v46 =	vadd.s32 $0x112AD00, v2;
	s16 =	sadd.s32 $0x2600, s14  }
0x161: {  	[tilespmem:s16], [sflag:$0x1] =	stream.indirect_vreg.gather [hbm4b:s3+s1], $0x1, v45, vm0, $0xb8;
	[tilespmem:$0x8600] =	vst v63  }
0x162: {  	v47 =	vadd.s32 $0x112AD00, v1;
	s17 =	sadd.s32 $0x6600, s14  }
0x163: {  	[tilespmem:s17], [sflag:$0x1] =	stream.indirect_vreg.gather [hbm4b:s4+s1], $0x1, v3, vm0, $0xb8;
	[tilespmem:$0x8600] =	vst v63  }
0x164: {  	s18 =	sadd.s32 $0x2800, s14;
	v3 =	vadd.s32 $0x121EF80, v2  }
0x165: {  	[tilespmem:s18], [sflag:$0x1] =	stream.indirect_vreg.gather [hbm4b:s3+s1], $0x1, v46, vm0, $0xb8;
	[tilespmem:$0x8600] =	vst v63  }
0x166: {  	v48 =	vadd.s32 $0x121EF80, v1;
	s19 =	sadd.s32 $0x6800, s14  }
0x167: {  	[tilespmem:s19], [sflag:$0x1] =	stream.indirect_vreg.gather [hbm4b:s4+s1], $0x1, v47, vm0, $0xb8;
	[tilespmem:$0x8600] =	vst v63  }
0x168: {  	v49 =	vadd.s32 $0x1313200, v2;
	s20 =	sadd.s32 $0x2A00, s14  }
0x169: {  	[tilespmem:s20], [sflag:$0x1] =	stream.indirect_vreg.gather [hbm4b:s3+s1], $0x1, v3, vm0, $0xb8;
	[tilespmem:$0x8600] =	vst v63  }
0x16a: {  	s21 =	sadd.s32 $0x6A00, s14;
	v3 =	vadd.s32 $0x1313200, v1  }
0x16b: {  	[tilespmem:s21], [sflag:$0x1] =	stream.indirect_vreg.gather [hbm4b:s4+s1], $0x1, v48, vm0, $0xb8;
	[tilespmem:$0x8600] =	vst v63  }
0x16c: {  	v50 =	vadd.s32 $0x1407480, v2;
	s22 =	sadd.s32 $0x2C00, s14  }
0x16d: {  	[tilespmem:s22], [sflag:$0x1] =	stream.indirect_vreg.gather [hbm4b:s3+s1], $0x1, v49, vm0, $0xb8;
	[tilespmem:$0x8600] =	vst v63  }
0x16e: {  	v51 =	vadd.s32 $0x1407480, v1;
	s23 =	sadd.s32 $0x6C00, s14  }
0x16f: {  	[tilespmem:s23], [sflag:$0x1] =	stream.indirect_vreg.gather [hbm4b:s4+s1], $0x1, v3, vm0, $0xb8;
	[tilespmem:$0x8600] =	vst v63  }
0x170: {  	s24 =	sadd.s32 $0x2E00, s14;
	v3 =	vadd.s32 $0x14FB700, v2  }
0x171: {  	[tilespmem:s24], [sflag:$0x1] =	stream.indirect_vreg.gather [hbm4b:s3+s1], $0x1, v50, vm0, $0xb8;
	[tilespmem:$0x8600] =	vst v63  }
0x172: {  	v52 =	vadd.s32 $0x14FB700, v1;
	s25 =	sadd.s32 $0x6E00, s14  }
0x173: {  	[tilespmem:s25], [sflag:$0x1] =	stream.indirect_vreg.gather [hbm4b:s4+s1], $0x1, v51, vm0, $0xb8;
	[tilespmem:$0x8600] =	vst v63  }
0x174: {  	v53 =	vadd.s32 $0x15EF980, v2;
	s26 =	sadd.s32 $0x3000, s14  }
0x175: {  	[tilespmem:s26], [sflag:$0x1] =	stream.indirect_vreg.gather [hbm4b:s3+s1], $0x1, v3, vm0, $0xb8;
	[tilespmem:$0x8600] =	vst v63  }
0x176: {  	s28 =	sadd.s32 $0x7000, s14;
	v3 =	vadd.s32 $0x15EF980, v1  }
0x177: {  	[tilespmem:s28], [sflag:$0x1] =	stream.indirect_vreg.gather [hbm4b:s4+s1], $0x1, v52, vm0, $0xb8;
	[tilespmem:$0x8600] =	vst v63  }
0x178: {  	v54 =	vadd.s32 $0x16E3C00, v2;
	s29 =	sadd.s32 $0x3200, s14  }
0x179: {  	[tilespmem:s29], [sflag:$0x1] =	stream.indirect_vreg.gather [hbm4b:s3+s1], $0x1, v53, vm0, $0xb8;
	[tilespmem:$0x8600] =	vst v63  }
0x17a: {  	v55 =	vadd.s32 $0x16E3C00, v1;
	s30 =	sadd.s32 $0x7200, s14  }
0x17b: {  	[tilespmem:s30], [sflag:$0x1] =	stream.indirect_vreg.gather [hbm4b:s4+s1], $0x1, v3, vm0, $0xb8;
	[tilespmem:$0x8600] =	vst v63  }
0x17c: {  	s31 =	sadd.s32 $0x3400, s14;
	v3 =	vadd.s32 $0x17D7E80, v2  }
0x17d: {  	[tilespmem:s31], [sflag:$0x1] =	stream.indirect_vreg.gather [hbm4b:s3+s1], $0x1, v54, vm0, $0xb8;
	[tilespmem:$0x8600] =	vst v63  }
0x17e: {  	v56 =	vadd.s32 $0x17D7E80, v1;
	s16 =	sadd.s32 $0x7400, s14  }
0x17f: {  	[tilespmem:s16], [sflag:$0x1] =	stream.indirect_vreg.gather [hbm4b:s4+s1], $0x1, v55, vm0, $0xb8;
	[tilespmem:$0x8600] =	vst v63  }
0x180: {  	v57 =	vadd.s32 $0x18CC100, v2;
	s17 =	sadd.s32 $0x3600, s14  }
0x181: {  	[tilespmem:s17], [sflag:$0x1] =	stream.indirect_vreg.gather [hbm4b:s3+s1], $0x1, v3, vm0, $0xb8;
	[tilespmem:$0x8600] =	vst v63  }
0x182: {  	s18 =	sadd.s32 $0x7600, s14;
	v3 =	vadd.s32 $0x18CC100, v1  }
0x183: {  	[tilespmem:s18], [sflag:$0x1] =	stream.indirect_vreg.gather [hbm4b:s4+s1], $0x1, v56, vm0, $0xb8;
	[tilespmem:$0x8600] =	vst v63  }
0x184: {  	v58 =	vadd.s32 $0x19C0380, v2;
	s19 =	sadd.s32 $0x3800, s14  }
0x185: {  	[tilespmem:s19], [sflag:$0x1] =	stream.indirect_vreg.gather [hbm4b:s3+s1], $0x1, v57, vm0, $0xb8;
	[tilespmem:$0x8600] =	vst v63  }
0x186: {  	v59 =	vadd.s32 $0x19C0380, v1;
	s20 =	sadd.s32 $0x7800, s14  }
0x187: {  	[tilespmem:s20], [sflag:$0x1] =	stream.indirect_vreg.gather [hbm4b:s4+s1], $0x1, v3, vm0, $0xb8;
	[tilespmem:$0x8600] =	vst v63  }
0x188: {  	s21 =	sadd.s32 $0x3A00, s14;
	v3 =	vadd.s32 $0x1AB4600, v2  }
0x189: {  	[tilespmem:s21], [sflag:$0x1] =	stream.indirect_vreg.gather [hbm4b:s3+s1], $0x1, v58, vm0, $0xb8;
	[tilespmem:$0x8600] =	vst v63  }
0x18a: {  	v60 =	vadd.s32 $0x1AB4600, v1;
	s22 =	sadd.s32 $0x7A00, s14  }
0x18b: {  	[tilespmem:s22], [sflag:$0x1] =	stream.indirect_vreg.gather [hbm4b:s4+s1], $0x1, v59, vm0, $0xb8;
	[tilespmem:$0x8600] =	vst v63  }
0x18c: {  	v61 =	vadd.s32 $0x1BA8880, v2;
	s23 =	sadd.s32 $0x3C00, s14  }
0x18d: {  	[tilespmem:s23], [sflag:$0x1] =	stream.indirect_vreg.gather [hbm4b:s3+s1], $0x1, v3, vm0, $0xb8;
	[tilespmem:$0x8600] =	vst v63  }
0x18e: {  	s24 =	sadd.s32 $0x7C00, s14;
	v3 =	vadd.s32 $0x1BA8880, v1  }
0x18f: {  	[tilespmem:s24], [sflag:$0x1] =	stream.indirect_vreg.gather [hbm4b:s4+s1], $0x1, v60, vm0, $0xb8;
	[tilespmem:$0x8600] =	vst v63  }
0x190: {  	v62 =	vadd.s32 $0x1C9CB00, v2;
	s25 =	sadd.s32 $0x3E00, s14  }
0x191: {  	[tilespmem:s25], [sflag:$0x1] =	stream.indirect_vreg.gather [hbm4b:s3+s1], $0x1, v61, vm0, $0xb8;
	[tilespmem:$0x8600] =	vst v63  }
0x192: {  	v63 =	vadd.s32 $0x1C9CB00, v1;
	s26 =	sadd.s32 $0x7E00, s14  }
0x193: {  	[tilespmem:s26], [sflag:$0x1] =	stream.indirect_vreg.gather [hbm4b:s4+s1], $0x1, v3, vm0, $0xb8;
	[tilespmem:$0x8600] =	vst v63  }
0x194: {  	s28 =	sadd.s32 $0x4000, s14;
	v2 =	vadd.s32 $0x1D90D80, v2  }
0x195: {  	[tilespmem:s28], [sflag:$0x1] =	stream.indirect_vreg.gather [hbm4b:s3+s1], $0x1, v62, vm0, $0xb8;
	[tilespmem:$0x8600] =	vst v63  }
0x196: {  	s29 =	sadd.s32 $0x8000, s14;
	v1 =	vadd.s32 $0x1D90D80, v1  }
0x197: {  	[tilespmem:s29], [sflag:$0x1] =	stream.indirect_vreg.gather [hbm4b:s4+s1], $0x1, v63, vm0, $0xb8;
	[tilespmem:$0x8600] =	vst v63  }
0x198: {  	s30 =	sadd.s32 $0x4200, s14  }
0x199: {  	[tilespmem:s30], [sflag:$0x1] =	stream.indirect_vreg.gather [hbm4b:s3+s1], $0x1, v2, vm0, $0xb8;
	[tilespmem:$0x8600] =	vst v63  }
0x19a: {  	s31 =	sadd.s32 $0x8200, s14  }
0x19b: {  	[tilespmem:s31], [sflag:$0x1] =	stream.indirect_vreg.gather [hbm4b:s4+s1], $0x1, v1, vm0, $0xb8;
	[tilespmem:$0x8600] =	vst v63  }
0x19c: {  	_ =	swait.ge [sflag:s11], $0x200  }
0x19d: {  	[sflag:s11] =	ssyncset.done $0x0  }
0x19e: {  	[sflag:s11] =	ssyncadd.s32 $0xFFFFFE00  }
0x19f: {  	_ =	swait.ge [sflag:s11], $0x200  }
0x1a0: {  	s14 =	simm.s32 $0x1F;
	[sflag:s11] =	ssyncset.done $0x0  }
.LBB2_4:
0x1a1: {  	p0 =	sne.s32 s14, $0x1;
	s14 =	sadd.s32 $0xFFFFFFFF, s14;
	[sflag:s11] =	ssyncadd.s32 $0xFFFFFE00  }
.Ltmp1:
0x1a2: {  	_ =	swait.ge [sflag:s11], $0x200;
	(pc) =	sbr.rel @p0 .LBB2_4-.Ltmp1, $4  }
0x1a3: {  	[sflag:s11] =	ssyncset.done $0x0  }
0x1a4: {  	[sflag:s11] =	ssyncadd.s32 $0xFFFFFE00  }
0x1a5: {  	_ =	swait.ge [sflag:s11], $0x200  }
0x1a6: {  	[sflag:s11] =	ssyncset.done $0x0  }
0x1a7: {  	[sflag:s11] =	ssyncadd.s32 $0xFFFFFE00;
	s15 =	simm.s32 $0x6400  }
0x1a8: {  	s16 =	simm.s32 $0x2400;
	v1 =	vld [tilespmem:s15+$0xFFFFE000]  }
0x1a9: {  	s14 =	simm.s32 $0x0;
	s17 =	simm.s32 $0x10;
	v2 =	vld [tilespmem:s16+$0xFFFFE000]  }
.LBB2_6:
0x1aa: {  	p0 =	sne.s32 s17, $0x1F0;
	v3 =	vld [tilespmem:s15+$0xFFFFE200]  }
0x1ab: {  	v4 =	vld [tilespmem:s16+$0xFFFFE200]  }
0x1ac: {  	v5 =	vld [tilespmem:s15+$0xFFFFE400]  }
0x1ad: {  	v6 =	vld [tilespmem:s16+$0xFFFFE400]  }
0x1ae: {  	v1 =	vmul.f32 v1, v2;
	v2 =	vld [tilespmem:s15+$0xFFFFE600]  }
0x1af: {  	v7 =	vld [tilespmem:s16+$0xFFFFE600]  }
0x1b0: {  	v1 =	vadd.f32 $0.0e+00, v1;
	v3 =	vmul.f32 v3, v4;
	v4 =	vld [tilespmem:s15+$0xFFFFE800]  }
0x1b1: {  	v8 =	vld [tilespmem:s16+$0xFFFFE800]  }
0x1b2: {  	v1 =	vadd.f32 v3, v1;
	v3 =	vmul.f32 v5, v6;
	v5 =	vld [tilespmem:s15+$0xFFFFEA00]  }
0x1b3: {  	v6 =	vld [tilespmem:s16+$0xFFFFEA00]  }
0x1b4: {  	v1 =	vadd.f32 v3, v1;
	v2 =	vmul.f32 v2, v7;
	v3 =	vld [tilespmem:s15+$0xFFFFEC00]  }
0x1b5: {  	v7 =	vld [tilespmem:s16+$0xFFFFEC00]  }
0x1b6: {  	v1 =	vadd.f32 v2, v1;
	v2 =	vmul.f32 v4, v8;
	v4 =	vld [tilespmem:s15+$0xFFFFEE00]  }
0x1b7: {  	v8 =	vld [tilespmem:s16+$0xFFFFEE00]  }
0x1b8: {  	v1 =	vadd.f32 v2, v1;
	v2 =	vmul.f32 v5, v6;
	v5 =	vld [tilespmem:s15+$0xFFFFF000]  }
0x1b9: {  	v6 =	vld [tilespmem:s16+$0xFFFFF000]  }
0x1ba: {  	v1 =	vadd.f32 v2, v1;
	v2 =	vmul.f32 v3, v7;
	v3 =	vld [tilespmem:s15+$0xFFFFF200]  }
0x1bb: {  	v7 =	vld [tilespmem:s16+$0xFFFFF200]  }
0x1bc: {  	v1 =	vadd.f32 v2, v1;
	v2 =	vmul.f32 v4, v8;
	v4 =	vld [tilespmem:s15+$0xFFFFF400]  }
0x1bd: {  	v8 =	vld [tilespmem:s16+$0xFFFFF400]  }
0x1be: {  	v1 =	vadd.f32 v2, v1;
	v2 =	vmul.f32 v5, v6;
	v5 =	vld [tilespmem:s15+$0xFFFFF600]  }
0x1bf: {  	v6 =	vld [tilespmem:s16+$0xFFFFF600]  }
0x1c0: {  	v1 =	vadd.f32 v2, v1;
	v2 =	vmul.f32 v3, v7;
	v3 =	vld [tilespmem:s15+$0xFFFFF800]  }
0x1c1: {  	v7 =	vld [tilespmem:s16+$0xFFFFF800]  }
0x1c2: {  	v1 =	vadd.f32 v2, v1;
	v2 =	vmul.f32 v4, v8;
	v4 =	vld [tilespmem:s15+$0xFFFFFA00]  }
0x1c3: {  	v8 =	vld [tilespmem:s16+$0xFFFFFA00]  }
0x1c4: {  	v1 =	vadd.f32 v2, v1;
	v2 =	vmul.f32 v5, v6;
	v5 =	vld [tilespmem:s15+$0xFFFFFC00]  }
0x1c5: {  	v6 =	vld [tilespmem:s16+$0xFFFFFC00]  }
0x1c6: {  	v1 =	vadd.f32 v2, v1;
	v2 =	vmul.f32 v3, v7;
	v3 =	vld [tilespmem:s15+$0xFFFFFE00]  }
0x1c7: {  	v7 =	vld [tilespmem:s16+$0xFFFFFE00]  }
0x1c8: {  	v1 =	vadd.f32 v2, v1;
	v2 =	vmul.f32 v4, v8;
	v4 =	vld [tilespmem:s15+$0x0]  }
0x1c9: {  	v8 =	vld [tilespmem:s16+$0x0]  }
0x1ca: {  	v1 =	vadd.f32 v2, v1;
	v2 =	vmul.f32 v5, v6;
	v5 =	vld [tilespmem:s15+$0x200]  }
0x1cb: {  	v6 =	vld [tilespmem:s16+$0x200]  }
0x1cc: {  	v1 =	vadd.f32 v2, v1;
	v2 =	vmul.f32 v3, v7;
	v3 =	vld [tilespmem:s15+$0x400]  }
0x1cd: {  	v7 =	vld [tilespmem:s16+$0x400]  }
0x1ce: {  	v1 =	vadd.f32 v2, v1;
	v2 =	vmul.f32 v4, v8;
	v4 =	vld [tilespmem:s15+$0x600]  }
0x1cf: {  	v8 =	vld [tilespmem:s16+$0x600]  }
0x1d0: {  	v1 =	vadd.f32 v2, v1;
	v2 =	vmul.f32 v5, v6;
	v5 =	vld [tilespmem:s15+$0x800]  }
0x1d1: {  	v6 =	vld [tilespmem:s16+$0x800]  }
0x1d2: {  	v1 =	vadd.f32 v2, v1;
	v2 =	vmul.f32 v3, v7;
	v3 =	vld [tilespmem:s15+$0xA00]  }
0x1d3: {  	v7 =	vld [tilespmem:s16+$0xA00]  }
0x1d4: {  	v1 =	vadd.f32 v2, v1;
	v2 =	vmul.f32 v4, v8;
	v4 =	vld [tilespmem:s15+$0xC00]  }
0x1d5: {  	v8 =	vld [tilespmem:s16+$0xC00]  }
0x1d6: {  	v1 =	vadd.f32 v2, v1;
	v2 =	vmul.f32 v5, v6;
	v5 =	vld [tilespmem:s15+$0xE00]  }
0x1d7: {  	v6 =	vld [tilespmem:s16+$0xE00]  }
0x1d8: {  	v1 =	vadd.f32 v2, v1;
	v2 =	vmul.f32 v3, v7;
	v3 =	vld [tilespmem:s15+$0x1000]  }
0x1d9: {  	v7 =	vld [tilespmem:s16+$0x1000]  }
0x1da: {  	v1 =	vadd.f32 v2, v1;
	v2 =	vmul.f32 v4, v8;
	v4 =	vld [tilespmem:s15+$0x1200]  }
0x1db: {  	v8 =	vld [tilespmem:s16+$0x1200]  }
0x1dc: {  	v1 =	vadd.f32 v2, v1;
	v2 =	vmul.f32 v5, v6;
	v5 =	vld [tilespmem:s15+$0x1400]  }
0x1dd: {  	v6 =	vld [tilespmem:s16+$0x1400]  }
0x1de: {  	v1 =	vadd.f32 v2, v1;
	v2 =	vmul.f32 v3, v7;
	v3 =	vld [tilespmem:s15+$0x1600]  }
0x1df: {  	v7 =	vld [tilespmem:s16+$0x1600]  }
0x1e0: {  	v1 =	vadd.f32 v2, v1;
	v2 =	vmul.f32 v4, v8;
	v4 =	vld [tilespmem:s15+$0x1800]  }
0x1e1: {  	v8 =	vld [tilespmem:s16+$0x1800]  }
0x1e2: {  	v1 =	vadd.f32 v2, v1;
	v2 =	vmul.f32 v5, v6;
	v5 =	vld [tilespmem:s15+$0x1A00]  }
0x1e3: {  	v6 =	vld [tilespmem:s16+$0x1A00]  }
0x1e4: {  	v1 =	vadd.f32 v2, v1;
	v2 =	vmul.f32 v3, v7;
	v3 =	vld [tilespmem:s15+$0x1C00]  }
0x1e5: {  	v7 =	vld [tilespmem:s16+$0x1C00]  }
0x1e6: {  	v1 =	vadd.f32 v2, v1;
	v2 =	vmul.f32 v4, v8;
	v4 =	vld [tilespmem:s15+$0x1E00]  }
0x1e7: {  	v8 =	vld [tilespmem:s16+$0x1E00]  }
0x1e8: {  	v1 =	vadd.f32 v2, v1;
	v2 =	vmul.f32 v5, v6;
	_ =	sdelay $0x1  }
0x1e9: {  	v1 =	vadd.f32 v2, v1;
	v2 =	vmul.f32 v3, v7;
	_ =	sdelay $0x1  }
0x1ea: {  	v1 =	vadd.f32 v2, v1;
	v2 =	vmul.f32 v4, v8;
	_ =	sdelay $0x1  }
0x1eb: {  	v1 =	vadd.f32 v2, v1;
	_ =	sdelay $0x1  }
0x1ec: {  	v2 =	vand.u32 $0x7FFFFFFF, v1  }
0x1ed: {  	v2 =	vsub.f32 $0.0e+00, v2;
	_ =	sdelay $0x1  }
0x1ee: {  	v2 =	vmul.f32 $1.442695020e+00, v2;
	_ =	sdelay $0x1  }
0x1ef: {  	(erf) = vpow2.f32 v2;
	_ =	sdelay $0x8  }
0x1f0: {  	v2 =	vpop (erf)  }
0x1f1: {  	v3 =	vadd.f32 $1.000000000e+00, v2;
	_ =	sdelay $0x1  }
0x1f2: {  	(erf) = vrcp.f32 v3;
	_ =	sdelay $0x6  }
0x1f3: {  	v3 =	vor.u32 s14, v0;
	s14 =	smov.u32 s17  }
0x1f4: {  	vm1 =	vge.f32 v1, $0.0e+00  }
0x1f5: {  	v1 =	vsel vm1, $0x3F800000, v2;
	v2 =	vpop (erf)  }
.Ltmp2:
0x1f6: {  	v1 =	vmul.f32 v2, v1;
	(pc) =	sbr.rel @p0 .LBB2_6-.Ltmp2, $4  }
0x1f7: {  	_ = 	snop  }
0x1f8: {  	s15 =	sadd.s32 $0x10, s15;
	[tilespmem:v3+s12+$0x0] =	vst.idx.msk $0xffff, v1  }
0x1f9: {  	s16 =	sadd.s32 $0x10, s16;
	v1 =	vld [tilespmem:s15+$0xFFFFE000]  }
0x1fa: {  	s17 =	sadd.s32 $0x10, s17;
	v2 =	vld [tilespmem:s16+$0xFFFFE000]  }
0x1fb: {  	v3 =	vld [tilespmem:s15+$0xFFFFE200]  }
0x1fc: {  	v4 =	vld [tilespmem:s16+$0xFFFFE200]  }
0x1fd: {  	v5 =	vld [tilespmem:s15+$0xFFFFE400]  }
0x1fe: {  	v6 =	vld [tilespmem:s16+$0xFFFFE400]  }
0x1ff: {  	v7 =	vld [tilespmem:s16+$0xFFFFE600];
	v1 =	vmul.f32 v1, v2  }
0x200: {  	v2 =	vld [tilespmem:s15+$0xFFFFE600]  }
0x201: {  	v18 =	vld [tilespmem:s15+$0xFFFFE800];
	v3 =	vmul.f32 v3, v4;
	v1 =	vadd.f32 $0.0e+00, v1  }
0x202: {  	v8 =	vld [tilespmem:s16+$0xFFFFE800]  }
0x203: {  	v19 =	vld [tilespmem:s15+$0xFFFFEA00];
	v1 =	vadd.f32 v3, v1;
	v3 =	vmul.f32 v5, v6  }
0x204: {  	v20 =	vld [tilespmem:s16+$0xFFFFEA00]  }
0x205: {  	v21 =	vld [tilespmem:s16+$0xFFFFEC00];
	v2 =	vmul.f32 v2, v7;
	v1 =	vadd.f32 v3, v1  }
0x206: {  	v3 =	vld [tilespmem:s15+$0xFFFFEC00]  }
0x207: {  	v22 =	vld [tilespmem:s15+$0xFFFFEE00];
	v1 =	vadd.f32 v2, v1;
	v2 =	vmul.f32 v18, v8  }
0x208: {  	v23 =	vld [tilespmem:s16+$0xFFFFEE00]  }
0x209: {  	v24 =	vld [tilespmem:s15+$0xFFFFF000];
	v1 =	vadd.f32 v2, v1;
	v2 =	vmul.f32 v19, v20  }
0x20a: {  	v25 =	vld [tilespmem:s16+$0xFFFFF000]  }
0x20b: {  	v26 =	vld [tilespmem:s16+$0xFFFFF200];
	v1 =	vadd.f32 v2, v1;
	v2 =	vmul.f32 v3, v21  }
0x20c: {  	v3 =	vld [tilespmem:s15+$0xFFFFF200]  }
0x20d: {  	v27 =	vld [tilespmem:s15+$0xFFFFF400];
	v1 =	vadd.f32 v2, v1;
	v2 =	vmul.f32 v22, v23  }
0x20e: {  	v28 =	vld [tilespmem:s16+$0xFFFFF400]  }
0x20f: {  	v29 =	vld [tilespmem:s15+$0xFFFFF600];
	v1 =	vadd.f32 v2, v1;
	v2 =	vmul.f32 v24, v25  }
0x210: {  	v30 =	vld [tilespmem:s16+$0xFFFFF600]  }
0x211: {  	v31 =	vld [tilespmem:s16+$0xFFFFF800];
	v1 =	vadd.f32 v2, v1;
	v2 =	vmul.f32 v3, v26  }
0x212: {  	v3 =	vld [tilespmem:s15+$0xFFFFF800]  }
0x213: {  	v32 =	vld [tilespmem:s15+$0xFFFFFA00];
	v1 =	vadd.f32 v2, v1;
	v2 =	vmul.f32 v27, v28  }
0x214: {  	v33 =	vld [tilespmem:s16+$0xFFFFFA00]  }
0x215: {  	v34 =	vld [tilespmem:s15+$0xFFFFFC00];
	v1 =	vadd.f32 v2, v1;
	v2 =	vmul.f32 v29, v30  }
0x216: {  	v35 =	vld [tilespmem:s16+$0xFFFFFC00]  }
0x217: {  	v36 =	vld [tilespmem:s16+$0xFFFFFE00];
	v1 =	vadd.f32 v2, v1;
	v2 =	vmul.f32 v3, v31  }
0x218: {  	v3 =	vld [tilespmem:s15+$0xFFFFFE00]  }
0x219: {  	v37 =	vld [tilespmem:s15+$0x0];
	v1 =	vadd.f32 v2, v1;
	v2 =	vmul.f32 v32, v33  }
0x21a: {  	v38 =	vld [tilespmem:s16+$0x0]  }
0x21b: {  	v39 =	vld [tilespmem:s15+$0x200];
	v1 =	vadd.f32 v2, v1;
	v2 =	vmul.f32 v34, v35  }
0x21c: {  	v40 =	vld [tilespmem:s16+$0x200]  }
0x21d: {  	v41 =	vld [tilespmem:s16+$0x400];
	v1 =	vadd.f32 v2, v1;
	v2 =	vmul.f32 v3, v36  }
0x21e: {  	v3 =	vld [tilespmem:s15+$0x400]  }
0x21f: {  	v42 =	vld [tilespmem:s15+$0x600];
	v1 =	vadd.f32 v2, v1;
	v2 =	vmul.f32 v37, v38  }
0x220: {  	v43 =	vld [tilespmem:s16+$0x600]  }
0x221: {  	v44 =	vld [tilespmem:s15+$0x800];
	v1 =	vadd.f32 v2, v1;
	v2 =	vmul.f32 v39, v40  }
0x222: {  	v45 =	vld [tilespmem:s16+$0x800]  }
0x223: {  	v46 =	vld [tilespmem:s16+$0xA00];
	v1 =	vadd.f32 v2, v1;
	v2 =	vmul.f32 v3, v41  }
0x224: {  	v3 =	vld [tilespmem:s15+$0xA00]  }
0x225: {  	v47 =	vld [tilespmem:s15+$0xC00];
	v1 =	vadd.f32 v2, v1;
	v2 =	vmul.f32 v42, v43  }
0x226: {  	v48 =	vld [tilespmem:s16+$0xC00]  }
0x227: {  	v49 =	vld [tilespmem:s15+$0xE00];
	v1 =	vadd.f32 v2, v1;
	v2 =	vmul.f32 v44, v45  }
0x228: {  	v50 =	vld [tilespmem:s16+$0xE00]  }
0x229: {  	v51 =	vld [tilespmem:s16+$0x1000];
	v1 =	vadd.f32 v2, v1;
	v2 =	vmul.f32 v3, v46  }
0x22a: {  	v3 =	vld [tilespmem:s15+$0x1000]  }
0x22b: {  	v52 =	vld [tilespmem:s15+$0x1200];
	v1 =	vadd.f32 v2, v1;
	v2 =	vmul.f32 v47, v48  }
0x22c: {  	v53 =	vld [tilespmem:s16+$0x1200]  }
0x22d: {  	v54 =	vld [tilespmem:s15+$0x1400];
	v1 =	vadd.f32 v2, v1;
	v2 =	vmul.f32 v49, v50  }
0x22e: {  	v55 =	vld [tilespmem:s16+$0x1400]  }
0x22f: {  	v56 =	vld [tilespmem:s16+$0x1600];
	v1 =	vadd.f32 v2, v1;
	v2 =	vmul.f32 v3, v51  }
0x230: {  	v3 =	vld [tilespmem:s15+$0x1600]  }
0x231: {  	v57 =	vld [tilespmem:s15+$0x1800];
	v1 =	vadd.f32 v2, v1;
	v2 =	vmul.f32 v52, v53  }
0x232: {  	v58 =	vld [tilespmem:s16+$0x1800]  }
0x233: {  	v59 =	vld [tilespmem:s15+$0x1A00];
	v1 =	vadd.f32 v2, v1;
	v2 =	vmul.f32 v54, v55  }
0x234: {  	v60 =	vld [tilespmem:s16+$0x1A00]  }
0x235: {  	v61 =	vld [tilespmem:s16+$0x1C00];
	v1 =	vadd.f32 v2, v1;
	v2 =	vmul.f32 v3, v56  }
0x236: {  	v3 =	vld [tilespmem:s15+$0x1C00]  }
0x237: {  	v62 =	vld [tilespmem:s15+$0x1E00];
	v1 =	vadd.f32 v2, v1;
	v2 =	vmul.f32 v57, v58  }
0x238: {  	v63 =	vld [tilespmem:s16+$0x1E00]  }
0x239: {  	v1 =	vadd.f32 v2, v1;
	v2 =	vmul.f32 v59, v60;
	_ =	sdelay $0x1  }
0x23a: {  	v1 =	vadd.f32 v2, v1;
	v2 =	vmul.f32 v3, v61;
	_ =	sdelay $0x1  }
0x23b: {  	v1 =	vadd.f32 v2, v1;
	v2 =	vmul.f32 v62, v63;
	_ =	sdelay $0x1  }
0x23c: {  	v1 =	vadd.f32 v2, v1;
	_ =	sdelay $0x1  }
0x23d: {  	v2 =	vand.u32 $0x7FFFFFFF, v1  }
0x23e: {  	v2 =	vsub.f32 $0.0e+00, v2;
	_ =	sdelay $0x1  }
0x23f: {  	v2 =	vmul.f32 $1.442695020e+00, v2;
	_ =	sdelay $0x1  }
0x240: {  	(erf) = vpow2.f32 v2;
	_ =	sdelay $0x8  }
0x241: {  	v2 =	vpop (erf)  }
0x242: {  	v3 =	vadd.f32 $1.000000000e+00, v2;
	_ =	sdelay $0x1  }
0x243: {  	(erf) = vrcp.f32 v3;
	_ =	sdelay $0x6  }
0x244: {  	v3 =	vor.u32 s14, v0  }
0x245: {  	vm1 =	vge.f32 v1, $0.0e+00  }
0x246: {  	v1 =	vsel vm1, $0x3F800000, v2;
	v2 =	vpop (erf)  }
0x247: {  	s13 =	sadd.s32 $0x1, s13;
	v1 =	vmul.f32 v2, v1  }
0x248: {  	p0 =	sne.s32 s13, s8  }
.Ltmp3:
0x249: {  	[tilespmem:v3+s12+$0x0] =	vst.idx.msk $0xffff, v1;
	(pc) =	sbr.rel @p0 .LBB2_1-.Ltmp3, $4  }
0x24a: {  	[hbm4b:s7+s1] =	stream.linear.scatter [tilespmem:s12], [sflag:$0x2], $0x200, $0x38;
	[tilespmem:$0x8600] =	vst v63  }
0x24b: {  	_ =	swait.ge [sflag:s9], $0x200  }
0x24c: {  	[sflag:s9] =	ssyncset.done $0x0  }
0x24d: {  	[sflag:s9] =	ssyncadd.s32 $0xFFFFFE00  }
0x24e: {  	_ =	sfence.sel $0x180000  }
0x24f: {  	[bflag:$0x0] =	sbarrier.arrive $0xFFFF  }
0x250: {  	p0 =	sne.s32 s2, $0x0;
	_ =	strace $0x9000004A  }
0x251: {  	s0 =	sadd.s32 @!p0 $0x100000, s0;
	[bflag:$0x2] =	sbarrier.arrive $0xFFFF  }
0x252: {  	[sflag:s0] =	ssyncadd.tile.s32 @!p0 $0x1;
	_ =	shalt  }
.Lfunc_end2:
_tile_overlayer_lowered:
.L_overlay_start_2:
0x253: {  	(tag) =	ssettag $0x2  }
0x254: {  	s0 =	rddreg [dreg:$0x0];
	s2 =	stileid.u32  }
0x255: {  	s1 =	rddreg [dreg:$0x1];
	p0 =	sne.s32 s2, $0x0  }
0x256: {  	s3 =	rddreg [dreg:$0x2];
	[bflag:$0x3] =	sbarrier.arrive $0xFFFF;
	s2 =	simm.s32 @!p0 $0x1C02  }
0x257: {  	[timem:s3], [sflag:s2] =	dma.local @!p0 [hbm:s0], s1  }
0x258: {  	s0 =	simm.s32 @!p0 $0x2  }
0x259: {  	_ =	swait.ge @!p0 [sflag:s0], s1  }
0x25a: {  	s1 =	ssub.s32 @!p0 $0x0, s1;
	[sflag:s0] =	ssyncset.done @!p0 $0x0  }
0x25b: {  	[sflag:s0] =	ssyncadd.s32 @!p0 s1  }
0x25c: {  	[bflag:$0x3] =	sbarrier.arrive $0xFFFF  }
0x25d: {  	_ =	shalt  }

</sc_bundles>
